<compile_context>
chip_gen: v7x
topology: tpu7x:2x2x1
jax: 0.10.2.dev20260603
libtpu: 0.0.44.dev20260713+nightly
codegen_flags: <defaults>
</compile_context>

<pallas_src>
import functools

import jax
import jax.numpy as jnp
from jax import lax
from jax.experimental import pallas as pl
from jax.experimental.pallas import tpu as pltpu
from jax.experimental.pallas import tpu_sc as plsc

_B = 256
_NL = 12
_KD = 768
_NT = 10
_NP = 8
_ED = 768
_NK = 100
_ROWS = _NL * _B
_NC = 2
_NS = 16
_NW = _NC * _NS
_RPW = _ROWS // _NW
_CH = 8
_NPAIR = _RPW // (2 * _CH)


def _match_body(q_ref, keys_ref, out_ref):
    q = q_ref[0]
    keys = keys_ref[...]
    knorm = jax.lax.dot_general(
        jnp.ones((1, _KD), jnp.float32), keys * keys,
        (((1,), (1,)), ((), ())), preferred_element_type=jnp.float32)
    cross = jax.lax.dot_general(
        q, keys, (((1,), (1,)), ((), ())),
        preferred_element_type=jnp.float32)
    scores = knorm - 2.0 * cross
    colidx = jax.lax.broadcasted_iota(jnp.int32, (_B, _NK), 1)
    mval = jnp.min(scores, axis=1, keepdims=True)
    idx = jnp.min(jnp.where(scores == mval, colidx, _NK), axis=1, keepdims=True)
    out_ref[...] = idx // _NK + _NT * pl.program_id(0)


def _match_rows(xq, task_keys):
    return pl.pallas_call(
        _match_body,
        grid=(_NL,),
        in_specs=[
            pl.BlockSpec((1, _B, _KD), lambda l: (l, 0, 0)),
            pl.BlockSpec((_NK, _KD), lambda l: (0, 0)),
        ],
        out_specs=pl.BlockSpec((_B, 1), lambda l: (l, 0)),
        out_shape=jax.ShapeDtypeStruct((_ROWS, 1), jnp.int32),
    )(xq, task_keys)


def _sc_gather(table, rows):
    mesh = plsc.VectorSubcoreMesh(core_axis_name="c", subcore_axis_name="s")

    @functools.partial(
        pl.kernel, mesh=mesh,
        out_type=jax.ShapeDtypeStruct((_NL, _B, _NP, _ED), jnp.float32),
        scratch_types=[
            pltpu.VMEM((_RPW,), jnp.int32),
            pltpu.VMEM((_CH, _NP, _ED), jnp.float32),
            pltpu.VMEM((_CH, _NP, _ED), jnp.float32),
            pltpu.SemaphoreType.DMA,
            pltpu.SemaphoreType.DMA,
        ],
    )
    def gather(table_hbm, idx_hbm, out_hbm, idx_v, hot_v, gen_v, sg, sw):
        wid = lax.axis_index("s") * _NC + lax.axis_index("c")
        base = wid * _RPW
        pltpu.sync_copy(idx_hbm.at[pl.ds(base, _RPW)], idx_v)

        def dst(c):
            r = base + c * _CH
            return out_hbm.at[r // _B, pl.ds(r % _B, _CH)]

        prev = jnp.int32(-1)
        for j in range(_NPAIR):
            vec = idx_v[pl.ds(j * 2 * _CH, 16)]
            s0 = vec[0]
            allsame = vec[1] == s0
            for i in range(2, 16):
                allsame = allsame & (vec[i] == s0)
            fresh = allsame & (s0 != prev)
            prev = jnp.where(fresh, s0, prev)

            @pl.when(fresh)
            def _():
                pltpu.async_copy(
                    table_hbm.at[idx_v.at[pl.ds(j * 2 * _CH, _CH)]],
                    hot_v, sg).wait()

            @pl.when(allsame)
            def _():
                d1 = pltpu.async_copy(hot_v, dst(2 * j), sw)
                d2 = pltpu.async_copy(hot_v, dst(2 * j + 1), sw)
                d1.wait()
                d2.wait()

            @pl.when(jnp.logical_not(allsame))
            def _():
                for c in (2 * j, 2 * j + 1):
                    pltpu.async_copy(
                        table_hbm.at[idx_v.at[pl.ds(c * _CH, _CH)]],
                        gen_v, sg).wait()
                    pltpu.async_copy(gen_v, dst(c), sw).wait()

    return gather(table, rows)


def kernel(x_query, vis_mark, P, task_keys):
    del vis_mark
    xq = jnp.transpose(x_query, (1, 0, 2))
    rows = _match_rows(xq, task_keys).reshape(_ROWS)
    table = P.reshape(_NL * _NT, _NP, _ED)
    out = _sc_gather(table, rows)
    return (out, jnp.float32(0.0))

# --- scband reference (transcript-rebuilt; emitter-appended) ---
"""Pipeline reference for scband-sprompts-84095459655779 (READ-ONLY COPY).

The authoritative reference and input builder live on the scoring server;
editing this copy changes nothing except your own understanding.
"""

import jax, jax.numpy as jnp
import numpy as np

B = 256
N_LAYERS = 12
KEY_D = 768
EMB_D = 768
N_TASKS = 10
N_KEYS = 100
N_PROMPTS = 8
TASK_COUNT = 0  # default task_count in the torch module


def setup_inputs(seed: int = 0) -> dict:
    key = jax.random.key(seed)
    k1, k2, k3 = jax.random.split(key, 3)
    x_query = jax.random.normal(k1, (B, N_LAYERS, KEY_D), dtype=jnp.float32)
    vis_mark = jnp.zeros((B,), dtype=jnp.int32)  # unused by forward, kept for signature fidelity
    # learned prompts: one [n_tasks, num_prompts, emb_d] table per layer, uniform init like torch
    P = jax.random.uniform(k2, (N_LAYERS, N_TASKS, N_PROMPTS, EMB_D), dtype=jnp.float32)
    # task_keys_temp loaded from keys_path; written into row task_count of every layer's key buffer
    task_keys = jax.random.normal(k3, (N_KEYS, KEY_D), dtype=jnp.float32)
    return {"x_query": x_query, "vis_mark": vis_mark, "P": P, "task_keys": task_keys}


def reference(x_query, vis_mark, P, task_keys):
    Bn, nL, C = x_query.shape
    # buffer e_k_l has rows 0..task_count filled with task_keys_temp (task_count=0),
    # and forward slices k[:task_count+1] -> shape [1, n_keys, key_d], identical per layer
    keys = task_keys[None, :, :]
    p_loss = jnp.float32(0.0)
    lp = []
    for l in range(nL):
        q = x_query[:, l]  # [B, key_d]
        dists = ((q[:, None, None, :] - keys[None, :, :, :]) ** 2).sum(-1)  # [B, T, n_keys]
        dists_fl = dists.reshape(Bn, -1)
        min_dists_idx = jnp.argmin(dists_fl, axis=1)
        match_tasks = min_dists_idx // N_KEYS
        P_ = P[l][match_tasks]  # gather: [B, num_prompts, emb_d]
        lp.append(P_)
    return (jnp.stack(lp, axis=0), p_loss)

if __name__ == "__main__":
    import jax
    _d = setup_inputs()
    print(jax.jit(kernel)(*tuple(_d.values())))

</pallas_src>

<mosaic_0001>
#map = affine_map<(d0, d1) -> (0, 0, 0)>
#map1 = affine_map<(d0, d1) -> (0)>
#map2 = affine_map<(d0, d1) -> (0, 0, 0, 0)>
module attributes {stable_mosaic.version = 14 : i64} {
  func.func @gather(%arg0: i32, %arg1: i32, %arg2: memref<120x8x768xf32, #tpu.memory_space<hbm>>, %arg3: memref<3072xi32, #tpu.memory_space<hbm>>, %arg4: memref<12x256x8x768xf32, #tpu.memory_space<hbm>>, %arg5: memref<96xi32, #tpu.memory_space<vmem>>, %arg6: memref<8x8x768xf32, #tpu.memory_space<vmem>>, %arg7: memref<8x8x768xf32, #tpu.memory_space<vmem>>, %arg8: memref<!tpu.dma_semaphore, #tpu.memory_space<semaphore_mem>>, %arg9: memref<!tpu.dma_semaphore, #tpu.memory_space<semaphore_mem>>) attributes {dimension_semantics = [#tpu.dimension_semantics<core_parallel>, #tpu.dimension_semantics<subcore_parallel>], iteration_bounds = array<i64: 2, 16>, scalar_prefetch = 0 : i64, scratch_operands = 5 : i64, tpu.core_type = #tpu.core_type<sc_vector_subcore>, window_params = [{transform_indices = #map}, {transform_indices = #map1}, {transform_indices = #map2}]} {
    %mul3A = arith.constant 2 : i32
    %mul3A_0 = arith.muli %arg1, %mul3A : i32
    %add3A = arith.addi %mul3A_0, %arg0 : i32
    %mul3A_1 = arith.constant 96 : i32
    %mul3A_2 = arith.muli %add3A, %mul3A_1 : i32
    "tpu.region"() ({
      %run_scoped3A = tpu.sem_alloc : memref<!tpu.dma_semaphore, #tpu.memory_space<semaphore_mem>>
      %dma_start3A = tpu.memref_slice %arg3[%mul3A_2] : memref<3072xi32, #tpu.memory_space<hbm>> -> memref<96xi32, #tpu.memory_space<hbm>>
      %dma_start3A_462 = tpu.memref_slice %arg3[%mul3A_2] : memref<3072xi32, #tpu.memory_space<hbm>> -> memref<96xi32, #tpu.memory_space<hbm>>
      tpu.enqueue_dma source(%dma_start3A_462 : memref<96xi32, #tpu.memory_space<hbm>>) target(%arg5 : memref<96xi32, #tpu.memory_space<vmem>>) target_semaphore(%run_scoped3A : memref<!tpu.dma_semaphore, #tpu.memory_space<semaphore_mem>>)
      %dma_wait3A = tpu.memref_slice %arg3[%mul3A_2] : memref<3072xi32, #tpu.memory_space<hbm>> -> memref<96xi32, #tpu.memory_space<hbm>>
      %dma_wait3A_463 = tpu.memref_slice %arg3[%mul3A_2] : memref<3072xi32, #tpu.memory_space<hbm>> -> memref<96xi32, #tpu.memory_space<hbm>>
      tpu.wait_dma2 semaphore(%run_scoped3A : memref<!tpu.dma_semaphore, #tpu.memory_space<semaphore_mem>>) src(%dma_wait3A_463 : memref<96xi32, #tpu.memory_space<hbm>>) dst(%arg5 : memref<96xi32, #tpu.memory_space<vmem>>)
      tpu.yield
    }) : () -> ()
    %get3A = arith.constant 0 : index
    %get3A_3 = tpu.vector_load %arg5[%get3A] {strides = array<i32>} : memref<96xi32, #tpu.memory_space<vmem>>, vector<16xi32>,
    %get3A_4 = vector.shape_cast %get3A_3 : vector<16xi32> to vector<16xi32>
    %slice3A = vector.extract_strided_slice %get3A_4 {offsets = [0], sizes = [1], strides = [1]} : vector<16xi32> to vector<1xi32>
    %squeeze3A = vector.extract %slice3A[0] : i32 from vector<1xi32>
    %slice3A_5 = vector.extract_strided_slice %get3A_4 {offsets = [1], sizes = [1], strides = [1]} : vector<16xi32> to vector<1xi32>
    %squeeze3A_6 = vector.extract %slice3A_5[0] : i32 from vector<1xi32>
    %eq3A = arith.cmpi eq, %squeeze3A_6, %squeeze3A : i32
    %slice3A_7 = vector.extract_strided_slice %get3A_4 {offsets = [2], sizes = [1], strides = [1]} : vector<16xi32> to vector<1xi32>
    %squeeze3A_8 = vector.extract %slice3A_7[0] : i32 from vector<1xi32>
    %eq3A_9 = arith.cmpi eq, %squeeze3A_8, %squeeze3A : i32
    %and3A = arith.andi %eq3A, %eq3A_9 : i1
    %slice3A_10 = vector.extract_strided_slice %get3A_4 {offsets = [3], sizes = [1], strides = [1]} : vector<16xi32> to vector<1xi32>
    %squeeze3A_11 = vector.extract %slice3A_10[0] : i32 from vector<1xi32>
    %eq3A_12 = arith.cmpi eq, %squeeze3A_11, %squeeze3A : i32
    %and3A_13 = arith.andi %and3A, %eq3A_12 : i1
    %slice3A_14 = vector.extract_strided_slice %get3A_4 {offsets = [4], sizes = [1], strides = [1]} : vector<16xi32> to vector<1xi32>
    %squeeze3A_15 = vector.extract %slice3A_14[0] : i32 from vector<1xi32>
    %eq3A_16 = arith.cmpi eq, %squeeze3A_15, %squeeze3A : i32
    %and3A_17 = arith.andi %and3A_13, %eq3A_16 : i1
    %slice3A_18 = vector.extract_strided_slice %get3A_4 {offsets = [5], sizes = [1], strides = [1]} : vector<16xi32> to vector<1xi32>
    %squeeze3A_19 = vector.extract %slice3A_18[0] : i32 from vector<1xi32>
    %eq3A_20 = arith.cmpi eq, %squeeze3A_19, %squeeze3A : i32
    %and3A_21 = arith.andi %and3A_17, %eq3A_20 : i1
    %slice3A_22 = vector.extract_strided_slice %get3A_4 {offsets = [6], sizes = [1], strides = [1]} : vector<16xi32> to vector<1xi32>
    %squeeze3A_23 = vector.extract %slice3A_22[0] : i32 from vector<1xi32>
    %eq3A_24 = arith.cmpi eq, %squeeze3A_23, %squeeze3A : i32
    %and3A_25 = arith.andi %and3A_21, %eq3A_24 : i1
    %slice3A_26 = vector.extract_strided_slice %get3A_4 {offsets = [7], sizes = [1], strides = [1]} : vector<16xi32> to vector<1xi32>
    %squeeze3A_27 = vector.extract %slice3A_26[0] : i32 from vector<1xi32>
    %eq3A_28 = arith.cmpi eq, %squeeze3A_27, %squeeze3A : i32
    %and3A_29 = arith.andi %and3A_25, %eq3A_28 : i1
    %slice3A_30 = vector.extract_strided_slice %get3A_4 {offsets = [8], sizes = [1], strides = [1]} : vector<16xi32> to vector<1xi32>
    %squeeze3A_31 = vector.extract %slice3A_30[0] : i32 from vector<1xi32>
    %eq3A_32 = arith.cmpi eq, %squeeze3A_31, %squeeze3A : i32
    %and3A_33 = arith.andi %and3A_29, %eq3A_32 : i1
    %slice3A_34 = vector.extract_strided_slice %get3A_4 {offsets = [9], sizes = [1], strides = [1]} : vector<16xi32> to vector<1xi32>
    %squeeze3A_35 = vector.extract %slice3A_34[0] : i32 from vector<1xi32>
    %eq3A_36 = arith.cmpi eq, %squeeze3A_35, %squeeze3A : i32
    %and3A_37 = arith.andi %and3A_33, %eq3A_36 : i1
    %slice3A_38 = vector.extract_strided_slice %get3A_4 {offsets = [10], sizes = [1], strides = [1]} : vector<16xi32> to vector<1xi32>
    %squeeze3A_39 = vector.extract %slice3A_38[0] : i32 from vector<1xi32>
    %eq3A_40 = arith.cmpi eq, %squeeze3A_39, %squeeze3A : i32
    %and3A_41 = arith.andi %and3A_37, %eq3A_40 : i1
    %slice3A_42 = vector.extract_strided_slice %get3A_4 {offsets = [11], sizes = [1], strides = [1]} : vector<16xi32> to vector<1xi32>
    %squeeze3A_43 = vector.extract %slice3A_42[0] : i32 from vector<1xi32>
    %eq3A_44 = arith.cmpi eq, %squeeze3A_43, %squeeze3A : i32
    %and3A_45 = arith.andi %and3A_41, %eq3A_44 : i1
    %slice3A_46 = vector.extract_strided_slice %get3A_4 {offsets = [12], sizes = [1], strides = [1]} : vector<16xi32> to vector<1xi32>
    %squeeze3A_47 = vector.extract %slice3A_46[0] : i32 from vector<1xi32>
    %eq3A_48 = arith.cmpi eq, %squeeze3A_47, %squeeze3A : i32
    %and3A_49 = arith.andi %and3A_45, %eq3A_48 : i1
    %slice3A_50 = vector.extract_strided_slice %get3A_4 {offsets = [13], sizes = [1], strides = [1]} : vector<16xi32> to vector<1xi32>
    %squeeze3A_51 = vector.extract %slice3A_50[0] : i32 from vector<1xi32>
    %eq3A_52 = arith.cmpi eq, %squeeze3A_51, %squeeze3A : i32
    %and3A_53 = arith.andi %and3A_49, %eq3A_52 : i1
    %slice3A_54 = vector.extract_strided_slice %get3A_4 {offsets = [14], sizes = [1], strides = [1]} : vector<16xi32> to vector<1xi32>
    %squeeze3A_55 = vector.extract %slice3A_54[0] : i32 from vector<1xi32>
    %eq3A_56 = arith.cmpi eq, %squeeze3A_55, %squeeze3A : i32
    %and3A_57 = arith.andi %and3A_53, %eq3A_56 : i1
    %slice3A_58 = vector.extract_strided_slice %get3A_4 {offsets = [15], sizes = [1], strides = [1]} : vector<16xi32> to vector<1xi32>
    %squeeze3A_59 = vector.extract %slice3A_58[0] : i32 from vector<1xi32>
    %eq3A_60 = arith.cmpi eq, %squeeze3A_59, %squeeze3A : i32
    %and3A_61 = arith.andi %and3A_57, %eq3A_60 : i1
    %ne3A = arith.constant -1 : i32
    %ne3A_62 = arith.cmpi ne, %squeeze3A, %ne3A : i32
    %and3A_63 = arith.andi %and3A_61, %ne3A_62 : i1
    %jit3A = arith.constant -1 : i32
    %select_n3A = arith.select %and3A_63, %squeeze3A, %jit3A : i32
    %convert_element_type3A = arith.extui %and3A_63 : i1 to i32
    %cond3A = arith.constant 0 : i32
    %cond3A_64 = arith.cmpi ne, %convert_element_type3A, %cond3A : i32
    scf.if %cond3A_64 {
      %dma_start3A = arith.constant 0 : i32
      %dma_start3A_462 = tpu.memref_slice %arg5[%dma_start3A] : memref<96xi32, #tpu.memory_space<vmem>> -> memref<8xi32, #tpu.memory_space<vmem>>
      %dma_start3A_463 = arith.constant 0 : i32
      %dma_start3A_464 = arith.constant 0 : i32
      %dma_start3A_465 = arith.constant 0 : i32
      %dma_start3A_466 = tpu.memref_slice %arg2[%dma_start3A_463, %dma_start3A_464, %dma_start3A_465] : memref<120x8x768xf32, #tpu.memory_space<hbm>> -> memref<120x8x768xf32, #tpu.memory_space<hbm>>
      tpu.enqueue_indirect_dma source(%dma_start3A_466 : memref<120x8x768xf32, #tpu.memory_space<hbm>>) target(%arg6 : memref<8x8x768xf32, #tpu.memory_space<vmem>>) offsets(%dma_start3A_462 : memref<8xi32, #tpu.memory_space<vmem>>) semaphore(%arg8 : memref<!tpu.dma_semaphore, #tpu.memory_space<semaphore_mem>>)
      %dma_wait3A = arith.constant 0 : i32
      %dma_wait3A_467 = tpu.memref_slice %arg5[%dma_wait3A] : memref<96xi32, #tpu.memory_space<vmem>> -> memref<8xi32, #tpu.memory_space<vmem>>
      %dma_wait3A_468 = arith.constant 0 : i32
      %dma_wait3A_469 = arith.constant 0 : i32
      %dma_wait3A_470 = arith.constant 0 : i32
      %dma_wait3A_471 = tpu.memref_slice %arg2[%dma_wait3A_468, %dma_wait3A_469, %dma_wait3A_470] : memref<120x8x768xf32, #tpu.memory_space<hbm>> -> memref<120x8x768xf32, #tpu.memory_space<hbm>>
      tpu.wait_indirect_dma semaphore(%arg8 : memref<!tpu.dma_semaphore, #tpu.memory_space<semaphore_mem>>) src(%dma_wait3A_471 : memref<120x8x768xf32, #tpu.memory_space<hbm>>) dst(%arg6 : memref<8x8x768xf32, #tpu.memory_space<vmem>>)
    } else {
    }
    %convert_element_type3A_65 = arith.extui %and3A_61 : i1 to i32
    %cond3A_66 = arith.constant 0 : i32
    %cond3A_67 = arith.cmpi ne, %convert_element_type3A_65, %cond3A_66 : i32
    scf.if %cond3A_67 {
      %add3A_462 = arith.constant 0 : i32
      %add3A_463 = arith.addi %mul3A_2, %add3A_462 : i32
      %jit3A_464 = arith.constant 256 : i32
      %div3A = arith.divsi %add3A_463, %jit3A_464 : i32
      %sign3A = arith.constant 0 : i32
      %sign3A_465 = arith.cmpi sgt, %add3A_463, %sign3A : i32
      %sign3A_466 = arith.extui %sign3A_465 : i1 to i32
      %sign3A_467 = arith.constant 0 : i32
      %sign3A_468 = arith.cmpi slt, %add3A_463, %sign3A_467 : i32
      %sign3A_469 = arith.extui %sign3A_468 : i1 to i32
      %sign3A_470 = arith.subi %sign3A_466, %sign3A_469 : i32
      %sign3A_471 = arith.constant 0 : i32
      %sign3A_472 = arith.cmpi sgt, %jit3A_464, %sign3A_471 : i32
      %sign3A_473 = arith.extui %sign3A_472 : i1 to i32
      %sign3A_474 = arith.constant 0 : i32
      %sign3A_475 = arith.cmpi slt, %jit3A_464, %sign3A_474 : i32
      %sign3A_476 = arith.extui %sign3A_475 : i1 to i32
      %sign3A_477 = arith.subi %sign3A_473, %sign3A_476 : i32
      %ne3A_478 = arith.cmpi ne, %sign3A_470, %sign3A_477 : i32
      %rem3A = arith.remsi %add3A_463, %jit3A_464 : i32
      %ne3A_479 = arith.constant 0 : i32
      %ne3A_480 = arith.cmpi ne, %rem3A, %ne3A_479 : i32
      %and3A_481 = arith.andi %ne3A_478, %ne3A_480 : i1
      %sub3A = arith.constant 1 : i32
      %sub3A_482 = arith.subi %div3A, %sub3A : i32
      %select_n3A_483 = arith.select %and3A_481, %sub3A_482, %div3A : i32
      %jit3A_484 = arith.constant 256 : i32
      %eq3A_485 = arith.constant 0 : i32
      %eq3A_486 = arith.cmpi eq, %jit3A_484, %eq3A_485 : i32
      %jit3A_487 = arith.constant 1 : i32
      %select_n3A_488 = arith.select %eq3A_486, %jit3A_487, %jit3A_484 : i32
      %rem3A_489 = arith.remsi %add3A_463, %select_n3A_488 : i32
      %ne3A_490 = arith.constant 0 : i32
      %ne3A_491 = arith.cmpi ne, %rem3A_489, %ne3A_490 : i32
      %lt3A = arith.constant 0 : i32
      %lt3A_492 = arith.cmpi slt, %rem3A_489, %lt3A : i32
      %lt3A_493 = arith.constant 0 : i32
      %lt3A_494 = arith.cmpi slt, %select_n3A_488, %lt3A_493 : i32
      %ne3A_495 = arith.xori %lt3A_492, %lt3A_494 : i1
      %and3A_496 = arith.andi %ne3A_495, %ne3A_491 : i1
      %add3A_497 = arith.addi %rem3A_489, %select_n3A_488 : i32
      %select_n3A_498 = arith.select %and3A_496, %add3A_497, %rem3A_489 : i32
      %dma_start3A = arith.constant 0 : i32
      %dma_start3A_499 = arith.constant 0 : i32
      %dma_start3A_500 = tpu.memref_slice %arg4[%select_n3A_483, %select_n3A_498, %dma_start3A, %dma_start3A_499] : memref<12x256x8x768xf32, #tpu.memory_space<hbm>> -> memref<1x8x8x768xf32, #tpu.memory_space<hbm>>
      %dma_start3A_501 = tpu.memref_squeeze %dma_start3A_500 : memref<1x8x8x768xf32, #tpu.memory_space<hbm>> -> memref<8x8x768xf32, #tpu.memory_space<hbm>>
      %dma_start3A_502 = arith.constant 0 : i32
      %dma_start3A_503 = arith.constant 0 : i32
      %dma_start3A_504 = tpu.memref_slice %arg4[%select_n3A_483, %select_n3A_498, %dma_start3A_502, %dma_start3A_503] : memref<12x256x8x768xf32, #tpu.memory_space<hbm>> -> memref<1x8x8x768xf32, #tpu.memory_space<hbm>>
      %dma_start3A_505 = tpu.memref_squeeze %dma_start3A_504 : memref<1x8x8x768xf32, #tpu.memory_space<hbm>> -> memref<8x8x768xf32, #tpu.memory_space<hbm>>
      tpu.enqueue_dma source(%arg6 : memref<8x8x768xf32, #tpu.memory_space<vmem>>) target(%dma_start3A_505 : memref<8x8x768xf32, #tpu.memory_space<hbm>>) target_semaphore(%arg9 : memref<!tpu.dma_semaphore, #tpu.memory_space<semaphore_mem>>)
      %add3A_506 = arith.constant 8 : i32
      %add3A_507 = arith.addi %mul3A_2, %add3A_506 : i32
      %jit3A_508 = arith.constant 256 : i32
      %div3A_509 = arith.divsi %add3A_507, %jit3A_508 : i32
      %sign3A_510 = arith.constant 0 : i32
      %sign3A_511 = arith.cmpi sgt, %add3A_507, %sign3A_510 : i32
      %sign3A_512 = arith.extui %sign3A_511 : i1 to i32
      %sign3A_513 = arith.constant 0 : i32
      %sign3A_514 = arith.cmpi slt, %add3A_507, %sign3A_513 : i32
      %sign3A_515 = arith.extui %sign3A_514 : i1 to i32
      %sign3A_516 = arith.subi %sign3A_512, %sign3A_515 : i32
      %sign3A_517 = arith.constant 0 : i32
      %sign3A_518 = arith.cmpi sgt, %jit3A_508, %sign3A_517 : i32
      %sign3A_519 = arith.extui %sign3A_518 : i1 to i32
      %sign3A_520 = arith.constant 0 : i32
      %sign3A_521 = arith.cmpi slt, %jit3A_508, %sign3A_520 : i32
      %sign3A_522 = arith.extui %sign3A_521 : i1 to i32
      %sign3A_523 = arith.subi %sign3A_519, %sign3A_522 : i32
      %ne3A_524 = arith.cmpi ne, %sign3A_516, %sign3A_523 : i32
      %rem3A_525 = arith.remsi %add3A_507, %jit3A_508 : i32
      %ne3A_526 = arith.constant 0 : i32
      %ne3A_527 = arith.cmpi ne, %rem3A_525, %ne3A_526 : i32
      %and3A_528 = arith.andi %ne3A_524, %ne3A_527 : i1
      %sub3A_529 = arith.constant 1 : i32
      %sub3A_530 = arith.subi %div3A_509, %sub3A_529 : i32
      %select_n3A_531 = arith.select %and3A_528, %sub3A_530, %div3A_509 : i32
      %jit3A_532 = arith.constant 256 : i32
      %eq3A_533 = arith.constant 0 : i32
      %eq3A_534 = arith.cmpi eq, %jit3A_532, %eq3A_533 : i32
      %jit3A_535 = arith.constant 1 : i32
      %select_n3A_536 = arith.select %eq3A_534, %jit3A_535, %jit3A_532 : i32
      %rem3A_537 = arith.remsi %add3A_507, %select_n3A_536 : i32
      %ne3A_538 = arith.constant 0 : i32
      %ne3A_539 = arith.cmpi ne, %rem3A_537, %ne3A_538 : i32
      %lt3A_540 = arith.constant 0 : i32
      %lt3A_541 = arith.cmpi slt, %rem3A_537, %lt3A_540 : i32
      %lt3A_542 = arith.constant 0 : i32
      %lt3A_543 = arith.cmpi slt, %select_n3A_536, %lt3A_542 : i32
      %ne3A_544 = arith.xori %lt3A_541, %lt3A_543 : i1
      %and3A_545 = arith.andi %ne3A_544, %ne3A_539 : i1
      %add3A_546 = arith.addi %rem3A_537, %select_n3A_536 : i32
      %select_n3A_547 = arith.select %and3A_545, %add3A_546, %rem3A_537 : i32
      %dma_start3A_548 = arith.constant 0 : i32
      %dma_start3A_549 = arith.constant 0 : i32
      %dma_start3A_550 = tpu.memref_slice %arg4[%select_n3A_531, %select_n3A_547, %dma_start3A_548, %dma_start3A_549] : memref<12x256x8x768xf32, #tpu.memory_space<hbm>> -> memref<1x8x8x768xf32, #tpu.memory_space<hbm>>
      %dma_start3A_551 = tpu.memref_squeeze %dma_start3A_550 : memref<1x8x8x768xf32, #tpu.memory_space<hbm>> -> memref<8x8x768xf32, #tpu.memory_space<hbm>>
      %dma_start3A_552 = arith.constant 0 : i32
      %dma_start3A_553 = arith.constant 0 : i32
      %dma_start3A_554 = tpu.memref_slice %arg4[%select_n3A_531, %select_n3A_547, %dma_start3A_552, %dma_start3A_553] : memref<12x256x8x768xf32, #tpu.memory_space<hbm>> -> memref<1x8x8x768xf32, #tpu.memory_space<hbm>>
      %dma_start3A_555 = tpu.memref_squeeze %dma_start3A_554 : memref<1x8x8x768xf32, #tpu.memory_space<hbm>> -> memref<8x8x768xf32, #tpu.memory_space<hbm>>
      tpu.enqueue_dma source(%arg6 : memref<8x8x768xf32, #tpu.memory_space<vmem>>) target(%dma_start3A_555 : memref<8x8x768xf32, #tpu.memory_space<hbm>>) target_semaphore(%arg9 : memref<!tpu.dma_semaphore, #tpu.memory_space<semaphore_mem>>)
      %dma_wait3A = arith.constant 0 : i32
      %dma_wait3A_556 = arith.constant 0 : i32
      %dma_wait3A_557 = tpu.memref_slice %arg4[%select_n3A_483, %select_n3A_498, %dma_wait3A, %dma_wait3A_556] : memref<12x256x8x768xf32, #tpu.memory_space<hbm>> -> memref<1x8x8x768xf32, #tpu.memory_space<hbm>>
      %dma_wait3A_558 = tpu.memref_squeeze %dma_wait3A_557 : memref<1x8x8x768xf32, #tpu.memory_space<hbm>> -> memref<8x8x768xf32, #tpu.memory_space<hbm>>
      %dma_wait3A_559 = arith.constant 0 : i32
      %dma_wait3A_560 = arith.constant 0 : i32
      %dma_wait3A_561 = tpu.memref_slice %arg4[%select_n3A_483, %select_n3A_498, %dma_wait3A_559, %dma_wait3A_560] : memref<12x256x8x768xf32, #tpu.memory_space<hbm>> -> memref<1x8x8x768xf32, #tpu.memory_space<hbm>>
      %dma_wait3A_562 = tpu.memref_squeeze %dma_wait3A_561 : memref<1x8x8x768xf32, #tpu.memory_space<hbm>> -> memref<8x8x768xf32, #tpu.memory_space<hbm>>
      tpu.wait_dma2 semaphore(%arg9 : memref<!tpu.dma_semaphore, #tpu.memory_space<semaphore_mem>>) src(%arg6 : memref<8x8x768xf32, #tpu.memory_space<vmem>>) dst(%dma_wait3A_562 : memref<8x8x768xf32, #tpu.memory_space<hbm>>)
      %dma_wait3A_563 = arith.constant 0 : i32
      %dma_wait3A_564 = arith.constant 0 : i32
      %dma_wait3A_565 = tpu.memref_slice %arg4[%select_n3A_531, %select_n3A_547, %dma_wait3A_563, %dma_wait3A_564] : memref<12x256x8x768xf32, #tpu.memory_space<hbm>> -> memref<1x8x8x768xf32, #tpu.memory_space<hbm>>
      %dma_wait3A_566 = tpu.memref_squeeze %dma_wait3A_565 : memref<1x8x8x768xf32, #tpu.memory_space<hbm>> -> memref<8x8x768xf32, #tpu.memory_space<hbm>>
      %dma_wait3A_567 = arith.constant 0 : i32
      %dma_wait3A_568 = arith.constant 0 : i32
      %dma_wait3A_569 = tpu.memref_slice %arg4[%select_n3A_531, %select_n3A_547, %dma_wait3A_567, %dma_wait3A_568] : memref<12x256x8x768xf32, #tpu.memory_space<hbm>> -> memref<1x8x8x768xf32, #tpu.memory_space<hbm>>
      %dma_wait3A_570 = tpu.memref_squeeze %dma_wait3A_569 : memref<1x8x8x768xf32, #tpu.memory_space<hbm>> -> memref<8x8x768xf32, #tpu.memory_space<hbm>>
      tpu.wait_dma2 semaphore(%arg9 : memref<!tpu.dma_semaphore, #tpu.memory_space<semaphore_mem>>) src(%arg6 : memref<8x8x768xf32, #tpu.memory_space<vmem>>) dst(%dma_wait3A_570 : memref<8x8x768xf32, #tpu.memory_space<hbm>>)
    } else {
    }
    %not3A = arith.constant true
    %not3A_68 = arith.xori %and3A_61, %not3A : i1
    %convert_element_type3A_69 = arith.extui %not3A_68 : i1 to i32
    %cond3A_70 = arith.constant 0 : i32
    %cond3A_71 = arith.cmpi ne, %convert_element_type3A_69, %cond3A_70 : i32
    scf.if %cond3A_71 {
      %dma_start3A = arith.constant 0 : i32
      %dma_start3A_462 = tpu.memref_slice %arg5[%dma_start3A] : memref<96xi32, #tpu.memory_space<vmem>> -> memref<8xi32, #tpu.memory_space<vmem>>
      %dma_start3A_463 = arith.constant 0 : i32
      %dma_start3A_464 = arith.constant 0 : i32
      %dma_start3A_465 = arith.constant 0 : i32
      %dma_start3A_466 = tpu.memref_slice %arg2[%dma_start3A_463, %dma_start3A_464, %dma_start3A_465] : memref<120x8x768xf32, #tpu.memory_space<hbm>> -> memref<120x8x768xf32, #tpu.memory_space<hbm>>
      tpu.enqueue_indirect_dma source(%dma_start3A_466 : memref<120x8x768xf32, #tpu.memory_space<hbm>>) target(%arg7 : memref<8x8x768xf32, #tpu.memory_space<vmem>>) offsets(%dma_start3A_462 : memref<8xi32, #tpu.memory_space<vmem>>) semaphore(%arg8 : memref<!tpu.dma_semaphore, #tpu.memory_space<semaphore_mem>>)
      %dma_wait3A = arith.constant 0 : i32
      %dma_wait3A_467 = tpu.memref_slice %arg5[%dma_wait3A] : memref<96xi32, #tpu.memory_space<vmem>> -> memref<8xi32, #tpu.memory_space<vmem>>
      %dma_wait3A_468 = arith.constant 0 : i32
      %dma_wait3A_469 = arith.constant 0 : i32
      %dma_wait3A_470 = arith.constant 0 : i32
      %dma_wait3A_471 = tpu.memref_slice %arg2[%dma_wait3A_468, %dma_wait3A_469, %dma_wait3A_470] : memref<120x8x768xf32, #tpu.memory_space<hbm>> -> memref<120x8x768xf32, #tpu.memory_space<hbm>>
      tpu.wait_indirect_dma semaphore(%arg8 : memref<!tpu.dma_semaphore, #tpu.memory_space<semaphore_mem>>) src(%dma_wait3A_471 : memref<120x8x768xf32, #tpu.memory_space<hbm>>) dst(%arg7 : memref<8x8x768xf32, #tpu.memory_space<vmem>>)
      %add3A_472 = arith.constant 0 : i32
      %add3A_473 = arith.addi %mul3A_2, %add3A_472 : i32
      %jit3A_474 = arith.constant 256 : i32
      %div3A = arith.divsi %add3A_473, %jit3A_474 : i32
      %sign3A = arith.constant 0 : i32
      %sign3A_475 = arith.cmpi sgt, %add3A_473, %sign3A : i32
      %sign3A_476 = arith.extui %sign3A_475 : i1 to i32
      %sign3A_477 = arith.constant 0 : i32
      %sign3A_478 = arith.cmpi slt, %add3A_473, %sign3A_477 : i32
      %sign3A_479 = arith.extui %sign3A_478 : i1 to i32
      %sign3A_480 = arith.subi %sign3A_476, %sign3A_479 : i32
      %sign3A_481 = arith.constant 0 : i32
      %sign3A_482 = arith.cmpi sgt, %jit3A_474, %sign3A_481 : i32
      %sign3A_483 = arith.extui %sign3A_482 : i1 to i32
      %sign3A_484 = arith.constant 0 : i32
      %sign3A_485 = arith.cmpi slt, %jit3A_474, %sign3A_484 : i32
      %sign3A_486 = arith.extui %sign3A_485 : i1 to i32
      %sign3A_487 = arith.subi %sign3A_483, %sign3A_486 : i32
      %ne3A_488 = arith.cmpi ne, %sign3A_480, %sign3A_487 : i32
      %rem3A = arith.remsi %add3A_473, %jit3A_474 : i32
      %ne3A_489 = arith.constant 0 : i32
      %ne3A_490 = arith.cmpi ne, %rem3A, %ne3A_489 : i32
      %and3A_491 = arith.andi %ne3A_488, %ne3A_490 : i1
      %sub3A = arith.constant 1 : i32
      %sub3A_492 = arith.subi %div3A, %sub3A : i32
      %select_n3A_493 = arith.select %and3A_491, %sub3A_492, %div3A : i32
      %jit3A_494 = arith.constant 256 : i32
      %eq3A_495 = arith.constant 0 : i32
      %eq3A_496 = arith.cmpi eq, %jit3A_494, %eq3A_495 : i32
      %jit3A_497 = arith.constant 1 : i32
      %select_n3A_498 = arith.select %eq3A_496, %jit3A_497, %jit3A_494 : i32
      %rem3A_499 = arith.remsi %add3A_473, %select_n3A_498 : i32
      %ne3A_500 = arith.constant 0 : i32
      %ne3A_501 = arith.cmpi ne, %rem3A_499, %ne3A_500 : i32
      %lt3A = arith.constant 0 : i32
      %lt3A_502 = arith.cmpi slt, %rem3A_499, %lt3A : i32
      %lt3A_503 = arith.constant 0 : i32
      %lt3A_504 = arith.cmpi slt, %select_n3A_498, %lt3A_503 : i32
      %ne3A_505 = arith.xori %lt3A_502, %lt3A_504 : i1
      %and3A_506 = arith.andi %ne3A_505, %ne3A_501 : i1
      %add3A_507 = arith.addi %rem3A_499, %select_n3A_498 : i32
      %select_n3A_508 = arith.select %and3A_506, %add3A_507, %rem3A_499 : i32
      %dma_start3A_509 = arith.constant 0 : i32
      %dma_start3A_510 = arith.constant 0 : i32
      %dma_start3A_511 = tpu.memref_slice %arg4[%select_n3A_493, %select_n3A_508, %dma_start3A_509, %dma_start3A_510] : memref<12x256x8x768xf32, #tpu.memory_space<hbm>> -> memref<1x8x8x768xf32, #tpu.memory_space<hbm>>
      %dma_start3A_512 = tpu.memref_squeeze %dma_start3A_511 : memref<1x8x8x768xf32, #tpu.memory_space<hbm>> -> memref<8x8x768xf32, #tpu.memory_space<hbm>>
      %dma_start3A_513 = arith.constant 0 : i32
      %dma_start3A_514 = arith.constant 0 : i32
      %dma_start3A_515 = tpu.memref_slice %arg4[%select_n3A_493, %select_n3A_508, %dma_start3A_513, %dma_start3A_514] : memref<12x256x8x768xf32, #tpu.memory_space<hbm>> -> memref<1x8x8x768xf32, #tpu.memory_space<hbm>>
      %dma_start3A_516 = tpu.memref_squeeze %dma_start3A_515 : memref<1x8x8x768xf32, #tpu.memory_space<hbm>> -> memref<8x8x768xf32, #tpu.memory_space<hbm>>
      tpu.enqueue_dma source(%arg7 : memref<8x8x768xf32, #tpu.memory_space<vmem>>) target(%dma_start3A_516 : memref<8x8x768xf32, #tpu.memory_space<hbm>>) target_semaphore(%arg9 : memref<!tpu.dma_semaphore, #tpu.memory_space<semaphore_mem>>)
      %dma_wait3A_517 = arith.constant 0 : i32
      %dma_wait3A_518 = arith.constant 0 : i32
      %dma_wait3A_519 = tpu.memref_slice %arg4[%select_n3A_493, %select_n3A_508, %dma_wait3A_517, %dma_wait3A_518] : memref<12x256x8x768xf32, #tpu.memory_space<hbm>> -> memref<1x8x8x768xf32, #tpu.memory_space<hbm>>
      %dma_wait3A_520 = tpu.memref_squeeze %dma_wait3A_519 : memref<1x8x8x768xf32, #tpu.memory_space<hbm>> -> memref<8x8x768xf32, #tpu.memory_space<hbm>>
      %dma_wait3A_521 = arith.constant 0 : i32
      %dma_wait3A_522 = arith.constant 0 : i32
      %dma_wait3A_523 = tpu.memref_slice %arg4[%select_n3A_493, %select_n3A_508, %dma_wait3A_521, %dma_wait3A_522] : memref<12x256x8x768xf32, #tpu.memory_space<hbm>> -> memref<1x8x8x768xf32, #tpu.memory_space<hbm>>
      %dma_wait3A_524 = tpu.memref_squeeze %dma_wait3A_523 : memref<1x8x8x768xf32, #tpu.memory_space<hbm>> -> memref<8x8x768xf32, #tpu.memory_space<hbm>>
      tpu.wait_dma2 semaphore(%arg9 : memref<!tpu.dma_semaphore, #tpu.memory_space<semaphore_mem>>) src(%arg7 : memref<8x8x768xf32, #tpu.memory_space<vmem>>) dst(%dma_wait3A_524 : memref<8x8x768xf32, #tpu.memory_space<hbm>>)
      %dma_start3A_525 = arith.constant 8 : i32
      %dma_start3A_526 = tpu.memref_slice %arg5[%dma_start3A_525] : memref<96xi32, #tpu.memory_space<vmem>> -> memref<8xi32, #tpu.memory_space<vmem>>
      %dma_start3A_527 = arith.constant 0 : i32
      %dma_start3A_528 = arith.constant 0 : i32
      %dma_start3A_529 = arith.constant 0 : i32
      %dma_start3A_530 = tpu.memref_slice %arg2[%dma_start3A_527, %dma_start3A_528, %dma_start3A_529] : memref<120x8x768xf32, #tpu.memory_space<hbm>> -> memref<120x8x768xf32, #tpu.memory_space<hbm>>
      tpu.enqueue_indirect_dma source(%dma_start3A_530 : memref<120x8x768xf32, #tpu.memory_space<hbm>>) target(%arg7 : memref<8x8x768xf32, #tpu.memory_space<vmem>>) offsets(%dma_start3A_526 : memref<8xi32, #tpu.memory_space<vmem>>) semaphore(%arg8 : memref<!tpu.dma_semaphore, #tpu.memory_space<semaphore_mem>>)
      %dma_wait3A_531 = arith.constant 8 : i32
      %dma_wait3A_532 = tpu.memref_slice %arg5[%dma_wait3A_531] : memref<96xi32, #tpu.memory_space<vmem>> -> memref<8xi32, #tpu.memory_space<vmem>>
      %dma_wait3A_533 = arith.constant 0 : i32
      %dma_wait3A_534 = arith.constant 0 : i32
      %dma_wait3A_535 = arith.constant 0 : i32
      %dma_wait3A_536 = tpu.memref_slice %arg2[%dma_wait3A_533, %dma_wait3A_534, %dma_wait3A_535] : memref<120x8x768xf32, #tpu.memory_space<hbm>> -> memref<120x8x768xf32, #tpu.memory_space<hbm>>
      tpu.wait_indirect_dma semaphore(%arg8 : memref<!tpu.dma_semaphore, #tpu.memory_space<semaphore_mem>>) src(%dma_wait3A_536 : memref<120x8x768xf32, #tpu.memory_space<hbm>>) dst(%arg7 : memref<8x8x768xf32, #tpu.memory_space<vmem>>)
      %add3A_537 = arith.constant 8 : i32
      %add3A_538 = arith.addi %mul3A_2, %add3A_537 : i32
      %jit3A_539 = arith.constant 256 : i32
      %div3A_540 = arith.divsi %add3A_538, %jit3A_539 : i32
      %sign3A_541 = arith.constant 0 : i32
      %sign3A_542 = arith.cmpi sgt, %add3A_538, %sign3A_541 : i32
      %sign3A_543 = arith.extui %sign3A_542 : i1 to i32
      %sign3A_544 = arith.constant 0 : i32
      %sign3A_545 = arith.cmpi slt, %add3A_538, %sign3A_544 : i32
      %sign3A_546 = arith.extui %sign3A_545 : i1 to i32
      %sign3A_547 = arith.subi %sign3A_543, %sign3A_546 : i32
      %sign3A_548 = arith.constant 0 : i32
      %sign3A_549 = arith.cmpi sgt, %jit3A_539, %sign3A_548 : i32
      %sign3A_550 = arith.extui %sign3A_549 : i1 to i32
      %sign3A_551 = arith.constant 0 : i32
      %sign3A_552 = arith.cmpi slt, %jit3A_539, %sign3A_551 : i32
      %sign3A_553 = arith.extui %sign3A_552 : i1 to i32
      %sign3A_554 = arith.subi %sign3A_550, %sign3A_553 : i32
      %ne3A_555 = arith.cmpi ne, %sign3A_547, %sign3A_554 : i32
      %rem3A_556 = arith.remsi %add3A_538, %jit3A_539 : i32
      %ne3A_557 = arith.constant 0 : i32
      %ne3A_558 = arith.cmpi ne, %rem3A_556, %ne3A_557 : i32
      %and3A_559 = arith.andi %ne3A_555, %ne3A_558 : i1
      %sub3A_560 = arith.constant 1 : i32
      %sub3A_561 = arith.subi %div3A_540, %sub3A_560 : i32
      %select_n3A_562 = arith.select %and3A_559, %sub3A_561, %div3A_540 : i32
      %jit3A_563 = arith.constant 256 : i32
      %eq3A_564 = arith.constant 0 : i32
      %eq3A_565 = arith.cmpi eq, %jit3A_563, %eq3A_564 : i32
      %jit3A_566 = arith.constant 1 : i32
      %select_n3A_567 = arith.select %eq3A_565, %jit3A_566, %jit3A_563 : i32
      %rem3A_568 = arith.remsi %add3A_538, %select_n3A_567 : i32
      %ne3A_569 = arith.constant 0 : i32
      %ne3A_570 = arith.cmpi ne, %rem3A_568, %ne3A_569 : i32
      %lt3A_571 = arith.constant 0 : i32
      %lt3A_572 = arith.cmpi slt, %rem3A_568, %lt3A_571 : i32
      %lt3A_573 = arith.constant 0 : i32
      %lt3A_574 = arith.cmpi slt, %select_n3A_567, %lt3A_573 : i32
      %ne3A_575 = arith.xori %lt3A_572, %lt3A_574 : i1
      %and3A_576 = arith.andi %ne3A_575, %ne3A_570 : i1
      %add3A_577 = arith.addi %rem3A_568, %select_n3A_567 : i32
      %select_n3A_578 = arith.select %and3A_576, %add3A_577, %rem3A_568 : i32
      %dma_start3A_579 = arith.constant 0 : i32
      %dma_start3A_580 = arith.constant 0 : i32
      %dma_start3A_581 = tpu.memref_slice %arg4[%select_n3A_562, %select_n3A_578, %dma_start3A_579, %dma_start3A_580] : memref<12x256x8x768xf32, #tpu.memory_space<hbm>> -> memref<1x8x8x768xf32, #tpu.memory_space<hbm>>
      %dma_start3A_582 = tpu.memref_squeeze %dma_start3A_581 : memref<1x8x8x768xf32, #tpu.memory_space<hbm>> -> memref<8x8x768xf32, #tpu.memory_space<hbm>>
      %dma_start3A_583 = arith.constant 0 : i32
      %dma_start3A_584 = arith.constant 0 : i32
      %dma_start3A_585 = tpu.memref_slice %arg4[%select_n3A_562, %select_n3A_578, %dma_start3A_583, %dma_start3A_584] : memref<12x256x8x768xf32, #tpu.memory_space<hbm>> -> memref<1x8x8x768xf32, #tpu.memory_space<hbm>>
      %dma_start3A_586 = tpu.memref_squeeze %dma_start3A_585 : memref<1x8x8x768xf32, #tpu.memory_space<hbm>> -> memref<8x8x768xf32, #tpu.memory_space<hbm>>
      tpu.enqueue_dma source(%arg7 : memref<8x8x768xf32, #tpu.memory_space<vmem>>) target(%dma_start3A_586 : memref<8x8x768xf32, #tpu.memory_space<hbm>>) target_semaphore(%arg9 : memref<!tpu.dma_semaphore, #tpu.memory_space<semaphore_mem>>)
      %dma_wait3A_587 = arith.constant 0 : i32
      %dma_wait3A_588 = arith.constant 0 : i32
      %dma_wait3A_589 = tpu.memref_slice %arg4[%select_n3A_562, %select_n3A_578, %dma_wait3A_587, %dma_wait3A_588] : memref<12x256x8x768xf32, #tpu.memory_space<hbm>> -> memref<1x8x8x768xf32, #tpu.memory_space<hbm>>
      %dma_wait3A_590 = tpu.memref_squeeze %dma_wait3A_589 : memref<1x8x8x768xf32, #tpu.memory_space<hbm>> -> memref<8x8x768xf32, #tpu.memory_space<hbm>>
      %dma_wait3A_591 = arith.constant 0 : i32
      %dma_wait3A_592 = arith.constant 0 : i32
      %dma_wait3A_593 = tpu.memref_slice %arg4[%select_n3A_562, %select_n3A_578, %dma_wait3A_591, %dma_wait3A_592] : memref<12x256x8x768xf32, #tpu.memory_space<hbm>> -> memref<1x8x8x768xf32, #tpu.memory_space<hbm>>
      %dma_wait3A_594 = tpu.memref_squeeze %dma_wait3A_593 : memref<1x8x8x768xf32, #tpu.memory_space<hbm>> -> memref<8x8x768xf32, #tpu.memory_space<hbm>>
      tpu.wait_dma2 semaphore(%arg9 : memref<!tpu.dma_semaphore, #tpu.memory_space<semaphore_mem>>) src(%arg7 : memref<8x8x768xf32, #tpu.memory_space<vmem>>) dst(%dma_wait3A_594 : memref<8x8x768xf32, #tpu.memory_space<hbm>>)
    } else {
    }
    %get3A_72 = arith.constant 16 : index
    %get3A_73 = tpu.vector_load %arg5[%get3A_72] {strides = array<i32>} : memref<96xi32, #tpu.memory_space<vmem>>, vector<16xi32>,
    %get3A_74 = vector.shape_cast %get3A_73 : vector<16xi32> to vector<16xi32>
    %slice3A_75 = vector.extract_strided_slice %get3A_74 {offsets = [0], sizes = [1], strides = [1]} : vector<16xi32> to vector<1xi32>
    %squeeze3A_76 = vector.extract %slice3A_75[0] : i32 from vector<1xi32>
    %slice3A_77 = vector.extract_strided_slice %get3A_74 {offsets = [1], sizes = [1], strides = [1]} : vector<16xi32> to vector<1xi32>
    %squeeze3A_78 = vector.extract %slice3A_77[0] : i32 from vector<1xi32>
    %eq3A_79 = arith.cmpi eq, %squeeze3A_78, %squeeze3A_76 : i32
    %slice3A_80 = vector.extract_strided_slice %get3A_74 {offsets = [2], sizes = [1], strides = [1]} : vector<16xi32> to vector<1xi32>
    %squeeze3A_81 = vector.extract %slice3A_80[0] : i32 from vector<1xi32>
    %eq3A_82 = arith.cmpi eq, %squeeze3A_81, %squeeze3A_76 : i32
    %and3A_83 = arith.andi %eq3A_79, %eq3A_82 : i1
    %slice3A_84 = vector.extract_strided_slice %get3A_74 {offsets = [3], sizes = [1], strides = [1]} : vector<16xi32> to vector<1xi32>
    %squeeze3A_85 = vector.extract %slice3A_84[0] : i32 from vector<1xi32>
    %eq3A_86 = arith.cmpi eq, %squeeze3A_85, %squeeze3A_76 : i32
    %and3A_87 = arith.andi %and3A_83, %eq3A_86 : i1
    %slice3A_88 = vector.extract_strided_slice %get3A_74 {offsets = [4], sizes = [1], strides = [1]} : vector<16xi32> to vector<1xi32>
    %squeeze3A_89 = vector.extract %slice3A_88[0] : i32 from vector<1xi32>
    %eq3A_90 = arith.cmpi eq, %squeeze3A_89, %squeeze3A_76 : i32
    %and3A_91 = arith.andi %and3A_87, %eq3A_90 : i1
    %slice3A_92 = vector.extract_strided_slice %get3A_74 {offsets = [5], sizes = [1], strides = [1]} : vector<16xi32> to vector<1xi32>
    %squeeze3A_93 = vector.extract %slice3A_92[0] : i32 from vector<1xi32>
    %eq3A_94 = arith.cmpi eq, %squeeze3A_93, %squeeze3A_76 : i32
    %and3A_95 = arith.andi %and3A_91, %eq3A_94 : i1
    %slice3A_96 = vector.extract_strided_slice %get3A_74 {offsets = [6], sizes = [1], strides = [1]} : vector<16xi32> to vector<1xi32>
    %squeeze3A_97 = vector.extract %slice3A_96[0] : i32 from vector<1xi32>
    %eq3A_98 = arith.cmpi eq, %squeeze3A_97, %squeeze3A_76 : i32
    %and3A_99 = arith.andi %and3A_95, %eq3A_98 : i1
    %slice3A_100 = vector.extract_strided_slice %get3A_74 {offsets = [7], sizes = [1], strides = [1]} : vector<16xi32> to vector<1xi32>
    %squeeze3A_101 = vector.extract %slice3A_100[0] : i32 from vector<1xi32>
    %eq3A_102 = arith.cmpi eq, %squeeze3A_101, %squeeze3A_76 : i32
    %and3A_103 = arith.andi %and3A_99, %eq3A_102 : i1
    %slice3A_104 = vector.extract_strided_slice %get3A_74 {offsets = [8], sizes = [1], strides = [1]} : vector<16xi32> to vector<1xi32>
    %squeeze3A_105 = vector.extract %slice3A_104[0] : i32 from vector<1xi32>
    %eq3A_106 = arith.cmpi eq, %squeeze3A_105, %squeeze3A_76 : i32
    %and3A_107 = arith.andi %and3A_103, %eq3A_106 : i1
    %slice3A_108 = vector.extract_strided_slice %get3A_74 {offsets = [9], sizes = [1], strides = [1]} : vector<16xi32> to vector<1xi32>
    %squeeze3A_109 = vector.extract %slice3A_108[0] : i32 from vector<1xi32>
    %eq3A_110 = arith.cmpi eq, %squeeze3A_109, %squeeze3A_76 : i32
    %and3A_111 = arith.andi %and3A_107, %eq3A_110 : i1
    %slice3A_112 = vector.extract_strided_slice %get3A_74 {offsets = [10], sizes = [1], strides = [1]} : vector<16xi32> to vector<1xi32>
    %squeeze3A_113 = vector.extract %slice3A_112[0] : i32 from vector<1xi32>
    %eq3A_114 = arith.cmpi eq, %squeeze3A_113, %squeeze3A_76 : i32
    %and3A_115 = arith.andi %and3A_111, %eq3A_114 : i1
    %slice3A_116 = vector.extract_strided_slice %get3A_74 {offsets = [11], sizes = [1], strides = [1]} : vector<16xi32> to vector<1xi32>
    %squeeze3A_117 = vector.extract %slice3A_116[0] : i32 from vector<1xi32>
    %eq3A_118 = arith.cmpi eq, %squeeze3A_117, %squeeze3A_76 : i32
    %and3A_119 = arith.andi %and3A_115, %eq3A_118 : i1
    %slice3A_120 = vector.extract_strided_slice %get3A_74 {offsets = [12], sizes = [1], strides = [1]} : vector<16xi32> to vector<1xi32>
    %squeeze3A_121 = vector.extract %slice3A_120[0] : i32 from vector<1xi32>
    %eq3A_122 = arith.cmpi eq, %squeeze3A_121, %squeeze3A_76 : i32
    %and3A_123 = arith.andi %and3A_119, %eq3A_122 : i1
    %slice3A_124 = vector.extract_strided_slice %get3A_74 {offsets = [13], sizes = [1], strides = [1]} : vector<16xi32> to vector<1xi32>
    %squeeze3A_125 = vector.extract %slice3A_124[0] : i32 from vector<1xi32>
    %eq3A_126 = arith.cmpi eq, %squeeze3A_125, %squeeze3A_76 : i32
    %and3A_127 = arith.andi %and3A_123, %eq3A_126 : i1
    %slice3A_128 = vector.extract_strided_slice %get3A_74 {offsets = [14], sizes = [1], strides = [1]} : vector<16xi32> to vector<1xi32>
    %squeeze3A_129 = vector.extract %slice3A_128[0] : i32 from vector<1xi32>
    %eq3A_130 = arith.cmpi eq, %squeeze3A_129, %squeeze3A_76 : i32
    %and3A_131 = arith.andi %and3A_127, %eq3A_130 : i1
    %slice3A_132 = vector.extract_strided_slice %get3A_74 {offsets = [15], sizes = [1], strides = [1]} : vector<16xi32> to vector<1xi32>
    %squeeze3A_133 = vector.extract %slice3A_132[0] : i32 from vector<1xi32>
    %eq3A_134 = arith.cmpi eq, %squeeze3A_133, %squeeze3A_76 : i32
    %and3A_135 = arith.andi %and3A_131, %eq3A_134 : i1
    %ne3A_136 = arith.cmpi ne, %squeeze3A_76, %select_n3A : i32
    %and3A_137 = arith.andi %and3A_135, %ne3A_136 : i1
    %select_n3A_138 = arith.select %and3A_137, %squeeze3A_76, %select_n3A : i32
    %convert_element_type3A_139 = arith.extui %and3A_137 : i1 to i32
    %cond3A_140 = arith.constant 0 : i32
    %cond3A_141 = arith.cmpi ne, %convert_element_type3A_139, %cond3A_140 : i32
    scf.if %cond3A_141 {
      %dma_start3A = arith.constant 16 : i32
      %dma_start3A_462 = tpu.memref_slice %arg5[%dma_start3A] : memref<96xi32, #tpu.memory_space<vmem>> -> memref<8xi32, #tpu.memory_space<vmem>>
      %dma_start3A_463 = arith.constant 0 : i32
      %dma_start3A_464 = arith.constant 0 : i32
      %dma_start3A_465 = arith.constant 0 : i32
      %dma_start3A_466 = tpu.memref_slice %arg2[%dma_start3A_463, %dma_start3A_464, %dma_start3A_465] : memref<120x8x768xf32, #tpu.memory_space<hbm>> -> memref<120x8x768xf32, #tpu.memory_space<hbm>>
      tpu.enqueue_indirect_dma source(%dma_start3A_466 : memref<120x8x768xf32, #tpu.memory_space<hbm>>) target(%arg6 : memref<8x8x768xf32, #tpu.memory_space<vmem>>) offsets(%dma_start3A_462 : memref<8xi32, #tpu.memory_space<vmem>>) semaphore(%arg8 : memref<!tpu.dma_semaphore, #tpu.memory_space<semaphore_mem>>)
      %dma_wait3A = arith.constant 16 : i32
      %dma_wait3A_467 = tpu.memref_slice %arg5[%dma_wait3A] : memref<96xi32, #tpu.memory_space<vmem>> -> memref<8xi32, #tpu.memory_space<vmem>>
      %dma_wait3A_468 = arith.constant 0 : i32
      %dma_wait3A_469 = arith.constant 0 : i32
      %dma_wait3A_470 = arith.constant 0 : i32
      %dma_wait3A_471 = tpu.memref_slice %arg2[%dma_wait3A_468, %dma_wait3A_469, %dma_wait3A_470] : memref<120x8x768xf32, #tpu.memory_space<hbm>> -> memref<120x8x768xf32, #tpu.memory_space<hbm>>
      tpu.wait_indirect_dma semaphore(%arg8 : memref<!tpu.dma_semaphore, #tpu.memory_space<semaphore_mem>>) src(%dma_wait3A_471 : memref<120x8x768xf32, #tpu.memory_space<hbm>>) dst(%arg6 : memref<8x8x768xf32, #tpu.memory_space<vmem>>)
    } else {
    }
    %convert_element_type3A_142 = arith.extui %and3A_135 : i1 to i32
    %cond3A_143 = arith.constant 0 : i32
    %cond3A_144 = arith.cmpi ne, %convert_element_type3A_142, %cond3A_143 : i32
    scf.if %cond3A_144 {
      %add3A_462 = arith.constant 16 : i32
      %add3A_463 = arith.addi %mul3A_2, %add3A_462 : i32
      %jit3A_464 = arith.constant 256 : i32
      %div3A = arith.divsi %add3A_463, %jit3A_464 : i32
      %sign3A = arith.constant 0 : i32
      %sign3A_465 = arith.cmpi sgt, %add3A_463, %sign3A : i32
      %sign3A_466 = arith.extui %sign3A_465 : i1 to i32
      %sign3A_467 = arith.constant 0 : i32
      %sign3A_468 = arith.cmpi slt, %add3A_463, %sign3A_467 : i32
      %sign3A_469 = arith.extui %sign3A_468 : i1 to i32
      %sign3A_470 = arith.subi %sign3A_466, %sign3A_469 : i32
      %sign3A_471 = arith.constant 0 : i32
      %sign3A_472 = arith.cmpi sgt, %jit3A_464, %sign3A_471 : i32
      %sign3A_473 = arith.extui %sign3A_472 : i1 to i32
      %sign3A_474 = arith.constant 0 : i32
      %sign3A_475 = arith.cmpi slt, %jit3A_464, %sign3A_474 : i32
      %sign3A_476 = arith.extui %sign3A_475 : i1 to i32
      %sign3A_477 = arith.subi %sign3A_473, %sign3A_476 : i32
      %ne3A_478 = arith.cmpi ne, %sign3A_470, %sign3A_477 : i32
      %rem3A = arith.remsi %add3A_463, %jit3A_464 : i32
      %ne3A_479 = arith.constant 0 : i32
      %ne3A_480 = arith.cmpi ne, %rem3A, %ne3A_479 : i32
      %and3A_481 = arith.andi %ne3A_478, %ne3A_480 : i1
      %sub3A = arith.constant 1 : i32
      %sub3A_482 = arith.subi %div3A, %sub3A : i32
      %select_n3A_483 = arith.select %and3A_481, %sub3A_482, %div3A : i32
      %jit3A_484 = arith.constant 256 : i32
      %eq3A_485 = arith.constant 0 : i32
      %eq3A_486 = arith.cmpi eq, %jit3A_484, %eq3A_485 : i32
      %jit3A_487 = arith.constant 1 : i32
      %select_n3A_488 = arith.select %eq3A_486, %jit3A_487, %jit3A_484 : i32
      %rem3A_489 = arith.remsi %add3A_463, %select_n3A_488 : i32
      %ne3A_490 = arith.constant 0 : i32
      %ne3A_491 = arith.cmpi ne, %rem3A_489, %ne3A_490 : i32
      %lt3A = arith.constant 0 : i32
      %lt3A_492 = arith.cmpi slt, %rem3A_489, %lt3A : i32
      %lt3A_493 = arith.constant 0 : i32
      %lt3A_494 = arith.cmpi slt, %select_n3A_488, %lt3A_493 : i32
      %ne3A_495 = arith.xori %lt3A_492, %lt3A_494 : i1
      %and3A_496 = arith.andi %ne3A_495, %ne3A_491 : i1
      %add3A_497 = arith.addi %rem3A_489, %select_n3A_488 : i32
      %select_n3A_498 = arith.select %and3A_496, %add3A_497, %rem3A_489 : i32
      %dma_start3A = arith.constant 0 : i32
      %dma_start3A_499 = arith.constant 0 : i32
      %dma_start3A_500 = tpu.memref_slice %arg4[%select_n3A_483, %select_n3A_498, %dma_start3A, %dma_start3A_499] : memref<12x256x8x768xf32, #tpu.memory_space<hbm>> -> memref<1x8x8x768xf32, #tpu.memory_space<hbm>>
      %dma_start3A_501 = tpu.memref_squeeze %dma_start3A_500 : memref<1x8x8x768xf32, #tpu.memory_space<hbm>> -> memref<8x8x768xf32, #tpu.memory_space<hbm>>
      %dma_start3A_502 = arith.constant 0 : i32
      %dma_start3A_503 = arith.constant 0 : i32
      %dma_start3A_504 = tpu.memref_slice %arg4[%select_n3A_483, %select_n3A_498, %dma_start3A_502, %dma_start3A_503] : memref<12x256x8x768xf32, #tpu.memory_space<hbm>> -> memref<1x8x8x768xf32, #tpu.memory_space<hbm>>
      %dma_start3A_505 = tpu.memref_squeeze %dma_start3A_504 : memref<1x8x8x768xf32, #tpu.memory_space<hbm>> -> memref<8x8x768xf32, #tpu.memory_space<hbm>>
      tpu.enqueue_dma source(%arg6 : memref<8x8x768xf32, #tpu.memory_space<vmem>>) target(%dma_start3A_505 : memref<8x8x768xf32, #tpu.memory_space<hbm>>) target_semaphore(%arg9 : memref<!tpu.dma_semaphore, #tpu.memory_space<semaphore_mem>>)
      %add3A_506 = arith.constant 24 : i32
      %add3A_507 = arith.addi %mul3A_2, %add3A_506 : i32
      %jit3A_508 = arith.constant 256 : i32
      %div3A_509 = arith.divsi %add3A_507, %jit3A_508 : i32
      %sign3A_510 = arith.constant 0 : i32
      %sign3A_511 = arith.cmpi sgt, %add3A_507, %sign3A_510 : i32
      %sign3A_512 = arith.extui %sign3A_511 : i1 to i32
      %sign3A_513 = arith.constant 0 : i32
      %sign3A_514 = arith.cmpi slt, %add3A_507, %sign3A_513 : i32
      %sign3A_515 = arith.extui %sign3A_514 : i1 to i32
      %sign3A_516 = arith.subi %sign3A_512, %sign3A_515 : i32
      %sign3A_517 = arith.constant 0 : i32
      %sign3A_518 = arith.cmpi sgt, %jit3A_508, %sign3A_517 : i32
      %sign3A_519 = arith.extui %sign3A_518 : i1 to i32
      %sign3A_520 = arith.constant 0 : i32
      %sign3A_521 = arith.cmpi slt, %jit3A_508, %sign3A_520 : i32
      %sign3A_522 = arith.extui %sign3A_521 : i1 to i32
      %sign3A_523 = arith.subi %sign3A_519, %sign3A_522 : i32
      %ne3A_524 = arith.cmpi ne, %sign3A_516, %sign3A_523 : i32
      %rem3A_525 = arith.remsi %add3A_507, %jit3A_508 : i32
      %ne3A_526 = arith.constant 0 : i32
      %ne3A_527 = arith.cmpi ne, %rem3A_525, %ne3A_526 : i32
      %and3A_528 = arith.andi %ne3A_524, %ne3A_527 : i1
      %sub3A_529 = arith.constant 1 : i32
      %sub3A_530 = arith.subi %div3A_509, %sub3A_529 : i32
      %select_n3A_531 = arith.select %and3A_528, %sub3A_530, %div3A_509 : i32
      %jit3A_532 = arith.constant 256 : i32
      %eq3A_533 = arith.constant 0 : i32
      %eq3A_534 = arith.cmpi eq, %jit3A_532, %eq3A_533 : i32
      %jit3A_535 = arith.constant 1 : i32
      %select_n3A_536 = arith.select %eq3A_534, %jit3A_535, %jit3A_532 : i32
      %rem3A_537 = arith.remsi %add3A_507, %select_n3A_536 : i32
      %ne3A_538 = arith.constant 0 : i32
      %ne3A_539 = arith.cmpi ne, %rem3A_537, %ne3A_538 : i32
      %lt3A_540 = arith.constant 0 : i32
      %lt3A_541 = arith.cmpi slt, %rem3A_537, %lt3A_540 : i32
      %lt3A_542 = arith.constant 0 : i32
      %lt3A_543 = arith.cmpi slt, %select_n3A_536, %lt3A_542 : i32
      %ne3A_544 = arith.xori %lt3A_541, %lt3A_543 : i1
      %and3A_545 = arith.andi %ne3A_544, %ne3A_539 : i1
      %add3A_546 = arith.addi %rem3A_537, %select_n3A_536 : i32
      %select_n3A_547 = arith.select %and3A_545, %add3A_546, %rem3A_537 : i32
      %dma_start3A_548 = arith.constant 0 : i32
      %dma_start3A_549 = arith.constant 0 : i32
      %dma_start3A_550 = tpu.memref_slice %arg4[%select_n3A_531, %select_n3A_547, %dma_start3A_548, %dma_start3A_549] : memref<12x256x8x768xf32, #tpu.memory_space<hbm>> -> memref<1x8x8x768xf32, #tpu.memory_space<hbm>>
      %dma_start3A_551 = tpu.memref_squeeze %dma_start3A_550 : memref<1x8x8x768xf32, #tpu.memory_space<hbm>> -> memref<8x8x768xf32, #tpu.memory_space<hbm>>
      %dma_start3A_552 = arith.constant 0 : i32
      %dma_start3A_553 = arith.constant 0 : i32
      %dma_start3A_554 = tpu.memref_slice %arg4[%select_n3A_531, %select_n3A_547, %dma_start3A_552, %dma_start3A_553] : memref<12x256x8x768xf32, #tpu.memory_space<hbm>> -> memref<1x8x8x768xf32, #tpu.memory_space<hbm>>
      %dma_start3A_555 = tpu.memref_squeeze %dma_start3A_554 : memref<1x8x8x768xf32, #tpu.memory_space<hbm>> -> memref<8x8x768xf32, #tpu.memory_space<hbm>>
      tpu.enqueue_dma source(%arg6 : memref<8x8x768xf32, #tpu.memory_space<vmem>>) target(%dma_start3A_555 : memref<8x8x768xf32, #tpu.memory_space<hbm>>) target_semaphore(%arg9 : memref<!tpu.dma_semaphore, #tpu.memory_space<semaphore_mem>>)
      %dma_wait3A = arith.constant 0 : i32
      %dma_wait3A_556 = arith.constant 0 : i32
      %dma_wait3A_557 = tpu.memref_slice %arg4[%select_n3A_483, %select_n3A_498, %dma_wait3A, %dma_wait3A_556] : memref<12x256x8x768xf32, #tpu.memory_space<hbm>> -> memref<1x8x8x768xf32, #tpu.memory_space<hbm>>
      %dma_wait3A_558 = tpu.memref_squeeze %dma_wait3A_557 : memref<1x8x8x768xf32, #tpu.memory_space<hbm>> -> memref<8x8x768xf32, #tpu.memory_space<hbm>>
      %dma_wait3A_559 = arith.constant 0 : i32
      %dma_wait3A_560 = arith.constant 0 : i32
      %dma_wait3A_561 = tpu.memref_slice %arg4[%select_n3A_483, %select_n3A_498, %dma_wait3A_559, %dma_wait3A_560] : memref<12x256x8x768xf32, #tpu.memory_space<hbm>> -> memref<1x8x8x768xf32, #tpu.memory_space<hbm>>
      %dma_wait3A_562 = tpu.memref_squeeze %dma_wait3A_561 : memref<1x8x8x768xf32, #tpu.memory_space<hbm>> -> memref<8x8x768xf32, #tpu.memory_space<hbm>>
      tpu.wait_dma2 semaphore(%arg9 : memref<!tpu.dma_semaphore, #tpu.memory_space<semaphore_mem>>) src(%arg6 : memref<8x8x768xf32, #tpu.memory_space<vmem>>) dst(%dma_wait3A_562 : memref<8x8x768xf32, #tpu.memory_space<hbm>>)
      %dma_wait3A_563 = arith.constant 0 : i32
      %dma_wait3A_564 = arith.constant 0 : i32
      %dma_wait3A_565 = tpu.memref_slice %arg4[%select_n3A_531, %select_n3A_547, %dma_wait3A_563, %dma_wait3A_564] : memref<12x256x8x768xf32, #tpu.memory_space<hbm>> -> memref<1x8x8x768xf32, #tpu.memory_space<hbm>>
      %dma_wait3A_566 = tpu.memref_squeeze %dma_wait3A_565 : memref<1x8x8x768xf32, #tpu.memory_space<hbm>> -> memref<8x8x768xf32, #tpu.memory_space<hbm>>
      %dma_wait3A_567 = arith.constant 0 : i32
      %dma_wait3A_568 = arith.constant 0 : i32
      %dma_wait3A_569 = tpu.memref_slice %arg4[%select_n3A_531, %select_n3A_547, %dma_wait3A_567, %dma_wait3A_568] : memref<12x256x8x768xf32, #tpu.memory_space<hbm>> -> memref<1x8x8x768xf32, #tpu.memory_space<hbm>>
      %dma_wait3A_570 = tpu.memref_squeeze %dma_wait3A_569 : memref<1x8x8x768xf32, #tpu.memory_space<hbm>> -> memref<8x8x768xf32, #tpu.memory_space<hbm>>
      tpu.wait_dma2 semaphore(%arg9 : memref<!tpu.dma_semaphore, #tpu.memory_space<semaphore_mem>>) src(%arg6 : memref<8x8x768xf32, #tpu.memory_space<vmem>>) dst(%dma_wait3A_570 : memref<8x8x768xf32, #tpu.memory_space<hbm>>)
    } else {
    }
    %not3A_145 = arith.constant true
    %not3A_146 = arith.xori %and3A_135, %not3A_145 : i1
    %convert_element_type3A_147 = arith.extui %not3A_146 : i1 to i32
    %cond3A_148 = arith.constant 0 : i32
    %cond3A_149 = arith.cmpi ne, %convert_element_type3A_147, %cond3A_148 : i32
    scf.if %cond3A_149 {
      %dma_start3A = arith.constant 16 : i32
      %dma_start3A_462 = tpu.memref_slice %arg5[%dma_start3A] : memref<96xi32, #tpu.memory_space<vmem>> -> memref<8xi32, #tpu.memory_space<vmem>>
      %dma_start3A_463 = arith.constant 0 : i32
      %dma_start3A_464 = arith.constant 0 : i32
      %dma_start3A_465 = arith.constant 0 : i32
      %dma_start3A_466 = tpu.memref_slice %arg2[%dma_start3A_463, %dma_start3A_464, %dma_start3A_465] : memref<120x8x768xf32, #tpu.memory_space<hbm>> -> memref<120x8x768xf32, #tpu.memory_space<hbm>>
      tpu.enqueue_indirect_dma source(%dma_start3A_466 : memref<120x8x768xf32, #tpu.memory_space<hbm>>) target(%arg7 : memref<8x8x768xf32, #tpu.memory_space<vmem>>) offsets(%dma_start3A_462 : memref<8xi32, #tpu.memory_space<vmem>>) semaphore(%arg8 : memref<!tpu.dma_semaphore, #tpu.memory_space<semaphore_mem>>)
      %dma_wait3A = arith.constant 16 : i32
      %dma_wait3A_467 = tpu.memref_slice %arg5[%dma_wait3A] : memref<96xi32, #tpu.memory_space<vmem>> -> memref<8xi32, #tpu.memory_space<vmem>>
      %dma_wait3A_468 = arith.constant 0 : i32
      %dma_wait3A_469 = arith.constant 0 : i32
      %dma_wait3A_470 = arith.constant 0 : i32
      %dma_wait3A_471 = tpu.memref_slice %arg2[%dma_wait3A_468, %dma_wait3A_469, %dma_wait3A_470] : memref<120x8x768xf32, #tpu.memory_space<hbm>> -> memref<120x8x768xf32, #tpu.memory_space<hbm>>
      tpu.wait_indirect_dma semaphore(%arg8 : memref<!tpu.dma_semaphore, #tpu.memory_space<semaphore_mem>>) src(%dma_wait3A_471 : memref<120x8x768xf32, #tpu.memory_space<hbm>>) dst(%arg7 : memref<8x8x768xf32, #tpu.memory_space<vmem>>)
      %add3A_472 = arith.constant 16 : i32
      %add3A_473 = arith.addi %mul3A_2, %add3A_472 : i32
      %jit3A_474 = arith.constant 256 : i32
      %div3A = arith.divsi %add3A_473, %jit3A_474 : i32
      %sign3A = arith.constant 0 : i32
      %sign3A_475 = arith.cmpi sgt, %add3A_473, %sign3A : i32
      %sign3A_476 = arith.extui %sign3A_475 : i1 to i32
      %sign3A_477 = arith.constant 0 : i32
      %sign3A_478 = arith.cmpi slt, %add3A_473, %sign3A_477 : i32
      %sign3A_479 = arith.extui %sign3A_478 : i1 to i32
      %sign3A_480 = arith.subi %sign3A_476, %sign3A_479 : i32
      %sign3A_481 = arith.constant 0 : i32
      %sign3A_482 = arith.cmpi sgt, %jit3A_474, %sign3A_481 : i32
      %sign3A_483 = arith.extui %sign3A_482 : i1 to i32
      %sign3A_484 = arith.constant 0 : i32
      %sign3A_485 = arith.cmpi slt, %jit3A_474, %sign3A_484 : i32
      %sign3A_486 = arith.extui %sign3A_485 : i1 to i32
      %sign3A_487 = arith.subi %sign3A_483, %sign3A_486 : i32
      %ne3A_488 = arith.cmpi ne, %sign3A_480, %sign3A_487 : i32
      %rem3A = arith.remsi %add3A_473, %jit3A_474 : i32
      %ne3A_489 = arith.constant 0 : i32
      %ne3A_490 = arith.cmpi ne, %rem3A, %ne3A_489 : i32
      %and3A_491 = arith.andi %ne3A_488, %ne3A_490 : i1
      %sub3A = arith.constant 1 : i32
      %sub3A_492 = arith.subi %div3A, %sub3A : i32
      %select_n3A_493 = arith.select %and3A_491, %sub3A_492, %div3A : i32
      %jit3A_494 = arith.constant 256 : i32
      %eq3A_495 = arith.constant 0 : i32
      %eq3A_496 = arith.cmpi eq, %jit3A_494, %eq3A_495 : i32
      %jit3A_497 = arith.constant 1 : i32
      %select_n3A_498 = arith.select %eq3A_496, %jit3A_497, %jit3A_494 : i32
      %rem3A_499 = arith.remsi %add3A_473, %select_n3A_498 : i32
      %ne3A_500 = arith.constant 0 : i32
      %ne3A_501 = arith.cmpi ne, %rem3A_499, %ne3A_500 : i32
      %lt3A = arith.constant 0 : i32
      %lt3A_502 = arith.cmpi slt, %rem3A_499, %lt3A : i32
      %lt3A_503 = arith.constant 0 : i32
      %lt3A_504 = arith.cmpi slt, %select_n3A_498, %lt3A_503 : i32
      %ne3A_505 = arith.xori %lt3A_502, %lt3A_504 : i1
      %and3A_506 = arith.andi %ne3A_505, %ne3A_501 : i1
      %add3A_507 = arith.addi %rem3A_499, %select_n3A_498 : i32
      %select_n3A_508 = arith.select %and3A_506, %add3A_507, %rem3A_499 : i32
      %dma_start3A_509 = arith.constant 0 : i32
      %dma_start3A_510 = arith.constant 0 : i32
      %dma_start3A_511 = tpu.memref_slice %arg4[%select_n3A_493, %select_n3A_508, %dma_start3A_509, %dma_start3A_510] : memref<12x256x8x768xf32, #tpu.memory_space<hbm>> -> memref<1x8x8x768xf32, #tpu.memory_space<hbm>>
      %dma_start3A_512 = tpu.memref_squeeze %dma_start3A_511 : memref<1x8x8x768xf32, #tpu.memory_space<hbm>> -> memref<8x8x768xf32, #tpu.memory_space<hbm>>
      %dma_start3A_513 = arith.constant 0 : i32
      %dma_start3A_514 = arith.constant 0 : i32
      %dma_start3A_515 = tpu.memref_slice %arg4[%select_n3A_493, %select_n3A_508, %dma_start3A_513, %dma_start3A_514] : memref<12x256x8x768xf32, #tpu.memory_space<hbm>> -> memref<1x8x8x768xf32, #tpu.memory_space<hbm>>
      %dma_start3A_516 = tpu.memref_squeeze %dma_start3A_515 : memref<1x8x8x768xf32, #tpu.memory_space<hbm>> -> memref<8x8x768xf32, #tpu.memory_space<hbm>>
      tpu.enqueue_dma source(%arg7 : memref<8x8x768xf32, #tpu.memory_space<vmem>>) target(%dma_start3A_516 : memref<8x8x768xf32, #tpu.memory_space<hbm>>) target_semaphore(%arg9 : memref<!tpu.dma_semaphore, #tpu.memory_space<semaphore_mem>>)
      %dma_wait3A_517 = arith.constant 0 : i32
      %dma_wait3A_518 = arith.constant 0 : i32
      %dma_wait3A_519 = tpu.memref_slice %arg4[%select_n3A_493, %select_n3A_508, %dma_wait3A_517, %dma_wait3A_518] : memref<12x256x8x768xf32, #tpu.memory_space<hbm>> -> memref<1x8x8x768xf32, #tpu.memory_space<hbm>>
      %dma_wait3A_520 = tpu.memref_squeeze %dma_wait3A_519 : memref<1x8x8x768xf32, #tpu.memory_space<hbm>> -> memref<8x8x768xf32, #tpu.memory_space<hbm>>
      %dma_wait3A_521 = arith.constant 0 : i32
      %dma_wait3A_522 = arith.constant 0 : i32
      %dma_wait3A_523 = tpu.memref_slice %arg4[%select_n3A_493, %select_n3A_508, %dma_wait3A_521, %dma_wait3A_522] : memref<12x256x8x768xf32, #tpu.memory_space<hbm>> -> memref<1x8x8x768xf32, #tpu.memory_space<hbm>>
      %dma_wait3A_524 = tpu.memref_squeeze %dma_wait3A_523 : memref<1x8x8x768xf32, #tpu.memory_space<hbm>> -> memref<8x8x768xf32, #tpu.memory_space<hbm>>
      tpu.wait_dma2 semaphore(%arg9 : memref<!tpu.dma_semaphore, #tpu.memory_space<semaphore_mem>>) src(%arg7 : memref<8x8x768xf32, #tpu.memory_space<vmem>>) dst(%dma_wait3A_524 : memref<8x8x768xf32, #tpu.memory_space<hbm>>)
      %dma_start3A_525 = arith.constant 24 : i32
      %dma_start3A_526 = tpu.memref_slice %arg5[%dma_start3A_525] : memref<96xi32, #tpu.memory_space<vmem>> -> memref<8xi32, #tpu.memory_space<vmem>>
      %dma_start3A_527 = arith.constant 0 : i32
      %dma_start3A_528 = arith.constant 0 : i32
      %dma_start3A_529 = arith.constant 0 : i32
      %dma_start3A_530 = tpu.memref_slice %arg2[%dma_start3A_527, %dma_start3A_528, %dma_start3A_529] : memref<120x8x768xf32, #tpu.memory_space<hbm>> -> memref<120x8x768xf32, #tpu.memory_space<hbm>>
      tpu.enqueue_indirect_dma source(%dma_start3A_530 : memref<120x8x768xf32, #tpu.memory_space<hbm>>) target(%arg7 : memref<8x8x768xf32, #tpu.memory_space<vmem>>) offsets(%dma_start3A_526 : memref<8xi32, #tpu.memory_space<vmem>>) semaphore(%arg8 : memref<!tpu.dma_semaphore, #tpu.memory_space<semaphore_mem>>)
      %dma_wait3A_531 = arith.constant 24 : i32
      %dma_wait3A_532 = tpu.memref_slice %arg5[%dma_wait3A_531] : memref<96xi32, #tpu.memory_space<vmem>> -> memref<8xi32, #tpu.memory_space<vmem>>
      %dma_wait3A_533 = arith.constant 0 : i32
      %dma_wait3A_534 = arith.constant 0 : i32
      %dma_wait3A_535 = arith.constant 0 : i32
      %dma_wait3A_536 = tpu.memref_slice %arg2[%dma_wait3A_533, %dma_wait3A_534, %dma_wait3A_535] : memref<120x8x768xf32, #tpu.memory_space<hbm>> -> memref<120x8x768xf32, #tpu.memory_space<hbm>>
      tpu.wait_indirect_dma semaphore(%arg8 : memref<!tpu.dma_semaphore, #tpu.memory_space<semaphore_mem>>) src(%dma_wait3A_536 : memref<120x8x768xf32, #tpu.memory_space<hbm>>) dst(%arg7 : memref<8x8x768xf32, #tpu.memory_space<vmem>>)
      %add3A_537 = arith.constant 24 : i32
      %add3A_538 = arith.addi %mul3A_2, %add3A_537 : i32
      %jit3A_539 = arith.constant 256 : i32
      %div3A_540 = arith.divsi %add3A_538, %jit3A_539 : i32
      %sign3A_541 = arith.constant 0 : i32
      %sign3A_542 = arith.cmpi sgt, %add3A_538, %sign3A_541 : i32
      %sign3A_543 = arith.extui %sign3A_542 : i1 to i32
      %sign3A_544 = arith.constant 0 : i32
      %sign3A_545 = arith.cmpi slt, %add3A_538, %sign3A_544 : i32
      %sign3A_546 = arith.extui %sign3A_545 : i1 to i32
      %sign3A_547 = arith.subi %sign3A_543, %sign3A_546 : i32
      %sign3A_548 = arith.constant 0 : i32
      %sign3A_549 = arith.cmpi sgt, %jit3A_539, %sign3A_548 : i32
      %sign3A_550 = arith.extui %sign3A_549 : i1 to i32
      %sign3A_551 = arith.constant 0 : i32
      %sign3A_552 = arith.cmpi slt, %jit3A_539, %sign3A_551 : i32
      %sign3A_553 = arith.extui %sign3A_552 : i1 to i32
      %sign3A_554 = arith.subi %sign3A_550, %sign3A_553 : i32
      %ne3A_555 = arith.cmpi ne, %sign3A_547, %sign3A_554 : i32
      %rem3A_556 = arith.remsi %add3A_538, %jit3A_539 : i32
      %ne3A_557 = arith.constant 0 : i32
      %ne3A_558 = arith.cmpi ne, %rem3A_556, %ne3A_557 : i32
      %and3A_559 = arith.andi %ne3A_555, %ne3A_558 : i1
      %sub3A_560 = arith.constant 1 : i32
      %sub3A_561 = arith.subi %div3A_540, %sub3A_560 : i32
      %select_n3A_562 = arith.select %and3A_559, %sub3A_561, %div3A_540 : i32
      %jit3A_563 = arith.constant 256 : i32
      %eq3A_564 = arith.constant 0 : i32
      %eq3A_565 = arith.cmpi eq, %jit3A_563, %eq3A_564 : i32
      %jit3A_566 = arith.constant 1 : i32
      %select_n3A_567 = arith.select %eq3A_565, %jit3A_566, %jit3A_563 : i32
      %rem3A_568 = arith.remsi %add3A_538, %select_n3A_567 : i32
      %ne3A_569 = arith.constant 0 : i32
      %ne3A_570 = arith.cmpi ne, %rem3A_568, %ne3A_569 : i32
      %lt3A_571 = arith.constant 0 : i32
      %lt3A_572 = arith.cmpi slt, %rem3A_568, %lt3A_571 : i32
      %lt3A_573 = arith.constant 0 : i32
      %lt3A_574 = arith.cmpi slt, %select_n3A_567, %lt3A_573 : i32
      %ne3A_575 = arith.xori %lt3A_572, %lt3A_574 : i1
      %and3A_576 = arith.andi %ne3A_575, %ne3A_570 : i1
      %add3A_577 = arith.addi %rem3A_568, %select_n3A_567 : i32
      %select_n3A_578 = arith.select %and3A_576, %add3A_577, %rem3A_568 : i32
      %dma_start3A_579 = arith.constant 0 : i32
      %dma_start3A_580 = arith.constant 0 : i32
      %dma_start3A_581 = tpu.memref_slice %arg4[%select_n3A_562, %select_n3A_578, %dma_start3A_579, %dma_start3A_580] : memref<12x256x8x768xf32, #tpu.memory_space<hbm>> -> memref<1x8x8x768xf32, #tpu.memory_space<hbm>>
      %dma_start3A_582 = tpu.memref_squeeze %dma_start3A_581 : memref<1x8x8x768xf32, #tpu.memory_space<hbm>> -> memref<8x8x768xf32, #tpu.memory_space<hbm>>
      %dma_start3A_583 = arith.constant 0 : i32
      %dma_start3A_584 = arith.constant 0 : i32
      %dma_start3A_585 = tpu.memref_slice %arg4[%select_n3A_562, %select_n3A_578, %dma_start3A_583, %dma_start3A_584] : memref<12x256x8x768xf32, #tpu.memory_space<hbm>> -> memref<1x8x8x768xf32, #tpu.memory_space<hbm>>
      %dma_start3A_586 = tpu.memref_squeeze %dma_start3A_585 : memref<1x8x8x768xf32, #tpu.memory_space<hbm>> -> memref<8x8x768xf32, #tpu.memory_space<hbm>>
      tpu.enqueue_dma source(%arg7 : memref<8x8x768xf32, #tpu.memory_space<vmem>>) target(%dma_start3A_586 : memref<8x8x768xf32, #tpu.memory_space<hbm>>) target_semaphore(%arg9 : memref<!tpu.dma_semaphore, #tpu.memory_space<semaphore_mem>>)
      %dma_wait3A_587 = arith.constant 0 : i32
      %dma_wait3A_588 = arith.constant 0 : i32
      %dma_wait3A_589 = tpu.memref_slice %arg4[%select_n3A_562, %select_n3A_578, %dma_wait3A_587, %dma_wait3A_588] : memref<12x256x8x768xf32, #tpu.memory_space<hbm>> -> memref<1x8x8x768xf32, #tpu.memory_space<hbm>>
      %dma_wait3A_590 = tpu.memref_squeeze %dma_wait3A_589 : memref<1x8x8x768xf32, #tpu.memory_space<hbm>> -> memref<8x8x768xf32, #tpu.memory_space<hbm>>
      %dma_wait3A_591 = arith.constant 0 : i32
      %dma_wait3A_592 = arith.constant 0 : i32
      %dma_wait3A_593 = tpu.memref_slice %arg4[%select_n3A_562, %select_n3A_578, %dma_wait3A_591, %dma_wait3A_592] : memref<12x256x8x768xf32, #tpu.memory_space<hbm>> -> memref<1x8x8x768xf32, #tpu.memory_space<hbm>>
      %dma_wait3A_594 = tpu.memref_squeeze %dma_wait3A_593 : memref<1x8x8x768xf32, #tpu.memory_space<hbm>> -> memref<8x8x768xf32, #tpu.memory_space<hbm>>
      tpu.wait_dma2 semaphore(%arg9 : memref<!tpu.dma_semaphore, #tpu.memory_space<semaphore_mem>>) src(%arg7 : memref<8x8x768xf32, #tpu.memory_space<vmem>>) dst(%dma_wait3A_594 : memref<8x8x768xf32, #tpu.memory_space<hbm>>)
    } else {
    }
    %get3A_150 = arith.constant 32 : index
    %get3A_151 = tpu.vector_load %arg5[%get3A_150] {strides = array<i32>} : memref<96xi32, #tpu.memory_space<vmem>>, vector<16xi32>,
    %get3A_152 = vector.shape_cast %get3A_151 : vector<16xi32> to vector<16xi32>
    %slice3A_153 = vector.extract_strided_slice %get3A_152 {offsets = [0], sizes = [1], strides = [1]} : vector<16xi32> to vector<1xi32>
    %squeeze3A_154 = vector.extract %slice3A_153[0] : i32 from vector<1xi32>
    %slice3A_155 = vector.extract_strided_slice %get3A_152 {offsets = [1], sizes = [1], strides = [1]} : vector<16xi32> to vector<1xi32>
    %squeeze3A_156 = vector.extract %slice3A_155[0] : i32 from vector<1xi32>
    %eq3A_157 = arith.cmpi eq, %squeeze3A_156, %squeeze3A_154 : i32
    %slice3A_158 = vector.extract_strided_slice %get3A_152 {offsets = [2], sizes = [1], strides = [1]} : vector<16xi32> to vector<1xi32>
    %squeeze3A_159 = vector.extract %slice3A_158[0] : i32 from vector<1xi32>
    %eq3A_160 = arith.cmpi eq, %squeeze3A_159, %squeeze3A_154 : i32
    %and3A_161 = arith.andi %eq3A_157, %eq3A_160 : i1
    %slice3A_162 = vector.extract_strided_slice %get3A_152 {offsets = [3], sizes = [1], strides = [1]} : vector<16xi32> to vector<1xi32>
    %squeeze3A_163 = vector.extract %slice3A_162[0] : i32 from vector<1xi32>
    %eq3A_164 = arith.cmpi eq, %squeeze3A_163, %squeeze3A_154 : i32
    %and3A_165 = arith.andi %and3A_161, %eq3A_164 : i1
    %slice3A_166 = vector.extract_strided_slice %get3A_152 {offsets = [4], sizes = [1], strides = [1]} : vector<16xi32> to vector<1xi32>
    %squeeze3A_167 = vector.extract %slice3A_166[0] : i32 from vector<1xi32>
    %eq3A_168 = arith.cmpi eq, %squeeze3A_167, %squeeze3A_154 : i32
    %and3A_169 = arith.andi %and3A_165, %eq3A_168 : i1
    %slice3A_170 = vector.extract_strided_slice %get3A_152 {offsets = [5], sizes = [1], strides = [1]} : vector<16xi32> to vector<1xi32>
    %squeeze3A_171 = vector.extract %slice3A_170[0] : i32 from vector<1xi32>
    %eq3A_172 = arith.cmpi eq, %squeeze3A_171, %squeeze3A_154 : i32
    %and3A_173 = arith.andi %and3A_169, %eq3A_172 : i1
    %slice3A_174 = vector.extract_strided_slice %get3A_152 {offsets = [6], sizes = [1], strides = [1]} : vector<16xi32> to vector<1xi32>
    %squeeze3A_175 = vector.extract %slice3A_174[0] : i32 from vector<1xi32>
    %eq3A_176 = arith.cmpi eq, %squeeze3A_175, %squeeze3A_154 : i32
    %and3A_177 = arith.andi %and3A_173, %eq3A_176 : i1
    %slice3A_178 = vector.extract_strided_slice %get3A_152 {offsets = [7], sizes = [1], strides = [1]} : vector<16xi32> to vector<1xi32>
    %squeeze3A_179 = vector.extract %slice3A_178[0] : i32 from vector<1xi32>
    %eq3A_180 = arith.cmpi eq, %squeeze3A_179, %squeeze3A_154 : i32
    %and3A_181 = arith.andi %and3A_177, %eq3A_180 : i1
    %slice3A_182 = vector.extract_strided_slice %get3A_152 {offsets = [8], sizes = [1], strides = [1]} : vector<16xi32> to vector<1xi32>
    %squeeze3A_183 = vector.extract %slice3A_182[0] : i32 from vector<1xi32>
    %eq3A_184 = arith.cmpi eq, %squeeze3A_183, %squeeze3A_154 : i32
    %and3A_185 = arith.andi %and3A_181, %eq3A_184 : i1
    %slice3A_186 = vector.extract_strided_slice %get3A_152 {offsets = [9], sizes = [1], strides = [1]} : vector<16xi32> to vector<1xi32>
    %squeeze3A_187 = vector.extract %slice3A_186[0] : i32 from vector<1xi32>
    %eq3A_188 = arith.cmpi eq, %squeeze3A_187, %squeeze3A_154 : i32
    %and3A_189 = arith.andi %and3A_185, %eq3A_188 : i1
    %slice3A_190 = vector.extract_strided_slice %get3A_152 {offsets = [10], sizes = [1], strides = [1]} : vector<16xi32> to vector<1xi32>
    %squeeze3A_191 = vector.extract %slice3A_190[0] : i32 from vector<1xi32>
    %eq3A_192 = arith.cmpi eq, %squeeze3A_191, %squeeze3A_154 : i32
    %and3A_193 = arith.andi %and3A_189, %eq3A_192 : i1
    %slice3A_194 = vector.extract_strided_slice %get3A_152 {offsets = [11], sizes = [1], strides = [1]} : vector<16xi32> to vector<1xi32>
    %squeeze3A_195 = vector.extract %slice3A_194[0] : i32 from vector<1xi32>
    %eq3A_196 = arith.cmpi eq, %squeeze3A_195, %squeeze3A_154 : i32
    %and3A_197 = arith.andi %and3A_193, %eq3A_196 : i1
    %slice3A_198 = vector.extract_strided_slice %get3A_152 {offsets = [12], sizes = [1], strides = [1]} : vector<16xi32> to vector<1xi32>
    %squeeze3A_199 = vector.extract %slice3A_198[0] : i32 from vector<1xi32>
    %eq3A_200 = arith.cmpi eq, %squeeze3A_199, %squeeze3A_154 : i32
    %and3A_201 = arith.andi %and3A_197, %eq3A_200 : i1
    %slice3A_202 = vector.extract_strided_slice %get3A_152 {offsets = [13], sizes = [1], strides = [1]} : vector<16xi32> to vector<1xi32>
    %squeeze3A_203 = vector.extract %slice3A_202[0] : i32 from vector<1xi32>
    %eq3A_204 = arith.cmpi eq, %squeeze3A_203, %squeeze3A_154 : i32
    %and3A_205 = arith.andi %and3A_201, %eq3A_204 : i1
    %slice3A_206 = vector.extract_strided_slice %get3A_152 {offsets = [14], sizes = [1], strides = [1]} : vector<16xi32> to vector<1xi32>
    %squeeze3A_207 = vector.extract %slice3A_206[0] : i32 from vector<1xi32>
    %eq3A_208 = arith.cmpi eq, %squeeze3A_207, %squeeze3A_154 : i32
    %and3A_209 = arith.andi %and3A_205, %eq3A_208 : i1
    %slice3A_210 = vector.extract_strided_slice %get3A_152 {offsets = [15], sizes = [1], strides = [1]} : vector<16xi32> to vector<1xi32>
    %squeeze3A_211 = vector.extract %slice3A_210[0] : i32 from vector<1xi32>
    %eq3A_212 = arith.cmpi eq, %squeeze3A_211, %squeeze3A_154 : i32
    %and3A_213 = arith.andi %and3A_209, %eq3A_212 : i1
    %ne3A_214 = arith.cmpi ne, %squeeze3A_154, %select_n3A_138 : i32
    %and3A_215 = arith.andi %and3A_213, %ne3A_214 : i1
    %select_n3A_216 = arith.select %and3A_215, %squeeze3A_154, %select_n3A_138 : i32
    %convert_element_type3A_217 = arith.extui %and3A_215 : i1 to i32
    %cond3A_218 = arith.constant 0 : i32
    %cond3A_219 = arith.cmpi ne, %convert_element_type3A_217, %cond3A_218 : i32
    scf.if %cond3A_219 {
      %dma_start3A = arith.constant 32 : i32
      %dma_start3A_462 = tpu.memref_slice %arg5[%dma_start3A] : memref<96xi32, #tpu.memory_space<vmem>> -> memref<8xi32, #tpu.memory_space<vmem>>
      %dma_start3A_463 = arith.constant 0 : i32
      %dma_start3A_464 = arith.constant 0 : i32
      %dma_start3A_465 = arith.constant 0 : i32
      %dma_start3A_466 = tpu.memref_slice %arg2[%dma_start3A_463, %dma_start3A_464, %dma_start3A_465] : memref<120x8x768xf32, #tpu.memory_space<hbm>> -> memref<120x8x768xf32, #tpu.memory_space<hbm>>
      tpu.enqueue_indirect_dma source(%dma_start3A_466 : memref<120x8x768xf32, #tpu.memory_space<hbm>>) target(%arg6 : memref<8x8x768xf32, #tpu.memory_space<vmem>>) offsets(%dma_start3A_462 : memref<8xi32, #tpu.memory_space<vmem>>) semaphore(%arg8 : memref<!tpu.dma_semaphore, #tpu.memory_space<semaphore_mem>>)
      %dma_wait3A = arith.constant 32 : i32
      %dma_wait3A_467 = tpu.memref_slice %arg5[%dma_wait3A] : memref<96xi32, #tpu.memory_space<vmem>> -> memref<8xi32, #tpu.memory_space<vmem>>
      %dma_wait3A_468 = arith.constant 0 : i32
      %dma_wait3A_469 = arith.constant 0 : i32
      %dma_wait3A_470 = arith.constant 0 : i32
      %dma_wait3A_471 = tpu.memref_slice %arg2[%dma_wait3A_468, %dma_wait3A_469, %dma_wait3A_470] : memref<120x8x768xf32, #tpu.memory_space<hbm>> -> memref<120x8x768xf32, #tpu.memory_space<hbm>>
      tpu.wait_indirect_dma semaphore(%arg8 : memref<!tpu.dma_semaphore, #tpu.memory_space<semaphore_mem>>) src(%dma_wait3A_471 : memref<120x8x768xf32, #tpu.memory_space<hbm>>) dst(%arg6 : memref<8x8x768xf32, #tpu.memory_space<vmem>>)
    } else {
    }
    %convert_element_type3A_220 = arith.extui %and3A_213 : i1 to i32
    %cond3A_221 = arith.constant 0 : i32
    %cond3A_222 = arith.cmpi ne, %convert_element_type3A_220, %cond3A_221 : i32
    scf.if %cond3A_222 {
      %add3A_462 = arith.constant 32 : i32
      %add3A_463 = arith.addi %mul3A_2, %add3A_462 : i32
      %jit3A_464 = arith.constant 256 : i32
      %div3A = arith.divsi %add3A_463, %jit3A_464 : i32
      %sign3A = arith.constant 0 : i32
      %sign3A_465 = arith.cmpi sgt, %add3A_463, %sign3A : i32
      %sign3A_466 = arith.extui %sign3A_465 : i1 to i32
      %sign3A_467 = arith.constant 0 : i32
      %sign3A_468 = arith.cmpi slt, %add3A_463, %sign3A_467 : i32
      %sign3A_469 = arith.extui %sign3A_468 : i1 to i32
      %sign3A_470 = arith.subi %sign3A_466, %sign3A_469 : i32
      %sign3A_471 = arith.constant 0 : i32
      %sign3A_472 = arith.cmpi sgt, %jit3A_464, %sign3A_471 : i32
      %sign3A_473 = arith.extui %sign3A_472 : i1 to i32
      %sign3A_474 = arith.constant 0 : i32
      %sign3A_475 = arith.cmpi slt, %jit3A_464, %sign3A_474 : i32
      %sign3A_476 = arith.extui %sign3A_475 : i1 to i32
      %sign3A_477 = arith.subi %sign3A_473, %sign3A_476 : i32
      %ne3A_478 = arith.cmpi ne, %sign3A_470, %sign3A_477 : i32
      %rem3A = arith.remsi %add3A_463, %jit3A_464 : i32
      %ne3A_479 = arith.constant 0 : i32
      %ne3A_480 = arith.cmpi ne, %rem3A, %ne3A_479 : i32
      %and3A_481 = arith.andi %ne3A_478, %ne3A_480 : i1
      %sub3A = arith.constant 1 : i32
      %sub3A_482 = arith.subi %div3A, %sub3A : i32
      %select_n3A_483 = arith.select %and3A_481, %sub3A_482, %div3A : i32
      %jit3A_484 = arith.constant 256 : i32
      %eq3A_485 = arith.constant 0 : i32
      %eq3A_486 = arith.cmpi eq, %jit3A_484, %eq3A_485 : i32
      %jit3A_487 = arith.constant 1 : i32
      %select_n3A_488 = arith.select %eq3A_486, %jit3A_487, %jit3A_484 : i32
      %rem3A_489 = arith.remsi %add3A_463, %select_n3A_488 : i32
      %ne3A_490 = arith.constant 0 : i32
      %ne3A_491 = arith.cmpi ne, %rem3A_489, %ne3A_490 : i32
      %lt3A = arith.constant 0 : i32
      %lt3A_492 = arith.cmpi slt, %rem3A_489, %lt3A : i32
      %lt3A_493 = arith.constant 0 : i32
      %lt3A_494 = arith.cmpi slt, %select_n3A_488, %lt3A_493 : i32
      %ne3A_495 = arith.xori %lt3A_492, %lt3A_494 : i1
      %and3A_496 = arith.andi %ne3A_495, %ne3A_491 : i1
      %add3A_497 = arith.addi %rem3A_489, %select_n3A_488 : i32
      %select_n3A_498 = arith.select %and3A_496, %add3A_497, %rem3A_489 : i32
      %dma_start3A = arith.constant 0 : i32
      %dma_start3A_499 = arith.constant 0 : i32
      %dma_start3A_500 = tpu.memref_slice %arg4[%select_n3A_483, %select_n3A_498, %dma_start3A, %dma_start3A_499] : memref<12x256x8x768xf32, #tpu.memory_space<hbm>> -> memref<1x8x8x768xf32, #tpu.memory_space<hbm>>
      %dma_start3A_501 = tpu.memref_squeeze %dma_start3A_500 : memref<1x8x8x768xf32, #tpu.memory_space<hbm>> -> memref<8x8x768xf32, #tpu.memory_space<hbm>>
      %dma_start3A_502 = arith.constant 0 : i32
      %dma_start3A_503 = arith.constant 0 : i32
      %dma_start3A_504 = tpu.memref_slice %arg4[%select_n3A_483, %select_n3A_498, %dma_start3A_502, %dma_start3A_503] : memref<12x256x8x768xf32, #tpu.memory_space<hbm>> -> memref<1x8x8x768xf32, #tpu.memory_space<hbm>>
      %dma_start3A_505 = tpu.memref_squeeze %dma_start3A_504 : memref<1x8x8x768xf32, #tpu.memory_space<hbm>> -> memref<8x8x768xf32, #tpu.memory_space<hbm>>
      tpu.enqueue_dma source(%arg6 : memref<8x8x768xf32, #tpu.memory_space<vmem>>) target(%dma_start3A_505 : memref<8x8x768xf32, #tpu.memory_space<hbm>>) target_semaphore(%arg9 : memref<!tpu.dma_semaphore, #tpu.memory_space<semaphore_mem>>)
      %add3A_506 = arith.constant 40 : i32
      %add3A_507 = arith.addi %mul3A_2, %add3A_506 : i32
      %jit3A_508 = arith.constant 256 : i32
      %div3A_509 = arith.divsi %add3A_507, %jit3A_508 : i32
      %sign3A_510 = arith.constant 0 : i32
      %sign3A_511 = arith.cmpi sgt, %add3A_507, %sign3A_510 : i32
      %sign3A_512 = arith.extui %sign3A_511 : i1 to i32
      %sign3A_513 = arith.constant 0 : i32
      %sign3A_514 = arith.cmpi slt, %add3A_507, %sign3A_513 : i32
      %sign3A_515 = arith.extui %sign3A_514 : i1 to i32
      %sign3A_516 = arith.subi %sign3A_512, %sign3A_515 : i32
      %sign3A_517 = arith.constant 0 : i32
      %sign3A_518 = arith.cmpi sgt, %jit3A_508, %sign3A_517 : i32
      %sign3A_519 = arith.extui %sign3A_518 : i1 to i32
      %sign3A_520 = arith.constant 0 : i32
      %sign3A_521 = arith.cmpi slt, %jit3A_508, %sign3A_520 : i32
      %sign3A_522 = arith.extui %sign3A_521 : i1 to i32
      %sign3A_523 = arith.subi %sign3A_519, %sign3A_522 : i32
      %ne3A_524 = arith.cmpi ne, %sign3A_516, %sign3A_523 : i32
      %rem3A_525 = arith.remsi %add3A_507, %jit3A_508 : i32
      %ne3A_526 = arith.constant 0 : i32
      %ne3A_527 = arith.cmpi ne, %rem3A_525, %ne3A_526 : i32
      %and3A_528 = arith.andi %ne3A_524, %ne3A_527 : i1
      %sub3A_529 = arith.constant 1 : i32
      %sub3A_530 = arith.subi %div3A_509, %sub3A_529 : i32
      %select_n3A_531 = arith.select %and3A_528, %sub3A_530, %div3A_509 : i32
      %jit3A_532 = arith.constant 256 : i32
      %eq3A_533 = arith.constant 0 : i32
      %eq3A_534 = arith.cmpi eq, %jit3A_532, %eq3A_533 : i32
      %jit3A_535 = arith.constant 1 : i32
      %select_n3A_536 = arith.select %eq3A_534, %jit3A_535, %jit3A_532 : i32
      %rem3A_537 = arith.remsi %add3A_507, %select_n3A_536 : i32
      %ne3A_538 = arith.constant 0 : i32
      %ne3A_539 = arith.cmpi ne, %rem3A_537, %ne3A_538 : i32
      %lt3A_540 = arith.constant 0 : i32
      %lt3A_541 = arith.cmpi slt, %rem3A_537, %lt3A_540 : i32
      %lt3A_542 = arith.constant 0 : i32
      %lt3A_543 = arith.cmpi slt, %select_n3A_536, %lt3A_542 : i32
      %ne3A_544 = arith.xori %lt3A_541, %lt3A_543 : i1
      %and3A_545 = arith.andi %ne3A_544, %ne3A_539 : i1
      %add3A_546 = arith.addi %rem3A_537, %select_n3A_536 : i32
      %select_n3A_547 = arith.select %and3A_545, %add3A_546, %rem3A_537 : i32
      %dma_start3A_548 = arith.constant 0 : i32
      %dma_start3A_549 = arith.constant 0 : i32
      %dma_start3A_550 = tpu.memref_slice %arg4[%select_n3A_531, %select_n3A_547, %dma_start3A_548, %dma_start3A_549] : memref<12x256x8x768xf32, #tpu.memory_space<hbm>> -> memref<1x8x8x768xf32, #tpu.memory_space<hbm>>
      %dma_start3A_551 = tpu.memref_squeeze %dma_start3A_550 : memref<1x8x8x768xf32, #tpu.memory_space<hbm>> -> memref<8x8x768xf32, #tpu.memory_space<hbm>>
      %dma_start3A_552 = arith.constant 0 : i32
      %dma_start3A_553 = arith.constant 0 : i32
      %dma_start3A_554 = tpu.memref_slice %arg4[%select_n3A_531, %select_n3A_547, %dma_start3A_552, %dma_start3A_553] : memref<12x256x8x768xf32, #tpu.memory_space<hbm>> -> memref<1x8x8x768xf32, #tpu.memory_space<hbm>>
      %dma_start3A_555 = tpu.memref_squeeze %dma_start3A_554 : memref<1x8x8x768xf32, #tpu.memory_space<hbm>> -> memref<8x8x768xf32, #tpu.memory_space<hbm>>
      tpu.enqueue_dma source(%arg6 : memref<8x8x768xf32, #tpu.memory_space<vmem>>) target(%dma_start3A_555 : memref<8x8x768xf32, #tpu.memory_space<hbm>>) target_semaphore(%arg9 : memref<!tpu.dma_semaphore, #tpu.memory_space<semaphore_mem>>)
      %dma_wait3A = arith.constant 0 : i32
      %dma_wait3A_556 = arith.constant 0 : i32
      %dma_wait3A_557 = tpu.memref_slice %arg4[%select_n3A_483, %select_n3A_498, %dma_wait3A, %dma_wait3A_556] : memref<12x256x8x768xf32, #tpu.memory_space<hbm>> -> memref<1x8x8x768xf32, #tpu.memory_space<hbm>>
      %dma_wait3A_558 = tpu.memref_squeeze %dma_wait3A_557 : memref<1x8x8x768xf32, #tpu.memory_space<hbm>> -> memref<8x8x768xf32, #tpu.memory_space<hbm>>
      %dma_wait3A_559 = arith.constant 0 : i32
      %dma_wait3A_560 = arith.constant 0 : i32
      %dma_wait3A_561 = tpu.memref_slice %arg4[%select_n3A_483, %select_n3A_498, %dma_wait3A_559, %dma_wait3A_560] : memref<12x256x8x768xf32, #tpu.memory_space<hbm>> -> memref<1x8x8x768xf32, #tpu.memory_space<hbm>>
      %dma_wait3A_562 = tpu.memref_squeeze %dma_wait3A_561 : memref<1x8x8x768xf32, #tpu.memory_space<hbm>> -> memref<8x8x768xf32, #tpu.memory_space<hbm>>
      tpu.wait_dma2 semaphore(%arg9 : memref<!tpu.dma_semaphore, #tpu.memory_space<semaphore_mem>>) src(%arg6 : memref<8x8x768xf32, #tpu.memory_space<vmem>>) dst(%dma_wait3A_562 : memref<8x8x768xf32, #tpu.memory_space<hbm>>)
      %dma_wait3A_563 = arith.constant 0 : i32
      %dma_wait3A_564 = arith.constant 0 : i32
      %dma_wait3A_565 = tpu.memref_slice %arg4[%select_n3A_531, %select_n3A_547, %dma_wait3A_563, %dma_wait3A_564] : memref<12x256x8x768xf32, #tpu.memory_space<hbm>> -> memref<1x8x8x768xf32, #tpu.memory_space<hbm>>
      %dma_wait3A_566 = tpu.memref_squeeze %dma_wait3A_565 : memref<1x8x8x768xf32, #tpu.memory_space<hbm>> -> memref<8x8x768xf32, #tpu.memory_space<hbm>>
      %dma_wait3A_567 = arith.constant 0 : i32
      %dma_wait3A_568 = arith.constant 0 : i32
      %dma_wait3A_569 = tpu.memref_slice %arg4[%select_n3A_531, %select_n3A_547, %dma_wait3A_567, %dma_wait3A_568] : memref<12x256x8x768xf32, #tpu.memory_space<hbm>> -> memref<1x8x8x768xf32, #tpu.memory_space<hbm>>
      %dma_wait3A_570 = tpu.memref_squeeze %dma_wait3A_569 : memref<1x8x8x768xf32, #tpu.memory_space<hbm>> -> memref<8x8x768xf32, #tpu.memory_space<hbm>>
      tpu.wait_dma2 semaphore(%arg9 : memref<!tpu.dma_semaphore, #tpu.memory_space<semaphore_mem>>) src(%arg6 : memref<8x8x768xf32, #tpu.memory_space<vmem>>) dst(%dma_wait3A_570 : memref<8x8x768xf32, #tpu.memory_space<hbm>>)
    } else {
    }
    %not3A_223 = arith.constant true
    %not3A_224 = arith.xori %and3A_213, %not3A_223 : i1
    %convert_element_type3A_225 = arith.extui %not3A_224 : i1 to i32
    %cond3A_226 = arith.constant 0 : i32
    %cond3A_227 = arith.cmpi ne, %convert_element_type3A_225, %cond3A_226 : i32
    scf.if %cond3A_227 {
      %dma_start3A = arith.constant 32 : i32
      %dma_start3A_462 = tpu.memref_slice %arg5[%dma_start3A] : memref<96xi32, #tpu.memory_space<vmem>> -> memref<8xi32, #tpu.memory_space<vmem>>
      %dma_start3A_463 = arith.constant 0 : i32
      %dma_start3A_464 = arith.constant 0 : i32
      %dma_start3A_465 = arith.constant 0 : i32
      %dma_start3A_466 = tpu.memref_slice %arg2[%dma_start3A_463, %dma_start3A_464, %dma_start3A_465] : memref<120x8x768xf32, #tpu.memory_space<hbm>> -> memref<120x8x768xf32, #tpu.memory_space<hbm>>
      tpu.enqueue_indirect_dma source(%dma_start3A_466 : memref<120x8x768xf32, #tpu.memory_space<hbm>>) target(%arg7 : memref<8x8x768xf32, #tpu.memory_space<vmem>>) offsets(%dma_start3A_462 : memref<8xi32, #tpu.memory_space<vmem>>) semaphore(%arg8 : memref<!tpu.dma_semaphore, #tpu.memory_space<semaphore_mem>>)
      %dma_wait3A = arith.constant 32 : i32
      %dma_wait3A_467 = tpu.memref_slice %arg5[%dma_wait3A] : memref<96xi32, #tpu.memory_space<vmem>> -> memref<8xi32, #tpu.memory_space<vmem>>
      %dma_wait3A_468 = arith.constant 0 : i32
      %dma_wait3A_469 = arith.constant 0 : i32
      %dma_wait3A_470 = arith.constant 0 : i32
      %dma_wait3A_471 = tpu.memref_slice %arg2[%dma_wait3A_468, %dma_wait3A_469, %dma_wait3A_470] : memref<120x8x768xf32, #tpu.memory_space<hbm>> -> memref<120x8x768xf32, #tpu.memory_space<hbm>>
      tpu.wait_indirect_dma semaphore(%arg8 : memref<!tpu.dma_semaphore, #tpu.memory_space<semaphore_mem>>) src(%dma_wait3A_471 : memref<120x8x768xf32, #tpu.memory_space<hbm>>) dst(%arg7 : memref<8x8x768xf32, #tpu.memory_space<vmem>>)
      %add3A_472 = arith.constant 32 : i32
      %add3A_473 = arith.addi %mul3A_2, %add3A_472 : i32
      %jit3A_474 = arith.constant 256 : i32
      %div3A = arith.divsi %add3A_473, %jit3A_474 : i32
      %sign3A = arith.constant 0 : i32
      %sign3A_475 = arith.cmpi sgt, %add3A_473, %sign3A : i32
      %sign3A_476 = arith.extui %sign3A_475 : i1 to i32
      %sign3A_477 = arith.constant 0 : i32
      %sign3A_478 = arith.cmpi slt, %add3A_473, %sign3A_477 : i32
      %sign3A_479 = arith.extui %sign3A_478 : i1 to i32
      %sign3A_480 = arith.subi %sign3A_476, %sign3A_479 : i32
      %sign3A_481 = arith.constant 0 : i32
      %sign3A_482 = arith.cmpi sgt, %jit3A_474, %sign3A_481 : i32
      %sign3A_483 = arith.extui %sign3A_482 : i1 to i32
      %sign3A_484 = arith.constant 0 : i32
      %sign3A_485 = arith.cmpi slt, %jit3A_474, %sign3A_484 : i32
      %sign3A_486 = arith.extui %sign3A_485 : i1 to i32
      %sign3A_487 = arith.subi %sign3A_483, %sign3A_486 : i32
      %ne3A_488 = arith.cmpi ne, %sign3A_480, %sign3A_487 : i32
      %rem3A = arith.remsi %add3A_473, %jit3A_474 : i32
      %ne3A_489 = arith.constant 0 : i32
      %ne3A_490 = arith.cmpi ne, %rem3A, %ne3A_489 : i32
      %and3A_491 = arith.andi %ne3A_488, %ne3A_490 : i1
      %sub3A = arith.constant 1 : i32
      %sub3A_492 = arith.subi %div3A, %sub3A : i32
      %select_n3A_493 = arith.select %and3A_491, %sub3A_492, %div3A : i32
      %jit3A_494 = arith.constant 256 : i32
      %eq3A_495 = arith.constant 0 : i32
      %eq3A_496 = arith.cmpi eq, %jit3A_494, %eq3A_495 : i32
      %jit3A_497 = arith.constant 1 : i32
      %select_n3A_498 = arith.select %eq3A_496, %jit3A_497, %jit3A_494 : i32
      %rem3A_499 = arith.remsi %add3A_473, %select_n3A_498 : i32
      %ne3A_500 = arith.constant 0 : i32
      %ne3A_501 = arith.cmpi ne, %rem3A_499, %ne3A_500 : i32
      %lt3A = arith.constant 0 : i32
      %lt3A_502 = arith.cmpi slt, %rem3A_499, %lt3A : i32
      %lt3A_503 = arith.constant 0 : i32
      %lt3A_504 = arith.cmpi slt, %select_n3A_498, %lt3A_503 : i32
      %ne3A_505 = arith.xori %lt3A_502, %lt3A_504 : i1
      %and3A_506 = arith.andi %ne3A_505, %ne3A_501 : i1
      %add3A_507 = arith.addi %rem3A_499, %select_n3A_498 : i32
      %select_n3A_508 = arith.select %and3A_506, %add3A_507, %rem3A_499 : i32
      %dma_start3A_509 = arith.constant 0 : i32
      %dma_start3A_510 = arith.constant 0 : i32
      %dma_start3A_511 = tpu.memref_slice %arg4[%select_n3A_493, %select_n3A_508, %dma_start3A_509, %dma_start3A_510] : memref<12x256x8x768xf32, #tpu.memory_space<hbm>> -> memref<1x8x8x768xf32, #tpu.memory_space<hbm>>
      %dma_start3A_512 = tpu.memref_squeeze %dma_start3A_511 : memref<1x8x8x768xf32, #tpu.memory_space<hbm>> -> memref<8x8x768xf32, #tpu.memory_space<hbm>>
      %dma_start3A_513 = arith.constant 0 : i32
      %dma_start3A_514 = arith.constant 0 : i32
      %dma_start3A_515 = tpu.memref_slice %arg4[%select_n3A_493, %select_n3A_508, %dma_start3A_513, %dma_start3A_514] : memref<12x256x8x768xf32, #tpu.memory_space<hbm>> -> memref<1x8x8x768xf32, #tpu.memory_space<hbm>>
      %dma_start3A_516 = tpu.memref_squeeze %dma_start3A_515 : memref<1x8x8x768xf32, #tpu.memory_space<hbm>> -> memref<8x8x768xf32, #tpu.memory_space<hbm>>
      tpu.enqueue_dma source(%arg7 : memref<8x8x768xf32, #tpu.memory_space<vmem>>) target(%dma_start3A_516 : memref<8x8x768xf32, #tpu.memory_space<hbm>>) target_semaphore(%arg9 : memref<!tpu.dma_semaphore, #tpu.memory_space<semaphore_mem>>)
      %dma_wait3A_517 = arith.constant 0 : i32
      %dma_wait3A_518 = arith.constant 0 : i32
      %dma_wait3A_519 = tpu.memref_slice %arg4[%select_n3A_493, %select_n3A_508, %dma_wait3A_517, %dma_wait3A_518] : memref<12x256x8x768xf32, #tpu.memory_space<hbm>> -> memref<1x8x8x768xf32, #tpu.memory_space<hbm>>
      %dma_wait3A_520 = tpu.memref_squeeze %dma_wait3A_519 : memref<1x8x8x768xf32, #tpu.memory_space<hbm>> -> memref<8x8x768xf32, #tpu.memory_space<hbm>>
      %dma_wait3A_521 = arith.constant 0 : i32
      %dma_wait3A_522 = arith.constant 0 : i32
      %dma_wait3A_523 = tpu.memref_slice %arg4[%select_n3A_493, %select_n3A_508, %dma_wait3A_521, %dma_wait3A_522] : memref<12x256x8x768xf32, #tpu.memory_space<hbm>> -> memref<1x8x8x768xf32, #tpu.memory_space<hbm>>
      %dma_wait3A_524 = tpu.memref_squeeze %dma_wait3A_523 : memref<1x8x8x768xf32, #tpu.memory_space<hbm>> -> memref<8x8x768xf32, #tpu.memory_space<hbm>>
      tpu.wait_dma2 semaphore(%arg9 : memref<!tpu.dma_semaphore, #tpu.memory_space<semaphore_mem>>) src(%arg7 : memref<8x8x768xf32, #tpu.memory_space<vmem>>) dst(%dma_wait3A_524 : memref<8x8x768xf32, #tpu.memory_space<hbm>>)
      %dma_start3A_525 = arith.constant 40 : i32
      %dma_start3A_526 = tpu.memref_slice %arg5[%dma_start3A_525] : memref<96xi32, #tpu.memory_space<vmem>> -> memref<8xi32, #tpu.memory_space<vmem>>
      %dma_start3A_527 = arith.constant 0 : i32
      %dma_start3A_528 = arith.constant 0 : i32
      %dma_start3A_529 = arith.constant 0 : i32
      %dma_start3A_530 = tpu.memref_slice %arg2[%dma_start3A_527, %dma_start3A_528, %dma_start3A_529] : memref<120x8x768xf32, #tpu.memory_space<hbm>> -> memref<120x8x768xf32, #tpu.memory_space<hbm>>
      tpu.enqueue_indirect_dma source(%dma_start3A_530 : memref<120x8x768xf32, #tpu.memory_space<hbm>>) target(%arg7 : memref<8x8x768xf32, #tpu.memory_space<vmem>>) offsets(%dma_start3A_526 : memref<8xi32, #tpu.memory_space<vmem>>) semaphore(%arg8 : memref<!tpu.dma_semaphore, #tpu.memory_space<semaphore_mem>>)
      %dma_wait3A_531 = arith.constant 40 : i32
      %dma_wait3A_532 = tpu.memref_slice %arg5[%dma_wait3A_531] : memref<96xi32, #tpu.memory_space<vmem>> -> memref<8xi32, #tpu.memory_space<vmem>>
      %dma_wait3A_533 = arith.constant 0 : i32
      %dma_wait3A_534 = arith.constant 0 : i32
      %dma_wait3A_535 = arith.constant 0 : i32
      %dma_wait3A_536 = tpu.memref_slice %arg2[%dma_wait3A_533, %dma_wait3A_534, %dma_wait3A_535] : memref<120x8x768xf32, #tpu.memory_space<hbm>> -> memref<120x8x768xf32, #tpu.memory_space<hbm>>
      tpu.wait_indirect_dma semaphore(%arg8 : memref<!tpu.dma_semaphore, #tpu.memory_space<semaphore_mem>>) src(%dma_wait3A_536 : memref<120x8x768xf32, #tpu.memory_space<hbm>>) dst(%arg7 : memref<8x8x768xf32, #tpu.memory_space<vmem>>)
      %add3A_537 = arith.constant 40 : i32
      %add3A_538 = arith.addi %mul3A_2, %add3A_537 : i32
      %jit3A_539 = arith.constant 256 : i32
      %div3A_540 = arith.divsi %add3A_538, %jit3A_539 : i32
      %sign3A_541 = arith.constant 0 : i32
      %sign3A_542 = arith.cmpi sgt, %add3A_538, %sign3A_541 : i32
      %sign3A_543 = arith.extui %sign3A_542 : i1 to i32
      %sign3A_544 = arith.constant 0 : i32
      %sign3A_545 = arith.cmpi slt, %add3A_538, %sign3A_544 : i32
      %sign3A_546 = arith.extui %sign3A_545 : i1 to i32
      %sign3A_547 = arith.subi %sign3A_543, %sign3A_546 : i32
      %sign3A_548 = arith.constant 0 : i32
      %sign3A_549 = arith.cmpi sgt, %jit3A_539, %sign3A_548 : i32
      %sign3A_550 = arith.extui %sign3A_549 : i1 to i32
      %sign3A_551 = arith.constant 0 : i32
      %sign3A_552 = arith.cmpi slt, %jit3A_539, %sign3A_551 : i32
      %sign3A_553 = arith.extui %sign3A_552 : i1 to i32
      %sign3A_554 = arith.subi %sign3A_550, %sign3A_553 : i32
      %ne3A_555 = arith.cmpi ne, %sign3A_547, %sign3A_554 : i32
      %rem3A_556 = arith.remsi %add3A_538, %jit3A_539 : i32
      %ne3A_557 = arith.constant 0 : i32
      %ne3A_558 = arith.cmpi ne, %rem3A_556, %ne3A_557 : i32
      %and3A_559 = arith.andi %ne3A_555, %ne3A_558 : i1
      %sub3A_560 = arith.constant 1 : i32
      %sub3A_561 = arith.subi %div3A_540, %sub3A_560 : i32
      %select_n3A_562 = arith.select %and3A_559, %sub3A_561, %div3A_540 : i32
      %jit3A_563 = arith.constant 256 : i32
      %eq3A_564 = arith.constant 0 : i32
      %eq3A_565 = arith.cmpi eq, %jit3A_563, %eq3A_564 : i32
      %jit3A_566 = arith.constant 1 : i32
      %select_n3A_567 = arith.select %eq3A_565, %jit3A_566, %jit3A_563 : i32
      %rem3A_568 = arith.remsi %add3A_538, %select_n3A_567 : i32
      %ne3A_569 = arith.constant 0 : i32
      %ne3A_570 = arith.cmpi ne, %rem3A_568, %ne3A_569 : i32
      %lt3A_571 = arith.constant 0 : i32
      %lt3A_572 = arith.cmpi slt, %rem3A_568, %lt3A_571 : i32
      %lt3A_573 = arith.constant 0 : i32
      %lt3A_574 = arith.cmpi slt, %select_n3A_567, %lt3A_573 : i32
      %ne3A_575 = arith.xori %lt3A_572, %lt3A_574 : i1
      %and3A_576 = arith.andi %ne3A_575, %ne3A_570 : i1
      %add3A_577 = arith.addi %rem3A_568, %select_n3A_567 : i32
      %select_n3A_578 = arith.select %and3A_576, %add3A_577, %rem3A_568 : i32
      %dma_start3A_579 = arith.constant 0 : i32
      %dma_start3A_580 = arith.constant 0 : i32
      %dma_start3A_581 = tpu.memref_slice %arg4[%select_n3A_562, %select_n3A_578, %dma_start3A_579, %dma_start3A_580] : memref<12x256x8x768xf32, #tpu.memory_space<hbm>> -> memref<1x8x8x768xf32, #tpu.memory_space<hbm>>
      %dma_start3A_582 = tpu.memref_squeeze %dma_start3A_581 : memref<1x8x8x768xf32, #tpu.memory_space<hbm>> -> memref<8x8x768xf32, #tpu.memory_space<hbm>>
      %dma_start3A_583 = arith.constant 0 : i32
      %dma_start3A_584 = arith.constant 0 : i32
      %dma_start3A_585 = tpu.memref_slice %arg4[%select_n3A_562, %select_n3A_578, %dma_start3A_583, %dma_start3A_584] : memref<12x256x8x768xf32, #tpu.memory_space<hbm>> -> memref<1x8x8x768xf32, #tpu.memory_space<hbm>>
      %dma_start3A_586 = tpu.memref_squeeze %dma_start3A_585 : memref<1x8x8x768xf32, #tpu.memory_space<hbm>> -> memref<8x8x768xf32, #tpu.memory_space<hbm>>
      tpu.enqueue_dma source(%arg7 : memref<8x8x768xf32, #tpu.memory_space<vmem>>) target(%dma_start3A_586 : memref<8x8x768xf32, #tpu.memory_space<hbm>>) target_semaphore(%arg9 : memref<!tpu.dma_semaphore, #tpu.memory_space<semaphore_mem>>)
      %dma_wait3A_587 = arith.constant 0 : i32
      %dma_wait3A_588 = arith.constant 0 : i32
      %dma_wait3A_589 = tpu.memref_slice %arg4[%select_n3A_562, %select_n3A_578, %dma_wait3A_587, %dma_wait3A_588] : memref<12x256x8x768xf32, #tpu.memory_space<hbm>> -> memref<1x8x8x768xf32, #tpu.memory_space<hbm>>
      %dma_wait3A_590 = tpu.memref_squeeze %dma_wait3A_589 : memref<1x8x8x768xf32, #tpu.memory_space<hbm>> -> memref<8x8x768xf32, #tpu.memory_space<hbm>>
      %dma_wait3A_591 = arith.constant 0 : i32
      %dma_wait3A_592 = arith.constant 0 : i32
      %dma_wait3A_593 = tpu.memref_slice %arg4[%select_n3A_562, %select_n3A_578, %dma_wait3A_591, %dma_wait3A_592] : memref<12x256x8x768xf32, #tpu.memory_space<hbm>> -> memref<1x8x8x768xf32, #tpu.memory_space<hbm>>
      %dma_wait3A_594 = tpu.memref_squeeze %dma_wait3A_593 : memref<1x8x8x768xf32, #tpu.memory_space<hbm>> -> memref<8x8x768xf32, #tpu.memory_space<hbm>>
      tpu.wait_dma2 semaphore(%arg9 : memref<!tpu.dma_semaphore, #tpu.memory_space<semaphore_mem>>) src(%arg7 : memref<8x8x768xf32, #tpu.memory_space<vmem>>) dst(%dma_wait3A_594 : memref<8x8x768xf32, #tpu.memory_space<hbm>>)
    } else {
    }
    %get3A_228 = arith.constant 48 : index
    %get3A_229 = tpu.vector_load %arg5[%get3A_228] {strides = array<i32>} : memref<96xi32, #tpu.memory_space<vmem>>, vector<16xi32>,
    %get3A_230 = vector.shape_cast %get3A_229 : vector<16xi32> to vector<16xi32>
    %slice3A_231 = vector.extract_strided_slice %get3A_230 {offsets = [0], sizes = [1], strides = [1]} : vector<16xi32> to vector<1xi32>
    %squeeze3A_232 = vector.extract %slice3A_231[0] : i32 from vector<1xi32>
    %slice3A_233 = vector.extract_strided_slice %get3A_230 {offsets = [1], sizes = [1], strides = [1]} : vector<16xi32> to vector<1xi32>
    %squeeze3A_234 = vector.extract %slice3A_233[0] : i32 from vector<1xi32>
    %eq3A_235 = arith.cmpi eq, %squeeze3A_234, %squeeze3A_232 : i32
    %slice3A_236 = vector.extract_strided_slice %get3A_230 {offsets = [2], sizes = [1], strides = [1]} : vector<16xi32> to vector<1xi32>
    %squeeze3A_237 = vector.extract %slice3A_236[0] : i32 from vector<1xi32>
    %eq3A_238 = arith.cmpi eq, %squeeze3A_237, %squeeze3A_232 : i32
    %and3A_239 = arith.andi %eq3A_235, %eq3A_238 : i1
    %slice3A_240 = vector.extract_strided_slice %get3A_230 {offsets = [3], sizes = [1], strides = [1]} : vector<16xi32> to vector<1xi32>
    %squeeze3A_241 = vector.extract %slice3A_240[0] : i32 from vector<1xi32>
    %eq3A_242 = arith.cmpi eq, %squeeze3A_241, %squeeze3A_232 : i32
    %and3A_243 = arith.andi %and3A_239, %eq3A_242 : i1
    %slice3A_244 = vector.extract_strided_slice %get3A_230 {offsets = [4], sizes = [1], strides = [1]} : vector<16xi32> to vector<1xi32>
    %squeeze3A_245 = vector.extract %slice3A_244[0] : i32 from vector<1xi32>
    %eq3A_246 = arith.cmpi eq, %squeeze3A_245, %squeeze3A_232 : i32
    %and3A_247 = arith.andi %and3A_243, %eq3A_246 : i1
    %slice3A_248 = vector.extract_strided_slice %get3A_230 {offsets = [5], sizes = [1], strides = [1]} : vector<16xi32> to vector<1xi32>
    %squeeze3A_249 = vector.extract %slice3A_248[0] : i32 from vector<1xi32>
    %eq3A_250 = arith.cmpi eq, %squeeze3A_249, %squeeze3A_232 : i32
    %and3A_251 = arith.andi %and3A_247, %eq3A_250 : i1
    %slice3A_252 = vector.extract_strided_slice %get3A_230 {offsets = [6], sizes = [1], strides = [1]} : vector<16xi32> to vector<1xi32>
    %squeeze3A_253 = vector.extract %slice3A_252[0] : i32 from vector<1xi32>
    %eq3A_254 = arith.cmpi eq, %squeeze3A_253, %squeeze3A_232 : i32
    %and3A_255 = arith.andi %and3A_251, %eq3A_254 : i1
    %slice3A_256 = vector.extract_strided_slice %get3A_230 {offsets = [7], sizes = [1], strides = [1]} : vector<16xi32> to vector<1xi32>
    %squeeze3A_257 = vector.extract %slice3A_256[0] : i32 from vector<1xi32>
    %eq3A_258 = arith.cmpi eq, %squeeze3A_257, %squeeze3A_232 : i32
    %and3A_259 = arith.andi %and3A_255, %eq3A_258 : i1
    %slice3A_260 = vector.extract_strided_slice %get3A_230 {offsets = [8], sizes = [1], strides = [1]} : vector<16xi32> to vector<1xi32>
    %squeeze3A_261 = vector.extract %slice3A_260[0] : i32 from vector<1xi32>
    %eq3A_262 = arith.cmpi eq, %squeeze3A_261, %squeeze3A_232 : i32
    %and3A_263 = arith.andi %and3A_259, %eq3A_262 : i1
    %slice3A_264 = vector.extract_strided_slice %get3A_230 {offsets = [9], sizes = [1], strides = [1]} : vector<16xi32> to vector<1xi32>
    %squeeze3A_265 = vector.extract %slice3A_264[0] : i32 from vector<1xi32>
    %eq3A_266 = arith.cmpi eq, %squeeze3A_265, %squeeze3A_232 : i32
    %and3A_267 = arith.andi %and3A_263, %eq3A_266 : i1
    %slice3A_268 = vector.extract_strided_slice %get3A_230 {offsets = [10], sizes = [1], strides = [1]} : vector<16xi32> to vector<1xi32>
    %squeeze3A_269 = vector.extract %slice3A_268[0] : i32 from vector<1xi32>
    %eq3A_270 = arith.cmpi eq, %squeeze3A_269, %squeeze3A_232 : i32
    %and3A_271 = arith.andi %and3A_267, %eq3A_270 : i1
    %slice3A_272 = vector.extract_strided_slice %get3A_230 {offsets = [11], sizes = [1], strides = [1]} : vector<16xi32> to vector<1xi32>
    %squeeze3A_273 = vector.extract %slice3A_272[0] : i32 from vector<1xi32>
    %eq3A_274 = arith.cmpi eq, %squeeze3A_273, %squeeze3A_232 : i32
    %and3A_275 = arith.andi %and3A_271, %eq3A_274 : i1
    %slice3A_276 = vector.extract_strided_slice %get3A_230 {offsets = [12], sizes = [1], strides = [1]} : vector<16xi32> to vector<1xi32>
    %squeeze3A_277 = vector.extract %slice3A_276[0] : i32 from vector<1xi32>
    %eq3A_278 = arith.cmpi eq, %squeeze3A_277, %squeeze3A_232 : i32
    %and3A_279 = arith.andi %and3A_275, %eq3A_278 : i1
    %slice3A_280 = vector.extract_strided_slice %get3A_230 {offsets = [13], sizes = [1], strides = [1]} : vector<16xi32> to vector<1xi32>
    %squeeze3A_281 = vector.extract %slice3A_280[0] : i32 from vector<1xi32>
    %eq3A_282 = arith.cmpi eq, %squeeze3A_281, %squeeze3A_232 : i32
    %and3A_283 = arith.andi %and3A_279, %eq3A_282 : i1
    %slice3A_284 = vector.extract_strided_slice %get3A_230 {offsets = [14], sizes = [1], strides = [1]} : vector<16xi32> to vector<1xi32>
    %squeeze3A_285 = vector.extract %slice3A_284[0] : i32 from vector<1xi32>
    %eq3A_286 = arith.cmpi eq, %squeeze3A_285, %squeeze3A_232 : i32
    %and3A_287 = arith.andi %and3A_283, %eq3A_286 : i1
    %slice3A_288 = vector.extract_strided_slice %get3A_230 {offsets = [15], sizes = [1], strides = [1]} : vector<16xi32> to vector<1xi32>
    %squeeze3A_289 = vector.extract %slice3A_288[0] : i32 from vector<1xi32>
    %eq3A_290 = arith.cmpi eq, %squeeze3A_289, %squeeze3A_232 : i32
    %and3A_291 = arith.andi %and3A_287, %eq3A_290 : i1
    %ne3A_292 = arith.cmpi ne, %squeeze3A_232, %select_n3A_216 : i32
    %and3A_293 = arith.andi %and3A_291, %ne3A_292 : i1
    %select_n3A_294 = arith.select %and3A_293, %squeeze3A_232, %select_n3A_216 : i32
    %convert_element_type3A_295 = arith.extui %and3A_293 : i1 to i32
    %cond3A_296 = arith.constant 0 : i32
    %cond3A_297 = arith.cmpi ne, %convert_element_type3A_295, %cond3A_296 : i32
    scf.if %cond3A_297 {
      %dma_start3A = arith.constant 48 : i32
      %dma_start3A_462 = tpu.memref_slice %arg5[%dma_start3A] : memref<96xi32, #tpu.memory_space<vmem>> -> memref<8xi32, #tpu.memory_space<vmem>>
      %dma_start3A_463 = arith.constant 0 : i32
      %dma_start3A_464 = arith.constant 0 : i32
      %dma_start3A_465 = arith.constant 0 : i32
      %dma_start3A_466 = tpu.memref_slice %arg2[%dma_start3A_463, %dma_start3A_464, %dma_start3A_465] : memref<120x8x768xf32, #tpu.memory_space<hbm>> -> memref<120x8x768xf32, #tpu.memory_space<hbm>>
      tpu.enqueue_indirect_dma source(%dma_start3A_466 : memref<120x8x768xf32, #tpu.memory_space<hbm>>) target(%arg6 : memref<8x8x768xf32, #tpu.memory_space<vmem>>) offsets(%dma_start3A_462 : memref<8xi32, #tpu.memory_space<vmem>>) semaphore(%arg8 : memref<!tpu.dma_semaphore, #tpu.memory_space<semaphore_mem>>)
      %dma_wait3A = arith.constant 48 : i32
      %dma_wait3A_467 = tpu.memref_slice %arg5[%dma_wait3A] : memref<96xi32, #tpu.memory_space<vmem>> -> memref<8xi32, #tpu.memory_space<vmem>>
      %dma_wait3A_468 = arith.constant 0 : i32
      %dma_wait3A_469 = arith.constant 0 : i32
      %dma_wait3A_470 = arith.constant 0 : i32
      %dma_wait3A_471 = tpu.memref_slice %arg2[%dma_wait3A_468, %dma_wait3A_469, %dma_wait3A_470] : memref<120x8x768xf32, #tpu.memory_space<hbm>> -> memref<120x8x768xf32, #tpu.memory_space<hbm>>
      tpu.wait_indirect_dma semaphore(%arg8 : memref<!tpu.dma_semaphore, #tpu.memory_space<semaphore_mem>>) src(%dma_wait3A_471 : memref<120x8x768xf32, #tpu.memory_space<hbm>>) dst(%arg6 : memref<8x8x768xf32, #tpu.memory_space<vmem>>)
    } else {
    }
    %convert_element_type3A_298 = arith.extui %and3A_291 : i1 to i32
    %cond3A_299 = arith.constant 0 : i32
    %cond3A_300 = arith.cmpi ne, %convert_element_type3A_298, %cond3A_299 : i32
    scf.if %cond3A_300 {
      %add3A_462 = arith.constant 48 : i32
      %add3A_463 = arith.addi %mul3A_2, %add3A_462 : i32
      %jit3A_464 = arith.constant 256 : i32
      %div3A = arith.divsi %add3A_463, %jit3A_464 : i32
      %sign3A = arith.constant 0 : i32
      %sign3A_465 = arith.cmpi sgt, %add3A_463, %sign3A : i32
      %sign3A_466 = arith.extui %sign3A_465 : i1 to i32
      %sign3A_467 = arith.constant 0 : i32
      %sign3A_468 = arith.cmpi slt, %add3A_463, %sign3A_467 : i32
      %sign3A_469 = arith.extui %sign3A_468 : i1 to i32
      %sign3A_470 = arith.subi %sign3A_466, %sign3A_469 : i32
      %sign3A_471 = arith.constant 0 : i32
      %sign3A_472 = arith.cmpi sgt, %jit3A_464, %sign3A_471 : i32
      %sign3A_473 = arith.extui %sign3A_472 : i1 to i32
      %sign3A_474 = arith.constant 0 : i32
      %sign3A_475 = arith.cmpi slt, %jit3A_464, %sign3A_474 : i32
      %sign3A_476 = arith.extui %sign3A_475 : i1 to i32
      %sign3A_477 = arith.subi %sign3A_473, %sign3A_476 : i32
      %ne3A_478 = arith.cmpi ne, %sign3A_470, %sign3A_477 : i32
      %rem3A = arith.remsi %add3A_463, %jit3A_464 : i32
      %ne3A_479 = arith.constant 0 : i32
      %ne3A_480 = arith.cmpi ne, %rem3A, %ne3A_479 : i32
      %and3A_481 = arith.andi %ne3A_478, %ne3A_480 : i1
      %sub3A = arith.constant 1 : i32
      %sub3A_482 = arith.subi %div3A, %sub3A : i32
      %select_n3A_483 = arith.select %and3A_481, %sub3A_482, %div3A : i32
      %jit3A_484 = arith.constant 256 : i32
      %eq3A_485 = arith.constant 0 : i32
      %eq3A_486 = arith.cmpi eq, %jit3A_484, %eq3A_485 : i32
      %jit3A_487 = arith.constant 1 : i32
      %select_n3A_488 = arith.select %eq3A_486, %jit3A_487, %jit3A_484 : i32
      %rem3A_489 = arith.remsi %add3A_463, %select_n3A_488 : i32
      %ne3A_490 = arith.constant 0 : i32
      %ne3A_491 = arith.cmpi ne, %rem3A_489, %ne3A_490 : i32
      %lt3A = arith.constant 0 : i32
      %lt3A_492 = arith.cmpi slt, %rem3A_489, %lt3A : i32
      %lt3A_493 = arith.constant 0 : i32
      %lt3A_494 = arith.cmpi slt, %select_n3A_488, %lt3A_493 : i32
      %ne3A_495 = arith.xori %lt3A_492, %lt3A_494 : i1
      %and3A_496 = arith.andi %ne3A_495, %ne3A_491 : i1
      %add3A_497 = arith.addi %rem3A_489, %select_n3A_488 : i32
      %select_n3A_498 = arith.select %and3A_496, %add3A_497, %rem3A_489 : i32
      %dma_start3A = arith.constant 0 : i32
      %dma_start3A_499 = arith.constant 0 : i32
      %dma_start3A_500 = tpu.memref_slice %arg4[%select_n3A_483, %select_n3A_498, %dma_start3A, %dma_start3A_499] : memref<12x256x8x768xf32, #tpu.memory_space<hbm>> -> memref<1x8x8x768xf32, #tpu.memory_space<hbm>>
      %dma_start3A_501 = tpu.memref_squeeze %dma_start3A_500 : memref<1x8x8x768xf32, #tpu.memory_space<hbm>> -> memref<8x8x768xf32, #tpu.memory_space<hbm>>
      %dma_start3A_502 = arith.constant 0 : i32
      %dma_start3A_503 = arith.constant 0 : i32
      %dma_start3A_504 = tpu.memref_slice %arg4[%select_n3A_483, %select_n3A_498, %dma_start3A_502, %dma_start3A_503] : memref<12x256x8x768xf32, #tpu.memory_space<hbm>> -> memref<1x8x8x768xf32, #tpu.memory_space<hbm>>
      %dma_start3A_505 = tpu.memref_squeeze %dma_start3A_504 : memref<1x8x8x768xf32, #tpu.memory_space<hbm>> -> memref<8x8x768xf32, #tpu.memory_space<hbm>>
      tpu.enqueue_dma source(%arg6 : memref<8x8x768xf32, #tpu.memory_space<vmem>>) target(%dma_start3A_505 : memref<8x8x768xf32, #tpu.memory_space<hbm>>) target_semaphore(%arg9 : memref<!tpu.dma_semaphore, #tpu.memory_space<semaphore_mem>>)
      %add3A_506 = arith.constant 56 : i32
      %add3A_507 = arith.addi %mul3A_2, %add3A_506 : i32
      %jit3A_508 = arith.constant 256 : i32
      %div3A_509 = arith.divsi %add3A_507, %jit3A_508 : i32
      %sign3A_510 = arith.constant 0 : i32
      %sign3A_511 = arith.cmpi sgt, %add3A_507, %sign3A_510 : i32
      %sign3A_512 = arith.extui %sign3A_511 : i1 to i32
      %sign3A_513 = arith.constant 0 : i32
      %sign3A_514 = arith.cmpi slt, %add3A_507, %sign3A_513 : i32
      %sign3A_515 = arith.extui %sign3A_514 : i1 to i32
      %sign3A_516 = arith.subi %sign3A_512, %sign3A_515 : i32
      %sign3A_517 = arith.constant 0 : i32
      %sign3A_518 = arith.cmpi sgt, %jit3A_508, %sign3A_517 : i32
      %sign3A_519 = arith.extui %sign3A_518 : i1 to i32
      %sign3A_520 = arith.constant 0 : i32
      %sign3A_521 = arith.cmpi slt, %jit3A_508, %sign3A_520 : i32
      %sign3A_522 = arith.extui %sign3A_521 : i1 to i32
      %sign3A_523 = arith.subi %sign3A_519, %sign3A_522 : i32
      %ne3A_524 = arith.cmpi ne, %sign3A_516, %sign3A_523 : i32
      %rem3A_525 = arith.remsi %add3A_507, %jit3A_508 : i32
      %ne3A_526 = arith.constant 0 : i32
      %ne3A_527 = arith.cmpi ne, %rem3A_525, %ne3A_526 : i32
      %and3A_528 = arith.andi %ne3A_524, %ne3A_527 : i1
      %sub3A_529 = arith.constant 1 : i32
      %sub3A_530 = arith.subi %div3A_509, %sub3A_529 : i32
      %select_n3A_531 = arith.select %and3A_528, %sub3A_530, %div3A_509 : i32
      %jit3A_532 = arith.constant 256 : i32
      %eq3A_533 = arith.constant 0 : i32
      %eq3A_534 = arith.cmpi eq, %jit3A_532, %eq3A_533 : i32
      %jit3A_535 = arith.constant 1 : i32
      %select_n3A_536 = arith.select %eq3A_534, %jit3A_535, %jit3A_532 : i32
      %rem3A_537 = arith.remsi %add3A_507, %select_n3A_536 : i32
      %ne3A_538 = arith.constant 0 : i32
      %ne3A_539 = arith.cmpi ne, %rem3A_537, %ne3A_538 : i32
      %lt3A_540 = arith.constant 0 : i32
      %lt3A_541 = arith.cmpi slt, %rem3A_537, %lt3A_540 : i32
      %lt3A_542 = arith.constant 0 : i32
      %lt3A_543 = arith.cmpi slt, %select_n3A_536, %lt3A_542 : i32
      %ne3A_544 = arith.xori %lt3A_541, %lt3A_543 : i1
      %and3A_545 = arith.andi %ne3A_544, %ne3A_539 : i1
      %add3A_546 = arith.addi %rem3A_537, %select_n3A_536 : i32
      %select_n3A_547 = arith.select %and3A_545, %add3A_546, %rem3A_537 : i32
      %dma_start3A_548 = arith.constant 0 : i32
      %dma_start3A_549 = arith.constant 0 : i32
      %dma_start3A_550 = tpu.memref_slice %arg4[%select_n3A_531, %select_n3A_547, %dma_start3A_548, %dma_start3A_549] : memref<12x256x8x768xf32, #tpu.memory_space<hbm>> -> memref<1x8x8x768xf32, #tpu.memory_space<hbm>>
      %dma_start3A_551 = tpu.memref_squeeze %dma_start3A_550 : memref<1x8x8x768xf32, #tpu.memory_space<hbm>> -> memref<8x8x768xf32, #tpu.memory_space<hbm>>
      %dma_start3A_552 = arith.constant 0 : i32
      %dma_start3A_553 = arith.constant 0 : i32
      %dma_start3A_554 = tpu.memref_slice %arg4[%select_n3A_531, %select_n3A_547, %dma_start3A_552, %dma_start3A_553] : memref<12x256x8x768xf32, #tpu.memory_space<hbm>> -> memref<1x8x8x768xf32, #tpu.memory_space<hbm>>
      %dma_start3A_555 = tpu.memref_squeeze %dma_start3A_554 : memref<1x8x8x768xf32, #tpu.memory_space<hbm>> -> memref<8x8x768xf32, #tpu.memory_space<hbm>>
      tpu.enqueue_dma source(%arg6 : memref<8x8x768xf32, #tpu.memory_space<vmem>>) target(%dma_start3A_555 : memref<8x8x768xf32, #tpu.memory_space<hbm>>) target_semaphore(%arg9 : memref<!tpu.dma_semaphore, #tpu.memory_space<semaphore_mem>>)
      %dma_wait3A = arith.constant 0 : i32
      %dma_wait3A_556 = arith.constant 0 : i32
      %dma_wait3A_557 = tpu.memref_slice %arg4[%select_n3A_483, %select_n3A_498, %dma_wait3A, %dma_wait3A_556] : memref<12x256x8x768xf32, #tpu.memory_space<hbm>> -> memref<1x8x8x768xf32, #tpu.memory_space<hbm>>
      %dma_wait3A_558 = tpu.memref_squeeze %dma_wait3A_557 : memref<1x8x8x768xf32, #tpu.memory_space<hbm>> -> memref<8x8x768xf32, #tpu.memory_space<hbm>>
      %dma_wait3A_559 = arith.constant 0 : i32
      %dma_wait3A_560 = arith.constant 0 : i32
      %dma_wait3A_561 = tpu.memref_slice %arg4[%select_n3A_483, %select_n3A_498, %dma_wait3A_559, %dma_wait3A_560] : memref<12x256x8x768xf32, #tpu.memory_space<hbm>> -> memref<1x8x8x768xf32, #tpu.memory_space<hbm>>
      %dma_wait3A_562 = tpu.memref_squeeze %dma_wait3A_561 : memref<1x8x8x768xf32, #tpu.memory_space<hbm>> -> memref<8x8x768xf32, #tpu.memory_space<hbm>>
      tpu.wait_dma2 semaphore(%arg9 : memref<!tpu.dma_semaphore, #tpu.memory_space<semaphore_mem>>) src(%arg6 : memref<8x8x768xf32, #tpu.memory_space<vmem>>) dst(%dma_wait3A_562 : memref<8x8x768xf32, #tpu.memory_space<hbm>>)
      %dma_wait3A_563 = arith.constant 0 : i32
      %dma_wait3A_564 = arith.constant 0 : i32
      %dma_wait3A_565 = tpu.memref_slice %arg4[%select_n3A_531, %select_n3A_547, %dma_wait3A_563, %dma_wait3A_564] : memref<12x256x8x768xf32, #tpu.memory_space<hbm>> -> memref<1x8x8x768xf32, #tpu.memory_space<hbm>>
      %dma_wait3A_566 = tpu.memref_squeeze %dma_wait3A_565 : memref<1x8x8x768xf32, #tpu.memory_space<hbm>> -> memref<8x8x768xf32, #tpu.memory_space<hbm>>
      %dma_wait3A_567 = arith.constant 0 : i32
      %dma_wait3A_568 = arith.constant 0 : i32
      %dma_wait3A_569 = tpu.memref_slice %arg4[%select_n3A_531, %select_n3A_547, %dma_wait3A_567, %dma_wait3A_568] : memref<12x256x8x768xf32, #tpu.memory_space<hbm>> -> memref<1x8x8x768xf32, #tpu.memory_space<hbm>>
      %dma_wait3A_570 = tpu.memref_squeeze %dma_wait3A_569 : memref<1x8x8x768xf32, #tpu.memory_space<hbm>> -> memref<8x8x768xf32, #tpu.memory_space<hbm>>
      tpu.wait_dma2 semaphore(%arg9 : memref<!tpu.dma_semaphore, #tpu.memory_space<semaphore_mem>>) src(%arg6 : memref<8x8x768xf32, #tpu.memory_space<vmem>>) dst(%dma_wait3A_570 : memref<8x8x768xf32, #tpu.memory_space<hbm>>)
    } else {
    }
    %not3A_301 = arith.constant true
    %not3A_302 = arith.xori %and3A_291, %not3A_301 : i1
    %convert_element_type3A_303 = arith.extui %not3A_302 : i1 to i32
    %cond3A_304 = arith.constant 0 : i32
    %cond3A_305 = arith.cmpi ne, %convert_element_type3A_303, %cond3A_304 : i32
    scf.if %cond3A_305 {
      %dma_start3A = arith.constant 48 : i32
      %dma_start3A_462 = tpu.memref_slice %arg5[%dma_start3A] : memref<96xi32, #tpu.memory_space<vmem>> -> memref<8xi32, #tpu.memory_space<vmem>>
      %dma_start3A_463 = arith.constant 0 : i32
      %dma_start3A_464 = arith.constant 0 : i32
      %dma_start3A_465 = arith.constant 0 : i32
      %dma_start3A_466 = tpu.memref_slice %arg2[%dma_start3A_463, %dma_start3A_464, %dma_start3A_465] : memref<120x8x768xf32, #tpu.memory_space<hbm>> -> memref<120x8x768xf32, #tpu.memory_space<hbm>>
      tpu.enqueue_indirect_dma source(%dma_start3A_466 : memref<120x8x768xf32, #tpu.memory_space<hbm>>) target(%arg7 : memref<8x8x768xf32, #tpu.memory_space<vmem>>) offsets(%dma_start3A_462 : memref<8xi32, #tpu.memory_space<vmem>>) semaphore(%arg8 : memref<!tpu.dma_semaphore, #tpu.memory_space<semaphore_mem>>)
      %dma_wait3A = arith.constant 48 : i32
      %dma_wait3A_467 = tpu.memref_slice %arg5[%dma_wait3A] : memref<96xi32, #tpu.memory_space<vmem>> -> memref<8xi32, #tpu.memory_space<vmem>>
      %dma_wait3A_468 = arith.constant 0 : i32
      %dma_wait3A_469 = arith.constant 0 : i32
      %dma_wait3A_470 = arith.constant 0 : i32
      %dma_wait3A_471 = tpu.memref_slice %arg2[%dma_wait3A_468, %dma_wait3A_469, %dma_wait3A_470] : memref<120x8x768xf32, #tpu.memory_space<hbm>> -> memref<120x8x768xf32, #tpu.memory_space<hbm>>
      tpu.wait_indirect_dma semaphore(%arg8 : memref<!tpu.dma_semaphore, #tpu.memory_space<semaphore_mem>>) src(%dma_wait3A_471 : memref<120x8x768xf32, #tpu.memory_space<hbm>>) dst(%arg7 : memref<8x8x768xf32, #tpu.memory_space<vmem>>)
      %add3A_472 = arith.constant 48 : i32
      %add3A_473 = arith.addi %mul3A_2, %add3A_472 : i32
      %jit3A_474 = arith.constant 256 : i32
      %div3A = arith.divsi %add3A_473, %jit3A_474 : i32
      %sign3A = arith.constant 0 : i32
      %sign3A_475 = arith.cmpi sgt, %add3A_473, %sign3A : i32
      %sign3A_476 = arith.extui %sign3A_475 : i1 to i32
      %sign3A_477 = arith.constant 0 : i32
      %sign3A_478 = arith.cmpi slt, %add3A_473, %sign3A_477 : i32
      %sign3A_479 = arith.extui %sign3A_478 : i1 to i32
      %sign3A_480 = arith.subi %sign3A_476, %sign3A_479 : i32
      %sign3A_481 = arith.constant 0 : i32
      %sign3A_482 = arith.cmpi sgt, %jit3A_474, %sign3A_481 : i32
      %sign3A_483 = arith.extui %sign3A_482 : i1 to i32
      %sign3A_484 = arith.constant 0 : i32
      %sign3A_485 = arith.cmpi slt, %jit3A_474, %sign3A_484 : i32
      %sign3A_486 = arith.extui %sign3A_485 : i1 to i32
      %sign3A_487 = arith.subi %sign3A_483, %sign3A_486 : i32
      %ne3A_488 = arith.cmpi ne, %sign3A_480, %sign3A_487 : i32
      %rem3A = arith.remsi %add3A_473, %jit3A_474 : i32
      %ne3A_489 = arith.constant 0 : i32
      %ne3A_490 = arith.cmpi ne, %rem3A, %ne3A_489 : i32
      %and3A_491 = arith.andi %ne3A_488, %ne3A_490 : i1
      %sub3A = arith.constant 1 : i32
      %sub3A_492 = arith.subi %div3A, %sub3A : i32
      %select_n3A_493 = arith.select %and3A_491, %sub3A_492, %div3A : i32
      %jit3A_494 = arith.constant 256 : i32
      %eq3A_495 = arith.constant 0 : i32
      %eq3A_496 = arith.cmpi eq, %jit3A_494, %eq3A_495 : i32
      %jit3A_497 = arith.constant 1 : i32
      %select_n3A_498 = arith.select %eq3A_496, %jit3A_497, %jit3A_494 : i32
      %rem3A_499 = arith.remsi %add3A_473, %select_n3A_498 : i32
      %ne3A_500 = arith.constant 0 : i32
      %ne3A_501 = arith.cmpi ne, %rem3A_499, %ne3A_500 : i32
      %lt3A = arith.constant 0 : i32
      %lt3A_502 = arith.cmpi slt, %rem3A_499, %lt3A : i32
      %lt3A_503 = arith.constant 0 : i32
      %lt3A_504 = arith.cmpi slt, %select_n3A_498, %lt3A_503 : i32
      %ne3A_505 = arith.xori %lt3A_502, %lt3A_504 : i1
      %and3A_506 = arith.andi %ne3A_505, %ne3A_501 : i1
      %add3A_507 = arith.addi %rem3A_499, %select_n3A_498 : i32
      %select_n3A_508 = arith.select %and3A_506, %add3A_507, %rem3A_499 : i32
      %dma_start3A_509 = arith.constant 0 : i32
      %dma_start3A_510 = arith.constant 0 : i32
      %dma_start3A_511 = tpu.memref_slice %arg4[%select_n3A_493, %select_n3A_508, %dma_start3A_509, %dma_start3A_510] : memref<12x256x8x768xf32, #tpu.memory_space<hbm>> -> memref<1x8x8x768xf32, #tpu.memory_space<hbm>>
      %dma_start3A_512 = tpu.memref_squeeze %dma_start3A_511 : memref<1x8x8x768xf32, #tpu.memory_space<hbm>> -> memref<8x8x768xf32, #tpu.memory_space<hbm>>
      %dma_start3A_513 = arith.constant 0 : i32
      %dma_start3A_514 = arith.constant 0 : i32
      %dma_start3A_515 = tpu.memref_slice %arg4[%select_n3A_493, %select_n3A_508, %dma_start3A_513, %dma_start3A_514] : memref<12x256x8x768xf32, #tpu.memory_space<hbm>> -> memref<1x8x8x768xf32, #tpu.memory_space<hbm>>
      %dma_start3A_516 = tpu.memref_squeeze %dma_start3A_515 : memref<1x8x8x768xf32, #tpu.memory_space<hbm>> -> memref<8x8x768xf32, #tpu.memory_space<hbm>>
      tpu.enqueue_dma source(%arg7 : memref<8x8x768xf32, #tpu.memory_space<vmem>>) target(%dma_start3A_516 : memref<8x8x768xf32, #tpu.memory_space<hbm>>) target_semaphore(%arg9 : memref<!tpu.dma_semaphore, #tpu.memory_space<semaphore_mem>>)
      %dma_wait3A_517 = arith.constant 0 : i32
      %dma_wait3A_518 = arith.constant 0 : i32
      %dma_wait3A_519 = tpu.memref_slice %arg4[%select_n3A_493, %select_n3A_508, %dma_wait3A_517, %dma_wait3A_518] : memref<12x256x8x768xf32, #tpu.memory_space<hbm>> -> memref<1x8x8x768xf32, #tpu.memory_space<hbm>>
      %dma_wait3A_520 = tpu.memref_squeeze %dma_wait3A_519 : memref<1x8x8x768xf32, #tpu.memory_space<hbm>> -> memref<8x8x768xf32, #tpu.memory_space<hbm>>
      %dma_wait3A_521 = arith.constant 0 : i32
      %dma_wait3A_522 = arith.constant 0 : i32
      %dma_wait3A_523 = tpu.memref_slice %arg4[%select_n3A_493, %select_n3A_508, %dma_wait3A_521, %dma_wait3A_522] : memref<12x256x8x768xf32, #tpu.memory_space<hbm>> -> memref<1x8x8x768xf32, #tpu.memory_space<hbm>>
      %dma_wait3A_524 = tpu.memref_squeeze %dma_wait3A_523 : memref<1x8x8x768xf32, #tpu.memory_space<hbm>> -> memref<8x8x768xf32, #tpu.memory_space<hbm>>
      tpu.wait_dma2 semaphore(%arg9 : memref<!tpu.dma_semaphore, #tpu.memory_space<semaphore_mem>>) src(%arg7 : memref<8x8x768xf32, #tpu.memory_space<vmem>>) dst(%dma_wait3A_524 : memref<8x8x768xf32, #tpu.memory_space<hbm>>)
      %dma_start3A_525 = arith.constant 56 : i32
      %dma_start3A_526 = tpu.memref_slice %arg5[%dma_start3A_525] : memref<96xi32, #tpu.memory_space<vmem>> -> memref<8xi32, #tpu.memory_space<vmem>>
      %dma_start3A_527 = arith.constant 0 : i32
      %dma_start3A_528 = arith.constant 0 : i32
      %dma_start3A_529 = arith.constant 0 : i32
      %dma_start3A_530 = tpu.memref_slice %arg2[%dma_start3A_527, %dma_start3A_528, %dma_start3A_529] : memref<120x8x768xf32, #tpu.memory_space<hbm>> -> memref<120x8x768xf32, #tpu.memory_space<hbm>>
      tpu.enqueue_indirect_dma source(%dma_start3A_530 : memref<120x8x768xf32, #tpu.memory_space<hbm>>) target(%arg7 : memref<8x8x768xf32, #tpu.memory_space<vmem>>) offsets(%dma_start3A_526 : memref<8xi32, #tpu.memory_space<vmem>>) semaphore(%arg8 : memref<!tpu.dma_semaphore, #tpu.memory_space<semaphore_mem>>)
      %dma_wait3A_531 = arith.constant 56 : i32
      %dma_wait3A_532 = tpu.memref_slice %arg5[%dma_wait3A_531] : memref<96xi32, #tpu.memory_space<vmem>> -> memref<8xi32, #tpu.memory_space<vmem>>
      %dma_wait3A_533 = arith.constant 0 : i32
      %dma_wait3A_534 = arith.constant 0 : i32
      %dma_wait3A_535 = arith.constant 0 : i32
      %dma_wait3A_536 = tpu.memref_slice %arg2[%dma_wait3A_533, %dma_wait3A_534, %dma_wait3A_535] : memref<120x8x768xf32, #tpu.memory_space<hbm>> -> memref<120x8x768xf32, #tpu.memory_space<hbm>>
      tpu.wait_indirect_dma semaphore(%arg8 : memref<!tpu.dma_semaphore, #tpu.memory_space<semaphore_mem>>) src(%dma_wait3A_536 : memref<120x8x768xf32, #tpu.memory_space<hbm>>) dst(%arg7 : memref<8x8x768xf32, #tpu.memory_space<vmem>>)
      %add3A_537 = arith.constant 56 : i32
      %add3A_538 = arith.addi %mul3A_2, %add3A_537 : i32
      %jit3A_539 = arith.constant 256 : i32
      %div3A_540 = arith.divsi %add3A_538, %jit3A_539 : i32
      %sign3A_541 = arith.constant 0 : i32
      %sign3A_542 = arith.cmpi sgt, %add3A_538, %sign3A_541 : i32
      %sign3A_543 = arith.extui %sign3A_542 : i1 to i32
      %sign3A_544 = arith.constant 0 : i32
      %sign3A_545 = arith.cmpi slt, %add3A_538, %sign3A_544 : i32
      %sign3A_546 = arith.extui %sign3A_545 : i1 to i32
      %sign3A_547 = arith.subi %sign3A_543, %sign3A_546 : i32
      %sign3A_548 = arith.constant 0 : i32
      %sign3A_549 = arith.cmpi sgt, %jit3A_539, %sign3A_548 : i32
      %sign3A_550 = arith.extui %sign3A_549 : i1 to i32
      %sign3A_551 = arith.constant 0 : i32
      %sign3A_552 = arith.cmpi slt, %jit3A_539, %sign3A_551 : i32
      %sign3A_553 = arith.extui %sign3A_552 : i1 to i32
      %sign3A_554 = arith.subi %sign3A_550, %sign3A_553 : i32
      %ne3A_555 = arith.cmpi ne, %sign3A_547, %sign3A_554 : i32
      %rem3A_556 = arith.remsi %add3A_538, %jit3A_539 : i32
      %ne3A_557 = arith.constant 0 : i32
      %ne3A_558 = arith.cmpi ne, %rem3A_556, %ne3A_557 : i32
      %and3A_559 = arith.andi %ne3A_555, %ne3A_558 : i1
      %sub3A_560 = arith.constant 1 : i32
      %sub3A_561 = arith.subi %div3A_540, %sub3A_560 : i32
      %select_n3A_562 = arith.select %and3A_559, %sub3A_561, %div3A_540 : i32
      %jit3A_563 = arith.constant 256 : i32
      %eq3A_564 = arith.constant 0 : i32
      %eq3A_565 = arith.cmpi eq, %jit3A_563, %eq3A_564 : i32
      %jit3A_566 = arith.constant 1 : i32
      %select_n3A_567 = arith.select %eq3A_565, %jit3A_566, %jit3A_563 : i32
      %rem3A_568 = arith.remsi %add3A_538, %select_n3A_567 : i32
      %ne3A_569 = arith.constant 0 : i32
      %ne3A_570 = arith.cmpi ne, %rem3A_568, %ne3A_569 : i32
      %lt3A_571 = arith.constant 0 : i32
      %lt3A_572 = arith.cmpi slt, %rem3A_568, %lt3A_571 : i32
      %lt3A_573 = arith.constant 0 : i32
      %lt3A_574 = arith.cmpi slt, %select_n3A_567, %lt3A_573 : i32
      %ne3A_575 = arith.xori %lt3A_572, %lt3A_574 : i1
      %and3A_576 = arith.andi %ne3A_575, %ne3A_570 : i1
      %add3A_577 = arith.addi %rem3A_568, %select_n3A_567 : i32
      %select_n3A_578 = arith.select %and3A_576, %add3A_577, %rem3A_568 : i32
      %dma_start3A_579 = arith.constant 0 : i32
      %dma_start3A_580 = arith.constant 0 : i32
      %dma_start3A_581 = tpu.memref_slice %arg4[%select_n3A_562, %select_n3A_578, %dma_start3A_579, %dma_start3A_580] : memref<12x256x8x768xf32, #tpu.memory_space<hbm>> -> memref<1x8x8x768xf32, #tpu.memory_space<hbm>>
      %dma_start3A_582 = tpu.memref_squeeze %dma_start3A_581 : memref<1x8x8x768xf32, #tpu.memory_space<hbm>> -> memref<8x8x768xf32, #tpu.memory_space<hbm>>
      %dma_start3A_583 = arith.constant 0 : i32
      %dma_start3A_584 = arith.constant 0 : i32
      %dma_start3A_585 = tpu.memref_slice %arg4[%select_n3A_562, %select_n3A_578, %dma_start3A_583, %dma_start3A_584] : memref<12x256x8x768xf32, #tpu.memory_space<hbm>> -> memref<1x8x8x768xf32, #tpu.memory_space<hbm>>
      %dma_start3A_586 = tpu.memref_squeeze %dma_start3A_585 : memref<1x8x8x768xf32, #tpu.memory_space<hbm>> -> memref<8x8x768xf32, #tpu.memory_space<hbm>>
      tpu.enqueue_dma source(%arg7 : memref<8x8x768xf32, #tpu.memory_space<vmem>>) target(%dma_start3A_586 : memref<8x8x768xf32, #tpu.memory_space<hbm>>) target_semaphore(%arg9 : memref<!tpu.dma_semaphore, #tpu.memory_space<semaphore_mem>>)
      %dma_wait3A_587 = arith.constant 0 : i32
      %dma_wait3A_588 = arith.constant 0 : i32
      %dma_wait3A_589 = tpu.memref_slice %arg4[%select_n3A_562, %select_n3A_578, %dma_wait3A_587, %dma_wait3A_588] : memref<12x256x8x768xf32, #tpu.memory_space<hbm>> -> memref<1x8x8x768xf32, #tpu.memory_space<hbm>>
      %dma_wait3A_590 = tpu.memref_squeeze %dma_wait3A_589 : memref<1x8x8x768xf32, #tpu.memory_space<hbm>> -> memref<8x8x768xf32, #tpu.memory_space<hbm>>
      %dma_wait3A_591 = arith.constant 0 : i32
      %dma_wait3A_592 = arith.constant 0 : i32
      %dma_wait3A_593 = tpu.memref_slice %arg4[%select_n3A_562, %select_n3A_578, %dma_wait3A_591, %dma_wait3A_592] : memref<12x256x8x768xf32, #tpu.memory_space<hbm>> -> memref<1x8x8x768xf32, #tpu.memory_space<hbm>>
      %dma_wait3A_594 = tpu.memref_squeeze %dma_wait3A_593 : memref<1x8x8x768xf32, #tpu.memory_space<hbm>> -> memref<8x8x768xf32, #tpu.memory_space<hbm>>
      tpu.wait_dma2 semaphore(%arg9 : memref<!tpu.dma_semaphore, #tpu.memory_space<semaphore_mem>>) src(%arg7 : memref<8x8x768xf32, #tpu.memory_space<vmem>>) dst(%dma_wait3A_594 : memref<8x8x768xf32, #tpu.memory_space<hbm>>)
    } else {
    }
    %get3A_306 = arith.constant 64 : index
    %get3A_307 = tpu.vector_load %arg5[%get3A_306] {strides = array<i32>} : memref<96xi32, #tpu.memory_space<vmem>>, vector<16xi32>,
    %get3A_308 = vector.shape_cast %get3A_307 : vector<16xi32> to vector<16xi32>
    %slice3A_309 = vector.extract_strided_slice %get3A_308 {offsets = [0], sizes = [1], strides = [1]} : vector<16xi32> to vector<1xi32>
    %squeeze3A_310 = vector.extract %slice3A_309[0] : i32 from vector<1xi32>
    %slice3A_311 = vector.extract_strided_slice %get3A_308 {offsets = [1], sizes = [1], strides = [1]} : vector<16xi32> to vector<1xi32>
    %squeeze3A_312 = vector.extract %slice3A_311[0] : i32 from vector<1xi32>
    %eq3A_313 = arith.cmpi eq, %squeeze3A_312, %squeeze3A_310 : i32
    %slice3A_314 = vector.extract_strided_slice %get3A_308 {offsets = [2], sizes = [1], strides = [1]} : vector<16xi32> to vector<1xi32>
    %squeeze3A_315 = vector.extract %slice3A_314[0] : i32 from vector<1xi32>
    %eq3A_316 = arith.cmpi eq, %squeeze3A_315, %squeeze3A_310 : i32
    %and3A_317 = arith.andi %eq3A_313, %eq3A_316 : i1
    %slice3A_318 = vector.extract_strided_slice %get3A_308 {offsets = [3], sizes = [1], strides = [1]} : vector<16xi32> to vector<1xi32>
    %squeeze3A_319 = vector.extract %slice3A_318[0] : i32 from vector<1xi32>
    %eq3A_320 = arith.cmpi eq, %squeeze3A_319, %squeeze3A_310 : i32
    %and3A_321 = arith.andi %and3A_317, %eq3A_320 : i1
    %slice3A_322 = vector.extract_strided_slice %get3A_308 {offsets = [4], sizes = [1], strides = [1]} : vector<16xi32> to vector<1xi32>
    %squeeze3A_323 = vector.extract %slice3A_322[0] : i32 from vector<1xi32>
    %eq3A_324 = arith.cmpi eq, %squeeze3A_323, %squeeze3A_310 : i32
    %and3A_325 = arith.andi %and3A_321, %eq3A_324 : i1
    %slice3A_326 = vector.extract_strided_slice %get3A_308 {offsets = [5], sizes = [1], strides = [1]} : vector<16xi32> to vector<1xi32>
    %squeeze3A_327 = vector.extract %slice3A_326[0] : i32 from vector<1xi32>
    %eq3A_328 = arith.cmpi eq, %squeeze3A_327, %squeeze3A_310 : i32
    %and3A_329 = arith.andi %and3A_325, %eq3A_328 : i1
    %slice3A_330 = vector.extract_strided_slice %get3A_308 {offsets = [6], sizes = [1], strides = [1]} : vector<16xi32> to vector<1xi32>
    %squeeze3A_331 = vector.extract %slice3A_330[0] : i32 from vector<1xi32>
    %eq3A_332 = arith.cmpi eq, %squeeze3A_331, %squeeze3A_310 : i32
    %and3A_333 = arith.andi %and3A_329, %eq3A_332 : i1
    %slice3A_334 = vector.extract_strided_slice %get3A_308 {offsets = [7], sizes = [1], strides = [1]} : vector<16xi32> to vector<1xi32>
    %squeeze3A_335 = vector.extract %slice3A_334[0] : i32 from vector<1xi32>
    %eq3A_336 = arith.cmpi eq, %squeeze3A_335, %squeeze3A_310 : i32
    %and3A_337 = arith.andi %and3A_333, %eq3A_336 : i1
    %slice3A_338 = vector.extract_strided_slice %get3A_308 {offsets = [8], sizes = [1], strides = [1]} : vector<16xi32> to vector<1xi32>
    %squeeze3A_339 = vector.extract %slice3A_338[0] : i32 from vector<1xi32>
    %eq3A_340 = arith.cmpi eq, %squeeze3A_339, %squeeze3A_310 : i32
    %and3A_341 = arith.andi %and3A_337, %eq3A_340 : i1
    %slice3A_342 = vector.extract_strided_slice %get3A_308 {offsets = [9], sizes = [1], strides = [1]} : vector<16xi32> to vector<1xi32>
    %squeeze3A_343 = vector.extract %slice3A_342[0] : i32 from vector<1xi32>
    %eq3A_344 = arith.cmpi eq, %squeeze3A_343, %squeeze3A_310 : i32
    %and3A_345 = arith.andi %and3A_341, %eq3A_344 : i1
    %slice3A_346 = vector.extract_strided_slice %get3A_308 {offsets = [10], sizes = [1], strides = [1]} : vector<16xi32> to vector<1xi32>
    %squeeze3A_347 = vector.extract %slice3A_346[0] : i32 from vector<1xi32>
    %eq3A_348 = arith.cmpi eq, %squeeze3A_347, %squeeze3A_310 : i32
    %and3A_349 = arith.andi %and3A_345, %eq3A_348 : i1
    %slice3A_350 = vector.extract_strided_slice %get3A_308 {offsets = [11], sizes = [1], strides = [1]} : vector<16xi32> to vector<1xi32>
    %squeeze3A_351 = vector.extract %slice3A_350[0] : i32 from vector<1xi32>
    %eq3A_352 = arith.cmpi eq, %squeeze3A_351, %squeeze3A_310 : i32
    %and3A_353 = arith.andi %and3A_349, %eq3A_352 : i1
    %slice3A_354 = vector.extract_strided_slice %get3A_308 {offsets = [12], sizes = [1], strides = [1]} : vector<16xi32> to vector<1xi32>
    %squeeze3A_355 = vector.extract %slice3A_354[0] : i32 from vector<1xi32>
    %eq3A_356 = arith.cmpi eq, %squeeze3A_355, %squeeze3A_310 : i32
    %and3A_357 = arith.andi %and3A_353, %eq3A_356 : i1
    %slice3A_358 = vector.extract_strided_slice %get3A_308 {offsets = [13], sizes = [1], strides = [1]} : vector<16xi32> to vector<1xi32>
    %squeeze3A_359 = vector.extract %slice3A_358[0] : i32 from vector<1xi32>
    %eq3A_360 = arith.cmpi eq, %squeeze3A_359, %squeeze3A_310 : i32
    %and3A_361 = arith.andi %and3A_357, %eq3A_360 : i1
    %slice3A_362 = vector.extract_strided_slice %get3A_308 {offsets = [14], sizes = [1], strides = [1]} : vector<16xi32> to vector<1xi32>
    %squeeze3A_363 = vector.extract %slice3A_362[0] : i32 from vector<1xi32>
    %eq3A_364 = arith.cmpi eq, %squeeze3A_363, %squeeze3A_310 : i32
    %and3A_365 = arith.andi %and3A_361, %eq3A_364 : i1
    %slice3A_366 = vector.extract_strided_slice %get3A_308 {offsets = [15], sizes = [1], strides = [1]} : vector<16xi32> to vector<1xi32>
    %squeeze3A_367 = vector.extract %slice3A_366[0] : i32 from vector<1xi32>
    %eq3A_368 = arith.cmpi eq, %squeeze3A_367, %squeeze3A_310 : i32
    %and3A_369 = arith.andi %and3A_365, %eq3A_368 : i1
    %ne3A_370 = arith.cmpi ne, %squeeze3A_310, %select_n3A_294 : i32
    %and3A_371 = arith.andi %and3A_369, %ne3A_370 : i1
    %select_n3A_372 = arith.select %and3A_371, %squeeze3A_310, %select_n3A_294 : i32
    %convert_element_type3A_373 = arith.extui %and3A_371 : i1 to i32
    %cond3A_374 = arith.constant 0 : i32
    %cond3A_375 = arith.cmpi ne, %convert_element_type3A_373, %cond3A_374 : i32
    scf.if %cond3A_375 {
      %dma_start3A = arith.constant 64 : i32
      %dma_start3A_462 = tpu.memref_slice %arg5[%dma_start3A] : memref<96xi32, #tpu.memory_space<vmem>> -> memref<8xi32, #tpu.memory_space<vmem>>
      %dma_start3A_463 = arith.constant 0 : i32
      %dma_start3A_464 = arith.constant 0 : i32
      %dma_start3A_465 = arith.constant 0 : i32
      %dma_start3A_466 = tpu.memref_slice %arg2[%dma_start3A_463, %dma_start3A_464, %dma_start3A_465] : memref<120x8x768xf32, #tpu.memory_space<hbm>> -> memref<120x8x768xf32, #tpu.memory_space<hbm>>
      tpu.enqueue_indirect_dma source(%dma_start3A_466 : memref<120x8x768xf32, #tpu.memory_space<hbm>>) target(%arg6 : memref<8x8x768xf32, #tpu.memory_space<vmem>>) offsets(%dma_start3A_462 : memref<8xi32, #tpu.memory_space<vmem>>) semaphore(%arg8 : memref<!tpu.dma_semaphore, #tpu.memory_space<semaphore_mem>>)
      %dma_wait3A = arith.constant 64 : i32
      %dma_wait3A_467 = tpu.memref_slice %arg5[%dma_wait3A] : memref<96xi32, #tpu.memory_space<vmem>> -> memref<8xi32, #tpu.memory_space<vmem>>
      %dma_wait3A_468 = arith.constant 0 : i32
      %dma_wait3A_469 = arith.constant 0 : i32
      %dma_wait3A_470 = arith.constant 0 : i32
      %dma_wait3A_471 = tpu.memref_slice %arg2[%dma_wait3A_468, %dma_wait3A_469, %dma_wait3A_470] : memref<120x8x768xf32, #tpu.memory_space<hbm>> -> memref<120x8x768xf32, #tpu.memory_space<hbm>>
      tpu.wait_indirect_dma semaphore(%arg8 : memref<!tpu.dma_semaphore, #tpu.memory_space<semaphore_mem>>) src(%dma_wait3A_471 : memref<120x8x768xf32, #tpu.memory_space<hbm>>) dst(%arg6 : memref<8x8x768xf32, #tpu.memory_space<vmem>>)
    } else {
    }
    %convert_element_type3A_376 = arith.extui %and3A_369 : i1 to i32
    %cond3A_377 = arith.constant 0 : i32
    %cond3A_378 = arith.cmpi ne, %convert_element_type3A_376, %cond3A_377 : i32
    scf.if %cond3A_378 {
      %add3A_462 = arith.constant 64 : i32
      %add3A_463 = arith.addi %mul3A_2, %add3A_462 : i32
      %jit3A_464 = arith.constant 256 : i32
      %div3A = arith.divsi %add3A_463, %jit3A_464 : i32
      %sign3A = arith.constant 0 : i32
      %sign3A_465 = arith.cmpi sgt, %add3A_463, %sign3A : i32
      %sign3A_466 = arith.extui %sign3A_465 : i1 to i32
      %sign3A_467 = arith.constant 0 : i32
      %sign3A_468 = arith.cmpi slt, %add3A_463, %sign3A_467 : i32
      %sign3A_469 = arith.extui %sign3A_468 : i1 to i32
      %sign3A_470 = arith.subi %sign3A_466, %sign3A_469 : i32
      %sign3A_471 = arith.constant 0 : i32
      %sign3A_472 = arith.cmpi sgt, %jit3A_464, %sign3A_471 : i32
      %sign3A_473 = arith.extui %sign3A_472 : i1 to i32
      %sign3A_474 = arith.constant 0 : i32
      %sign3A_475 = arith.cmpi slt, %jit3A_464, %sign3A_474 : i32
      %sign3A_476 = arith.extui %sign3A_475 : i1 to i32
      %sign3A_477 = arith.subi %sign3A_473, %sign3A_476 : i32
      %ne3A_478 = arith.cmpi ne, %sign3A_470, %sign3A_477 : i32
      %rem3A = arith.remsi %add3A_463, %jit3A_464 : i32
      %ne3A_479 = arith.constant 0 : i32
      %ne3A_480 = arith.cmpi ne, %rem3A, %ne3A_479 : i32
      %and3A_481 = arith.andi %ne3A_478, %ne3A_480 : i1
      %sub3A = arith.constant 1 : i32
      %sub3A_482 = arith.subi %div3A, %sub3A : i32
      %select_n3A_483 = arith.select %and3A_481, %sub3A_482, %div3A : i32
      %jit3A_484 = arith.constant 256 : i32
      %eq3A_485 = arith.constant 0 : i32
      %eq3A_486 = arith.cmpi eq, %jit3A_484, %eq3A_485 : i32
      %jit3A_487 = arith.constant 1 : i32
      %select_n3A_488 = arith.select %eq3A_486, %jit3A_487, %jit3A_484 : i32
      %rem3A_489 = arith.remsi %add3A_463, %select_n3A_488 : i32
      %ne3A_490 = arith.constant 0 : i32
      %ne3A_491 = arith.cmpi ne, %rem3A_489, %ne3A_490 : i32
      %lt3A = arith.constant 0 : i32
      %lt3A_492 = arith.cmpi slt, %rem3A_489, %lt3A : i32
      %lt3A_493 = arith.constant 0 : i32
      %lt3A_494 = arith.cmpi slt, %select_n3A_488, %lt3A_493 : i32
      %ne3A_495 = arith.xori %lt3A_492, %lt3A_494 : i1
      %and3A_496 = arith.andi %ne3A_495, %ne3A_491 : i1
      %add3A_497 = arith.addi %rem3A_489, %select_n3A_488 : i32
      %select_n3A_498 = arith.select %and3A_496, %add3A_497, %rem3A_489 : i32
      %dma_start3A = arith.constant 0 : i32
      %dma_start3A_499 = arith.constant 0 : i32
      %dma_start3A_500 = tpu.memref_slice %arg4[%select_n3A_483, %select_n3A_498, %dma_start3A, %dma_start3A_499] : memref<12x256x8x768xf32, #tpu.memory_space<hbm>> -> memref<1x8x8x768xf32, #tpu.memory_space<hbm>>
      %dma_start3A_501 = tpu.memref_squeeze %dma_start3A_500 : memref<1x8x8x768xf32, #tpu.memory_space<hbm>> -> memref<8x8x768xf32, #tpu.memory_space<hbm>>
      %dma_start3A_502 = arith.constant 0 : i32
      %dma_start3A_503 = arith.constant 0 : i32
      %dma_start3A_504 = tpu.memref_slice %arg4[%select_n3A_483, %select_n3A_498, %dma_start3A_502, %dma_start3A_503] : memref<12x256x8x768xf32, #tpu.memory_space<hbm>> -> memref<1x8x8x768xf32, #tpu.memory_space<hbm>>
      %dma_start3A_505 = tpu.memref_squeeze %dma_start3A_504 : memref<1x8x8x768xf32, #tpu.memory_space<hbm>> -> memref<8x8x768xf32, #tpu.memory_space<hbm>>
      tpu.enqueue_dma source(%arg6 : memref<8x8x768xf32, #tpu.memory_space<vmem>>) target(%dma_start3A_505 : memref<8x8x768xf32, #tpu.memory_space<hbm>>) target_semaphore(%arg9 : memref<!tpu.dma_semaphore, #tpu.memory_space<semaphore_mem>>)
      %add3A_506 = arith.constant 72 : i32
      %add3A_507 = arith.addi %mul3A_2, %add3A_506 : i32
      %jit3A_508 = arith.constant 256 : i32
      %div3A_509 = arith.divsi %add3A_507, %jit3A_508 : i32
      %sign3A_510 = arith.constant 0 : i32
      %sign3A_511 = arith.cmpi sgt, %add3A_507, %sign3A_510 : i32
      %sign3A_512 = arith.extui %sign3A_511 : i1 to i32
      %sign3A_513 = arith.constant 0 : i32
      %sign3A_514 = arith.cmpi slt, %add3A_507, %sign3A_513 : i32
      %sign3A_515 = arith.extui %sign3A_514 : i1 to i32
      %sign3A_516 = arith.subi %sign3A_512, %sign3A_515 : i32
      %sign3A_517 = arith.constant 0 : i32
      %sign3A_518 = arith.cmpi sgt, %jit3A_508, %sign3A_517 : i32
      %sign3A_519 = arith.extui %sign3A_518 : i1 to i32
      %sign3A_520 = arith.constant 0 : i32
      %sign3A_521 = arith.cmpi slt, %jit3A_508, %sign3A_520 : i32
      %sign3A_522 = arith.extui %sign3A_521 : i1 to i32
      %sign3A_523 = arith.subi %sign3A_519, %sign3A_522 : i32
      %ne3A_524 = arith.cmpi ne, %sign3A_516, %sign3A_523 : i32
      %rem3A_525 = arith.remsi %add3A_507, %jit3A_508 : i32
      %ne3A_526 = arith.constant 0 : i32
      %ne3A_527 = arith.cmpi ne, %rem3A_525, %ne3A_526 : i32
      %and3A_528 = arith.andi %ne3A_524, %ne3A_527 : i1
      %sub3A_529 = arith.constant 1 : i32
      %sub3A_530 = arith.subi %div3A_509, %sub3A_529 : i32
      %select_n3A_531 = arith.select %and3A_528, %sub3A_530, %div3A_509 : i32
      %jit3A_532 = arith.constant 256 : i32
      %eq3A_533 = arith.constant 0 : i32
      %eq3A_534 = arith.cmpi eq, %jit3A_532, %eq3A_533 : i32
      %jit3A_535 = arith.constant 1 : i32
      %select_n3A_536 = arith.select %eq3A_534, %jit3A_535, %jit3A_532 : i32
      %rem3A_537 = arith.remsi %add3A_507, %select_n3A_536 : i32
      %ne3A_538 = arith.constant 0 : i32
      %ne3A_539 = arith.cmpi ne, %rem3A_537, %ne3A_538 : i32
      %lt3A_540 = arith.constant 0 : i32
      %lt3A_541 = arith.cmpi slt, %rem3A_537, %lt3A_540 : i32
      %lt3A_542 = arith.constant 0 : i32
      %lt3A_543 = arith.cmpi slt, %select_n3A_536, %lt3A_542 : i32
      %ne3A_544 = arith.xori %lt3A_541, %lt3A_543 : i1
      %and3A_545 = arith.andi %ne3A_544, %ne3A_539 : i1
      %add3A_546 = arith.addi %rem3A_537, %select_n3A_536 : i32
      %select_n3A_547 = arith.select %and3A_545, %add3A_546, %rem3A_537 : i32
      %dma_start3A_548 = arith.constant 0 : i32
      %dma_start3A_549 = arith.constant 0 : i32
      %dma_start3A_550 = tpu.memref_slice %arg4[%select_n3A_531, %select_n3A_547, %dma_start3A_548, %dma_start3A_549] : memref<12x256x8x768xf32, #tpu.memory_space<hbm>> -> memref<1x8x8x768xf32, #tpu.memory_space<hbm>>
      %dma_start3A_551 = tpu.memref_squeeze %dma_start3A_550 : memref<1x8x8x768xf32, #tpu.memory_space<hbm>> -> memref<8x8x768xf32, #tpu.memory_space<hbm>>
      %dma_start3A_552 = arith.constant 0 : i32
      %dma_start3A_553 = arith.constant 0 : i32
      %dma_start3A_554 = tpu.memref_slice %arg4[%select_n3A_531, %select_n3A_547, %dma_start3A_552, %dma_start3A_553] : memref<12x256x8x768xf32, #tpu.memory_space<hbm>> -> memref<1x8x8x768xf32, #tpu.memory_space<hbm>>
      %dma_start3A_555 = tpu.memref_squeeze %dma_start3A_554 : memref<1x8x8x768xf32, #tpu.memory_space<hbm>> -> memref<8x8x768xf32, #tpu.memory_space<hbm>>
      tpu.enqueue_dma source(%arg6 : memref<8x8x768xf32, #tpu.memory_space<vmem>>) target(%dma_start3A_555 : memref<8x8x768xf32, #tpu.memory_space<hbm>>) target_semaphore(%arg9 : memref<!tpu.dma_semaphore, #tpu.memory_space<semaphore_mem>>)
      %dma_wait3A = arith.constant 0 : i32
      %dma_wait3A_556 = arith.constant 0 : i32
      %dma_wait3A_557 = tpu.memref_slice %arg4[%select_n3A_483, %select_n3A_498, %dma_wait3A, %dma_wait3A_556] : memref<12x256x8x768xf32, #tpu.memory_space<hbm>> -> memref<1x8x8x768xf32, #tpu.memory_space<hbm>>
      %dma_wait3A_558 = tpu.memref_squeeze %dma_wait3A_557 : memref<1x8x8x768xf32, #tpu.memory_space<hbm>> -> memref<8x8x768xf32, #tpu.memory_space<hbm>>
      %dma_wait3A_559 = arith.constant 0 : i32
      %dma_wait3A_560 = arith.constant 0 : i32
      %dma_wait3A_561 = tpu.memref_slice %arg4[%select_n3A_483, %select_n3A_498, %dma_wait3A_559, %dma_wait3A_560] : memref<12x256x8x768xf32, #tpu.memory_space<hbm>> -> memref<1x8x8x768xf32, #tpu.memory_space<hbm>>
      %dma_wait3A_562 = tpu.memref_squeeze %dma_wait3A_561 : memref<1x8x8x768xf32, #tpu.memory_space<hbm>> -> memref<8x8x768xf32, #tpu.memory_space<hbm>>
      tpu.wait_dma2 semaphore(%arg9 : memref<!tpu.dma_semaphore, #tpu.memory_space<semaphore_mem>>) src(%arg6 : memref<8x8x768xf32, #tpu.memory_space<vmem>>) dst(%dma_wait3A_562 : memref<8x8x768xf32, #tpu.memory_space<hbm>>)
      %dma_wait3A_563 = arith.constant 0 : i32
      %dma_wait3A_564 = arith.constant 0 : i32
      %dma_wait3A_565 = tpu.memref_slice %arg4[%select_n3A_531, %select_n3A_547, %dma_wait3A_563, %dma_wait3A_564] : memref<12x256x8x768xf32, #tpu.memory_space<hbm>> -> memref<1x8x8x768xf32, #tpu.memory_space<hbm>>
      %dma_wait3A_566 = tpu.memref_squeeze %dma_wait3A_565 : memref<1x8x8x768xf32, #tpu.memory_space<hbm>> -> memref<8x8x768xf32, #tpu.memory_space<hbm>>
      %dma_wait3A_567 = arith.constant 0 : i32
      %dma_wait3A_568 = arith.constant 0 : i32
      %dma_wait3A_569 = tpu.memref_slice %arg4[%select_n3A_531, %select_n3A_547, %dma_wait3A_567, %dma_wait3A_568] : memref<12x256x8x768xf32, #tpu.memory_space<hbm>> -> memref<1x8x8x768xf32, #tpu.memory_space<hbm>>
      %dma_wait3A_570 = tpu.memref_squeeze %dma_wait3A_569 : memref<1x8x8x768xf32, #tpu.memory_space<hbm>> -> memref<8x8x768xf32, #tpu.memory_space<hbm>>
      tpu.wait_dma2 semaphore(%arg9 : memref<!tpu.dma_semaphore, #tpu.memory_space<semaphore_mem>>) src(%arg6 : memref<8x8x768xf32, #tpu.memory_space<vmem>>) dst(%dma_wait3A_570 : memref<8x8x768xf32, #tpu.memory_space<hbm>>)
    } else {
    }
    %not3A_379 = arith.constant true
    %not3A_380 = arith.xori %and3A_369, %not3A_379 : i1
    %convert_element_type3A_381 = arith.extui %not3A_380 : i1 to i32
    %cond3A_382 = arith.constant 0 : i32
    %cond3A_383 = arith.cmpi ne, %convert_element_type3A_381, %cond3A_382 : i32
    scf.if %cond3A_383 {
      %dma_start3A = arith.constant 64 : i32
      %dma_start3A_462 = tpu.memref_slice %arg5[%dma_start3A] : memref<96xi32, #tpu.memory_space<vmem>> -> memref<8xi32, #tpu.memory_space<vmem>>
      %dma_start3A_463 = arith.constant 0 : i32
      %dma_start3A_464 = arith.constant 0 : i32
      %dma_start3A_465 = arith.constant 0 : i32
      %dma_start3A_466 = tpu.memref_slice %arg2[%dma_start3A_463, %dma_start3A_464, %dma_start3A_465] : memref<120x8x768xf32, #tpu.memory_space<hbm>> -> memref<120x8x768xf32, #tpu.memory_space<hbm>>
      tpu.enqueue_indirect_dma source(%dma_start3A_466 : memref<120x8x768xf32, #tpu.memory_space<hbm>>) target(%arg7 : memref<8x8x768xf32, #tpu.memory_space<vmem>>) offsets(%dma_start3A_462 : memref<8xi32, #tpu.memory_space<vmem>>) semaphore(%arg8 : memref<!tpu.dma_semaphore, #tpu.memory_space<semaphore_mem>>)
      %dma_wait3A = arith.constant 64 : i32
      %dma_wait3A_467 = tpu.memref_slice %arg5[%dma_wait3A] : memref<96xi32, #tpu.memory_space<vmem>> -> memref<8xi32, #tpu.memory_space<vmem>>
      %dma_wait3A_468 = arith.constant 0 : i32
      %dma_wait3A_469 = arith.constant 0 : i32
      %dma_wait3A_470 = arith.constant 0 : i32
      %dma_wait3A_471 = tpu.memref_slice %arg2[%dma_wait3A_468, %dma_wait3A_469, %dma_wait3A_470] : memref<120x8x768xf32, #tpu.memory_space<hbm>> -> memref<120x8x768xf32, #tpu.memory_space<hbm>>
      tpu.wait_indirect_dma semaphore(%arg8 : memref<!tpu.dma_semaphore, #tpu.memory_space<semaphore_mem>>) src(%dma_wait3A_471 : memref<120x8x768xf32, #tpu.memory_space<hbm>>) dst(%arg7 : memref<8x8x768xf32, #tpu.memory_space<vmem>>)
      %add3A_472 = arith.constant 64 : i32
      %add3A_473 = arith.addi %mul3A_2, %add3A_472 : i32
      %jit3A_474 = arith.constant 256 : i32
      %div3A = arith.divsi %add3A_473, %jit3A_474 : i32
      %sign3A = arith.constant 0 : i32
      %sign3A_475 = arith.cmpi sgt, %add3A_473, %sign3A : i32
      %sign3A_476 = arith.extui %sign3A_475 : i1 to i32
      %sign3A_477 = arith.constant 0 : i32
      %sign3A_478 = arith.cmpi slt, %add3A_473, %sign3A_477 : i32
      %sign3A_479 = arith.extui %sign3A_478 : i1 to i32
      %sign3A_480 = arith.subi %sign3A_476, %sign3A_479 : i32
      %sign3A_481 = arith.constant 0 : i32
      %sign3A_482 = arith.cmpi sgt, %jit3A_474, %sign3A_481 : i32
      %sign3A_483 = arith.extui %sign3A_482 : i1 to i32
      %sign3A_484 = arith.constant 0 : i32
      %sign3A_485 = arith.cmpi slt, %jit3A_474, %sign3A_484 : i32
      %sign3A_486 = arith.extui %sign3A_485 : i1 to i32
      %sign3A_487 = arith.subi %sign3A_483, %sign3A_486 : i32
      %ne3A_488 = arith.cmpi ne, %sign3A_480, %sign3A_487 : i32
      %rem3A = arith.remsi %add3A_473, %jit3A_474 : i32
      %ne3A_489 = arith.constant 0 : i32
      %ne3A_490 = arith.cmpi ne, %rem3A, %ne3A_489 : i32
      %and3A_491 = arith.andi %ne3A_488, %ne3A_490 : i1
      %sub3A = arith.constant 1 : i32
      %sub3A_492 = arith.subi %div3A, %sub3A : i32
      %select_n3A_493 = arith.select %and3A_491, %sub3A_492, %div3A : i32
      %jit3A_494 = arith.constant 256 : i32
      %eq3A_495 = arith.constant 0 : i32
      %eq3A_496 = arith.cmpi eq, %jit3A_494, %eq3A_495 : i32
      %jit3A_497 = arith.constant 1 : i32
      %select_n3A_498 = arith.select %eq3A_496, %jit3A_497, %jit3A_494 : i32
      %rem3A_499 = arith.remsi %add3A_473, %select_n3A_498 : i32
      %ne3A_500 = arith.constant 0 : i32
      %ne3A_501 = arith.cmpi ne, %rem3A_499, %ne3A_500 : i32
      %lt3A = arith.constant 0 : i32
      %lt3A_502 = arith.cmpi slt, %rem3A_499, %lt3A : i32
      %lt3A_503 = arith.constant 0 : i32
      %lt3A_504 = arith.cmpi slt, %select_n3A_498, %lt3A_503 : i32
      %ne3A_505 = arith.xori %lt3A_502, %lt3A_504 : i1
      %and3A_506 = arith.andi %ne3A_505, %ne3A_501 : i1
      %add3A_507 = arith.addi %rem3A_499, %select_n3A_498 : i32
      %select_n3A_508 = arith.select %and3A_506, %add3A_507, %rem3A_499 : i32
      %dma_start3A_509 = arith.constant 0 : i32
      %dma_start3A_510 = arith.constant 0 : i32
      %dma_start3A_511 = tpu.memref_slice %arg4[%select_n3A_493, %select_n3A_508, %dma_start3A_509, %dma_start3A_510] : memref<12x256x8x768xf32, #tpu.memory_space<hbm>> -> memref<1x8x8x768xf32, #tpu.memory_space<hbm>>
      %dma_start3A_512 = tpu.memref_squeeze %dma_start3A_511 : memref<1x8x8x768xf32, #tpu.memory_space<hbm>> -> memref<8x8x768xf32, #tpu.memory_space<hbm>>
      %dma_start3A_513 = arith.constant 0 : i32
      %dma_start3A_514 = arith.constant 0 : i32
      %dma_start3A_515 = tpu.memref_slice %arg4[%select_n3A_493, %select_n3A_508, %dma_start3A_513, %dma_start3A_514] : memref<12x256x8x768xf32, #tpu.memory_space<hbm>> -> memref<1x8x8x768xf32, #tpu.memory_space<hbm>>
      %dma_start3A_516 = tpu.memref_squeeze %dma_start3A_515 : memref<1x8x8x768xf32, #tpu.memory_space<hbm>> -> memref<8x8x768xf32, #tpu.memory_space<hbm>>
      tpu.enqueue_dma source(%arg7 : memref<8x8x768xf32, #tpu.memory_space<vmem>>) target(%dma_start3A_516 : memref<8x8x768xf32, #tpu.memory_space<hbm>>) target_semaphore(%arg9 : memref<!tpu.dma_semaphore, #tpu.memory_space<semaphore_mem>>)
      %dma_wait3A_517 = arith.constant 0 : i32
      %dma_wait3A_518 = arith.constant 0 : i32
      %dma_wait3A_519 = tpu.memref_slice %arg4[%select_n3A_493, %select_n3A_508, %dma_wait3A_517, %dma_wait3A_518] : memref<12x256x8x768xf32, #tpu.memory_space<hbm>> -> memref<1x8x8x768xf32, #tpu.memory_space<hbm>>
      %dma_wait3A_520 = tpu.memref_squeeze %dma_wait3A_519 : memref<1x8x8x768xf32, #tpu.memory_space<hbm>> -> memref<8x8x768xf32, #tpu.memory_space<hbm>>
      %dma_wait3A_521 = arith.constant 0 : i32
      %dma_wait3A_522 = arith.constant 0 : i32
      %dma_wait3A_523 = tpu.memref_slice %arg4[%select_n3A_493, %select_n3A_508, %dma_wait3A_521, %dma_wait3A_522] : memref<12x256x8x768xf32, #tpu.memory_space<hbm>> -> memref<1x8x8x768xf32, #tpu.memory_space<hbm>>
      %dma_wait3A_524 = tpu.memref_squeeze %dma_wait3A_523 : memref<1x8x8x768xf32, #tpu.memory_space<hbm>> -> memref<8x8x768xf32, #tpu.memory_space<hbm>>
      tpu.wait_dma2 semaphore(%arg9 : memref<!tpu.dma_semaphore, #tpu.memory_space<semaphore_mem>>) src(%arg7 : memref<8x8x768xf32, #tpu.memory_space<vmem>>) dst(%dma_wait3A_524 : memref<8x8x768xf32, #tpu.memory_space<hbm>>)
      %dma_start3A_525 = arith.constant 72 : i32
      %dma_start3A_526 = tpu.memref_slice %arg5[%dma_start3A_525] : memref<96xi32, #tpu.memory_space<vmem>> -> memref<8xi32, #tpu.memory_space<vmem>>
      %dma_start3A_527 = arith.constant 0 : i32
      %dma_start3A_528 = arith.constant 0 : i32
      %dma_start3A_529 = arith.constant 0 : i32
      %dma_start3A_530 = tpu.memref_slice %arg2[%dma_start3A_527, %dma_start3A_528, %dma_start3A_529] : memref<120x8x768xf32, #tpu.memory_space<hbm>> -> memref<120x8x768xf32, #tpu.memory_space<hbm>>
      tpu.enqueue_indirect_dma source(%dma_start3A_530 : memref<120x8x768xf32, #tpu.memory_space<hbm>>) target(%arg7 : memref<8x8x768xf32, #tpu.memory_space<vmem>>) offsets(%dma_start3A_526 : memref<8xi32, #tpu.memory_space<vmem>>) semaphore(%arg8 : memref<!tpu.dma_semaphore, #tpu.memory_space<semaphore_mem>>)
      %dma_wait3A_531 = arith.constant 72 : i32
      %dma_wait3A_532 = tpu.memref_slice %arg5[%dma_wait3A_531] : memref<96xi32, #tpu.memory_space<vmem>> -> memref<8xi32, #tpu.memory_space<vmem>>
      %dma_wait3A_533 = arith.constant 0 : i32
      %dma_wait3A_534 = arith.constant 0 : i32
      %dma_wait3A_535 = arith.constant 0 : i32
      %dma_wait3A_536 = tpu.memref_slice %arg2[%dma_wait3A_533, %dma_wait3A_534, %dma_wait3A_535] : memref<120x8x768xf32, #tpu.memory_space<hbm>> -> memref<120x8x768xf32, #tpu.memory_space<hbm>>
      tpu.wait_indirect_dma semaphore(%arg8 : memref<!tpu.dma_semaphore, #tpu.memory_space<semaphore_mem>>) src(%dma_wait3A_536 : memref<120x8x768xf32, #tpu.memory_space<hbm>>) dst(%arg7 : memref<8x8x768xf32, #tpu.memory_space<vmem>>)
      %add3A_537 = arith.constant 72 : i32
      %add3A_538 = arith.addi %mul3A_2, %add3A_537 : i32
      %jit3A_539 = arith.constant 256 : i32
      %div3A_540 = arith.divsi %add3A_538, %jit3A_539 : i32
      %sign3A_541 = arith.constant 0 : i32
      %sign3A_542 = arith.cmpi sgt, %add3A_538, %sign3A_541 : i32
      %sign3A_543 = arith.extui %sign3A_542 : i1 to i32
      %sign3A_544 = arith.constant 0 : i32
      %sign3A_545 = arith.cmpi slt, %add3A_538, %sign3A_544 : i32
      %sign3A_546 = arith.extui %sign3A_545 : i1 to i32
      %sign3A_547 = arith.subi %sign3A_543, %sign3A_546 : i32
      %sign3A_548 = arith.constant 0 : i32
      %sign3A_549 = arith.cmpi sgt, %jit3A_539, %sign3A_548 : i32
      %sign3A_550 = arith.extui %sign3A_549 : i1 to i32
      %sign3A_551 = arith.constant 0 : i32
      %sign3A_552 = arith.cmpi slt, %jit3A_539, %sign3A_551 : i32
      %sign3A_553 = arith.extui %sign3A_552 : i1 to i32
      %sign3A_554 = arith.subi %sign3A_550, %sign3A_553 : i32
      %ne3A_555 = arith.cmpi ne, %sign3A_547, %sign3A_554 : i32
      %rem3A_556 = arith.remsi %add3A_538, %jit3A_539 : i32
      %ne3A_557 = arith.constant 0 : i32
      %ne3A_558 = arith.cmpi ne, %rem3A_556, %ne3A_557 : i32
      %and3A_559 = arith.andi %ne3A_555, %ne3A_558 : i1
      %sub3A_560 = arith.constant 1 : i32
      %sub3A_561 = arith.subi %div3A_540, %sub3A_560 : i32
      %select_n3A_562 = arith.select %and3A_559, %sub3A_561, %div3A_540 : i32
      %jit3A_563 = arith.constant 256 : i32
      %eq3A_564 = arith.constant 0 : i32
      %eq3A_565 = arith.cmpi eq, %jit3A_563, %eq3A_564 : i32
      %jit3A_566 = arith.constant 1 : i32
      %select_n3A_567 = arith.select %eq3A_565, %jit3A_566, %jit3A_563 : i32
      %rem3A_568 = arith.remsi %add3A_538, %select_n3A_567 : i32
      %ne3A_569 = arith.constant 0 : i32
      %ne3A_570 = arith.cmpi ne, %rem3A_568, %ne3A_569 : i32
      %lt3A_571 = arith.constant 0 : i32
      %lt3A_572 = arith.cmpi slt, %rem3A_568, %lt3A_571 : i32
      %lt3A_573 = arith.constant 0 : i32
      %lt3A_574 = arith.cmpi slt, %select_n3A_567, %lt3A_573 : i32
      %ne3A_575 = arith.xori %lt3A_572, %lt3A_574 : i1
      %and3A_576 = arith.andi %ne3A_575, %ne3A_570 : i1
      %add3A_577 = arith.addi %rem3A_568, %select_n3A_567 : i32
      %select_n3A_578 = arith.select %and3A_576, %add3A_577, %rem3A_568 : i32
      %dma_start3A_579 = arith.constant 0 : i32
      %dma_start3A_580 = arith.constant 0 : i32
      %dma_start3A_581 = tpu.memref_slice %arg4[%select_n3A_562, %select_n3A_578, %dma_start3A_579, %dma_start3A_580] : memref<12x256x8x768xf32, #tpu.memory_space<hbm>> -> memref<1x8x8x768xf32, #tpu.memory_space<hbm>>
      %dma_start3A_582 = tpu.memref_squeeze %dma_start3A_581 : memref<1x8x8x768xf32, #tpu.memory_space<hbm>> -> memref<8x8x768xf32, #tpu.memory_space<hbm>>
      %dma_start3A_583 = arith.constant 0 : i32
      %dma_start3A_584 = arith.constant 0 : i32
      %dma_start3A_585 = tpu.memref_slice %arg4[%select_n3A_562, %select_n3A_578, %dma_start3A_583, %dma_start3A_584] : memref<12x256x8x768xf32, #tpu.memory_space<hbm>> -> memref<1x8x8x768xf32, #tpu.memory_space<hbm>>
      %dma_start3A_586 = tpu.memref_squeeze %dma_start3A_585 : memref<1x8x8x768xf32, #tpu.memory_space<hbm>> -> memref<8x8x768xf32, #tpu.memory_space<hbm>>
      tpu.enqueue_dma source(%arg7 : memref<8x8x768xf32, #tpu.memory_space<vmem>>) target(%dma_start3A_586 : memref<8x8x768xf32, #tpu.memory_space<hbm>>) target_semaphore(%arg9 : memref<!tpu.dma_semaphore, #tpu.memory_space<semaphore_mem>>)
      %dma_wait3A_587 = arith.constant 0 : i32
      %dma_wait3A_588 = arith.constant 0 : i32
      %dma_wait3A_589 = tpu.memref_slice %arg4[%select_n3A_562, %select_n3A_578, %dma_wait3A_587, %dma_wait3A_588] : memref<12x256x8x768xf32, #tpu.memory_space<hbm>> -> memref<1x8x8x768xf32, #tpu.memory_space<hbm>>
      %dma_wait3A_590 = tpu.memref_squeeze %dma_wait3A_589 : memref<1x8x8x768xf32, #tpu.memory_space<hbm>> -> memref<8x8x768xf32, #tpu.memory_space<hbm>>
      %dma_wait3A_591 = arith.constant 0 : i32
      %dma_wait3A_592 = arith.constant 0 : i32
      %dma_wait3A_593 = tpu.memref_slice %arg4[%select_n3A_562, %select_n3A_578, %dma_wait3A_591, %dma_wait3A_592] : memref<12x256x8x768xf32, #tpu.memory_space<hbm>> -> memref<1x8x8x768xf32, #tpu.memory_space<hbm>>
      %dma_wait3A_594 = tpu.memref_squeeze %dma_wait3A_593 : memref<1x8x8x768xf32, #tpu.memory_space<hbm>> -> memref<8x8x768xf32, #tpu.memory_space<hbm>>
      tpu.wait_dma2 semaphore(%arg9 : memref<!tpu.dma_semaphore, #tpu.memory_space<semaphore_mem>>) src(%arg7 : memref<8x8x768xf32, #tpu.memory_space<vmem>>) dst(%dma_wait3A_594 : memref<8x8x768xf32, #tpu.memory_space<hbm>>)
    } else {
    }
    %get3A_384 = arith.constant 80 : index
    %get3A_385 = tpu.vector_load %arg5[%get3A_384] {strides = array<i32>} : memref<96xi32, #tpu.memory_space<vmem>>, vector<16xi32>,
    %get3A_386 = vector.shape_cast %get3A_385 : vector<16xi32> to vector<16xi32>
    %slice3A_387 = vector.extract_strided_slice %get3A_386 {offsets = [0], sizes = [1], strides = [1]} : vector<16xi32> to vector<1xi32>
    %squeeze3A_388 = vector.extract %slice3A_387[0] : i32 from vector<1xi32>
    %slice3A_389 = vector.extract_strided_slice %get3A_386 {offsets = [1], sizes = [1], strides = [1]} : vector<16xi32> to vector<1xi32>
    %squeeze3A_390 = vector.extract %slice3A_389[0] : i32 from vector<1xi32>
    %eq3A_391 = arith.cmpi eq, %squeeze3A_390, %squeeze3A_388 : i32
    %slice3A_392 = vector.extract_strided_slice %get3A_386 {offsets = [2], sizes = [1], strides = [1]} : vector<16xi32> to vector<1xi32>
    %squeeze3A_393 = vector.extract %slice3A_392[0] : i32 from vector<1xi32>
    %eq3A_394 = arith.cmpi eq, %squeeze3A_393, %squeeze3A_388 : i32
    %and3A_395 = arith.andi %eq3A_391, %eq3A_394 : i1
    %slice3A_396 = vector.extract_strided_slice %get3A_386 {offsets = [3], sizes = [1], strides = [1]} : vector<16xi32> to vector<1xi32>
    %squeeze3A_397 = vector.extract %slice3A_396[0] : i32 from vector<1xi32>
    %eq3A_398 = arith.cmpi eq, %squeeze3A_397, %squeeze3A_388 : i32
    %and3A_399 = arith.andi %and3A_395, %eq3A_398 : i1
    %slice3A_400 = vector.extract_strided_slice %get3A_386 {offsets = [4], sizes = [1], strides = [1]} : vector<16xi32> to vector<1xi32>
    %squeeze3A_401 = vector.extract %slice3A_400[0] : i32 from vector<1xi32>
    %eq3A_402 = arith.cmpi eq, %squeeze3A_401, %squeeze3A_388 : i32
    %and3A_403 = arith.andi %and3A_399, %eq3A_402 : i1
    %slice3A_404 = vector.extract_strided_slice %get3A_386 {offsets = [5], sizes = [1], strides = [1]} : vector<16xi32> to vector<1xi32>
    %squeeze3A_405 = vector.extract %slice3A_404[0] : i32 from vector<1xi32>
    %eq3A_406 = arith.cmpi eq, %squeeze3A_405, %squeeze3A_388 : i32
    %and3A_407 = arith.andi %and3A_403, %eq3A_406 : i1
    %slice3A_408 = vector.extract_strided_slice %get3A_386 {offsets = [6], sizes = [1], strides = [1]} : vector<16xi32> to vector<1xi32>
    %squeeze3A_409 = vector.extract %slice3A_408[0] : i32 from vector<1xi32>
    %eq3A_410 = arith.cmpi eq, %squeeze3A_409, %squeeze3A_388 : i32
    %and3A_411 = arith.andi %and3A_407, %eq3A_410 : i1
    %slice3A_412 = vector.extract_strided_slice %get3A_386 {offsets = [7], sizes = [1], strides = [1]} : vector<16xi32> to vector<1xi32>
    %squeeze3A_413 = vector.extract %slice3A_412[0] : i32 from vector<1xi32>
    %eq3A_414 = arith.cmpi eq, %squeeze3A_413, %squeeze3A_388 : i32
    %and3A_415 = arith.andi %and3A_411, %eq3A_414 : i1
    %slice3A_416 = vector.extract_strided_slice %get3A_386 {offsets = [8], sizes = [1], strides = [1]} : vector<16xi32> to vector<1xi32>
    %squeeze3A_417 = vector.extract %slice3A_416[0] : i32 from vector<1xi32>
    %eq3A_418 = arith.cmpi eq, %squeeze3A_417, %squeeze3A_388 : i32
    %and3A_419 = arith.andi %and3A_415, %eq3A_418 : i1
    %slice3A_420 = vector.extract_strided_slice %get3A_386 {offsets = [9], sizes = [1], strides = [1]} : vector<16xi32> to vector<1xi32>
    %squeeze3A_421 = vector.extract %slice3A_420[0] : i32 from vector<1xi32>
    %eq3A_422 = arith.cmpi eq, %squeeze3A_421, %squeeze3A_388 : i32
    %and3A_423 = arith.andi %and3A_419, %eq3A_422 : i1
    %slice3A_424 = vector.extract_strided_slice %get3A_386 {offsets = [10], sizes = [1], strides = [1]} : vector<16xi32> to vector<1xi32>
    %squeeze3A_425 = vector.extract %slice3A_424[0] : i32 from vector<1xi32>
    %eq3A_426 = arith.cmpi eq, %squeeze3A_425, %squeeze3A_388 : i32
    %and3A_427 = arith.andi %and3A_423, %eq3A_426 : i1
    %slice3A_428 = vector.extract_strided_slice %get3A_386 {offsets = [11], sizes = [1], strides = [1]} : vector<16xi32> to vector<1xi32>
    %squeeze3A_429 = vector.extract %slice3A_428[0] : i32 from vector<1xi32>
    %eq3A_430 = arith.cmpi eq, %squeeze3A_429, %squeeze3A_388 : i32
    %and3A_431 = arith.andi %and3A_427, %eq3A_430 : i1
    %slice3A_432 = vector.extract_strided_slice %get3A_386 {offsets = [12], sizes = [1], strides = [1]} : vector<16xi32> to vector<1xi32>
    %squeeze3A_433 = vector.extract %slice3A_432[0] : i32 from vector<1xi32>
    %eq3A_434 = arith.cmpi eq, %squeeze3A_433, %squeeze3A_388 : i32
    %and3A_435 = arith.andi %and3A_431, %eq3A_434 : i1
    %slice3A_436 = vector.extract_strided_slice %get3A_386 {offsets = [13], sizes = [1], strides = [1]} : vector<16xi32> to vector<1xi32>
    %squeeze3A_437 = vector.extract %slice3A_436[0] : i32 from vector<1xi32>
    %eq3A_438 = arith.cmpi eq, %squeeze3A_437, %squeeze3A_388 : i32
    %and3A_439 = arith.andi %and3A_435, %eq3A_438 : i1
    %slice3A_440 = vector.extract_strided_slice %get3A_386 {offsets = [14], sizes = [1], strides = [1]} : vector<16xi32> to vector<1xi32>
    %squeeze3A_441 = vector.extract %slice3A_440[0] : i32 from vector<1xi32>
    %eq3A_442 = arith.cmpi eq, %squeeze3A_441, %squeeze3A_388 : i32
    %and3A_443 = arith.andi %and3A_439, %eq3A_442 : i1
    %slice3A_444 = vector.extract_strided_slice %get3A_386 {offsets = [15], sizes = [1], strides = [1]} : vector<16xi32> to vector<1xi32>
    %squeeze3A_445 = vector.extract %slice3A_444[0] : i32 from vector<1xi32>
    %eq3A_446 = arith.cmpi eq, %squeeze3A_445, %squeeze3A_388 : i32
    %and3A_447 = arith.andi %and3A_443, %eq3A_446 : i1
    %ne3A_448 = arith.cmpi ne, %squeeze3A_388, %select_n3A_372 : i32
    %and3A_449 = arith.andi %and3A_447, %ne3A_448 : i1
    %select_n3A_450 = arith.select %and3A_449, %squeeze3A_388, %select_n3A_372 : i32
    %convert_element_type3A_451 = arith.extui %and3A_449 : i1 to i32
    %cond3A_452 = arith.constant 0 : i32
    %cond3A_453 = arith.cmpi ne, %convert_element_type3A_451, %cond3A_452 : i32
    scf.if %cond3A_453 {
      %dma_start3A = arith.constant 80 : i32
      %dma_start3A_462 = tpu.memref_slice %arg5[%dma_start3A] : memref<96xi32, #tpu.memory_space<vmem>> -> memref<8xi32, #tpu.memory_space<vmem>>
      %dma_start3A_463 = arith.constant 0 : i32
      %dma_start3A_464 = arith.constant 0 : i32
      %dma_start3A_465 = arith.constant 0 : i32
      %dma_start3A_466 = tpu.memref_slice %arg2[%dma_start3A_463, %dma_start3A_464, %dma_start3A_465] : memref<120x8x768xf32, #tpu.memory_space<hbm>> -> memref<120x8x768xf32, #tpu.memory_space<hbm>>
      tpu.enqueue_indirect_dma source(%dma_start3A_466 : memref<120x8x768xf32, #tpu.memory_space<hbm>>) target(%arg6 : memref<8x8x768xf32, #tpu.memory_space<vmem>>) offsets(%dma_start3A_462 : memref<8xi32, #tpu.memory_space<vmem>>) semaphore(%arg8 : memref<!tpu.dma_semaphore, #tpu.memory_space<semaphore_mem>>)
      %dma_wait3A = arith.constant 80 : i32
      %dma_wait3A_467 = tpu.memref_slice %arg5[%dma_wait3A] : memref<96xi32, #tpu.memory_space<vmem>> -> memref<8xi32, #tpu.memory_space<vmem>>
      %dma_wait3A_468 = arith.constant 0 : i32
      %dma_wait3A_469 = arith.constant 0 : i32
      %dma_wait3A_470 = arith.constant 0 : i32
      %dma_wait3A_471 = tpu.memref_slice %arg2[%dma_wait3A_468, %dma_wait3A_469, %dma_wait3A_470] : memref<120x8x768xf32, #tpu.memory_space<hbm>> -> memref<120x8x768xf32, #tpu.memory_space<hbm>>
      tpu.wait_indirect_dma semaphore(%arg8 : memref<!tpu.dma_semaphore, #tpu.memory_space<semaphore_mem>>) src(%dma_wait3A_471 : memref<120x8x768xf32, #tpu.memory_space<hbm>>) dst(%arg6 : memref<8x8x768xf32, #tpu.memory_space<vmem>>)
    } else {
    }
    %convert_element_type3A_454 = arith.extui %and3A_447 : i1 to i32
    %cond3A_455 = arith.constant 0 : i32
    %cond3A_456 = arith.cmpi ne, %convert_element_type3A_454, %cond3A_455 : i32
    scf.if %cond3A_456 {
      %add3A_462 = arith.constant 80 : i32
      %add3A_463 = arith.addi %mul3A_2, %add3A_462 : i32
      %jit3A_464 = arith.constant 256 : i32
      %div3A = arith.divsi %add3A_463, %jit3A_464 : i32
      %sign3A = arith.constant 0 : i32
      %sign3A_465 = arith.cmpi sgt, %add3A_463, %sign3A : i32
      %sign3A_466 = arith.extui %sign3A_465 : i1 to i32
      %sign3A_467 = arith.constant 0 : i32
      %sign3A_468 = arith.cmpi slt, %add3A_463, %sign3A_467 : i32
      %sign3A_469 = arith.extui %sign3A_468 : i1 to i32
      %sign3A_470 = arith.subi %sign3A_466, %sign3A_469 : i32
      %sign3A_471 = arith.constant 0 : i32
      %sign3A_472 = arith.cmpi sgt, %jit3A_464, %sign3A_471 : i32
      %sign3A_473 = arith.extui %sign3A_472 : i1 to i32
      %sign3A_474 = arith.constant 0 : i32
      %sign3A_475 = arith.cmpi slt, %jit3A_464, %sign3A_474 : i32
      %sign3A_476 = arith.extui %sign3A_475 : i1 to i32
      %sign3A_477 = arith.subi %sign3A_473, %sign3A_476 : i32
      %ne3A_478 = arith.cmpi ne, %sign3A_470, %sign3A_477 : i32
      %rem3A = arith.remsi %add3A_463, %jit3A_464 : i32
      %ne3A_479 = arith.constant 0 : i32
      %ne3A_480 = arith.cmpi ne, %rem3A, %ne3A_479 : i32
      %and3A_481 = arith.andi %ne3A_478, %ne3A_480 : i1
      %sub3A = arith.constant 1 : i32
      %sub3A_482 = arith.subi %div3A, %sub3A : i32
      %select_n3A_483 = arith.select %and3A_481, %sub3A_482, %div3A : i32
      %jit3A_484 = arith.constant 256 : i32
      %eq3A_485 = arith.constant 0 : i32
      %eq3A_486 = arith.cmpi eq, %jit3A_484, %eq3A_485 : i32
      %jit3A_487 = arith.constant 1 : i32
      %select_n3A_488 = arith.select %eq3A_486, %jit3A_487, %jit3A_484 : i32
      %rem3A_489 = arith.remsi %add3A_463, %select_n3A_488 : i32
      %ne3A_490 = arith.constant 0 : i32
      %ne3A_491 = arith.cmpi ne, %rem3A_489, %ne3A_490 : i32
      %lt3A = arith.constant 0 : i32
      %lt3A_492 = arith.cmpi slt, %rem3A_489, %lt3A : i32
      %lt3A_493 = arith.constant 0 : i32
      %lt3A_494 = arith.cmpi slt, %select_n3A_488, %lt3A_493 : i32
      %ne3A_495 = arith.xori %lt3A_492, %lt3A_494 : i1
      %and3A_496 = arith.andi %ne3A_495, %ne3A_491 : i1
      %add3A_497 = arith.addi %rem3A_489, %select_n3A_488 : i32
      %select_n3A_498 = arith.select %and3A_496, %add3A_497, %rem3A_489 : i32
      %dma_start3A = arith.constant 0 : i32
      %dma_start3A_499 = arith.constant 0 : i32
      %dma_start3A_500 = tpu.memref_slice %arg4[%select_n3A_483, %select_n3A_498, %dma_start3A, %dma_start3A_499] : memref<12x256x8x768xf32, #tpu.memory_space<hbm>> -> memref<1x8x8x768xf32, #tpu.memory_space<hbm>>
      %dma_start3A_501 = tpu.memref_squeeze %dma_start3A_500 : memref<1x8x8x768xf32, #tpu.memory_space<hbm>> -> memref<8x8x768xf32, #tpu.memory_space<hbm>>
      %dma_start3A_502 = arith.constant 0 : i32
      %dma_start3A_503 = arith.constant 0 : i32
      %dma_start3A_504 = tpu.memref_slice %arg4[%select_n3A_483, %select_n3A_498, %dma_start3A_502, %dma_start3A_503] : memref<12x256x8x768xf32, #tpu.memory_space<hbm>> -> memref<1x8x8x768xf32, #tpu.memory_space<hbm>>
      %dma_start3A_505 = tpu.memref_squeeze %dma_start3A_504 : memref<1x8x8x768xf32, #tpu.memory_space<hbm>> -> memref<8x8x768xf32, #tpu.memory_space<hbm>>
      tpu.enqueue_dma source(%arg6 : memref<8x8x768xf32, #tpu.memory_space<vmem>>) target(%dma_start3A_505 : memref<8x8x768xf32, #tpu.memory_space<hbm>>) target_semaphore(%arg9 : memref<!tpu.dma_semaphore, #tpu.memory_space<semaphore_mem>>)
      %add3A_506 = arith.constant 88 : i32
      %add3A_507 = arith.addi %mul3A_2, %add3A_506 : i32
      %jit3A_508 = arith.constant 256 : i32
      %div3A_509 = arith.divsi %add3A_507, %jit3A_508 : i32
      %sign3A_510 = arith.constant 0 : i32
      %sign3A_511 = arith.cmpi sgt, %add3A_507, %sign3A_510 : i32
      %sign3A_512 = arith.extui %sign3A_511 : i1 to i32
      %sign3A_513 = arith.constant 0 : i32
      %sign3A_514 = arith.cmpi slt, %add3A_507, %sign3A_513 : i32
      %sign3A_515 = arith.extui %sign3A_514 : i1 to i32
      %sign3A_516 = arith.subi %sign3A_512, %sign3A_515 : i32
      %sign3A_517 = arith.constant 0 : i32
      %sign3A_518 = arith.cmpi sgt, %jit3A_508, %sign3A_517 : i32
      %sign3A_519 = arith.extui %sign3A_518 : i1 to i32
      %sign3A_520 = arith.constant 0 : i32
      %sign3A_521 = arith.cmpi slt, %jit3A_508, %sign3A_520 : i32
      %sign3A_522 = arith.extui %sign3A_521 : i1 to i32
      %sign3A_523 = arith.subi %sign3A_519, %sign3A_522 : i32
      %ne3A_524 = arith.cmpi ne, %sign3A_516, %sign3A_523 : i32
      %rem3A_525 = arith.remsi %add3A_507, %jit3A_508 : i32
      %ne3A_526 = arith.constant 0 : i32
      %ne3A_527 = arith.cmpi ne, %rem3A_525, %ne3A_526 : i32
      %and3A_528 = arith.andi %ne3A_524, %ne3A_527 : i1
      %sub3A_529 = arith.constant 1 : i32
      %sub3A_530 = arith.subi %div3A_509, %sub3A_529 : i32
      %select_n3A_531 = arith.select %and3A_528, %sub3A_530, %div3A_509 : i32
      %jit3A_532 = arith.constant 256 : i32
      %eq3A_533 = arith.constant 0 : i32
      %eq3A_534 = arith.cmpi eq, %jit3A_532, %eq3A_533 : i32
      %jit3A_535 = arith.constant 1 : i32
      %select_n3A_536 = arith.select %eq3A_534, %jit3A_535, %jit3A_532 : i32
      %rem3A_537 = arith.remsi %add3A_507, %select_n3A_536 : i32
      %ne3A_538 = arith.constant 0 : i32
      %ne3A_539 = arith.cmpi ne, %rem3A_537, %ne3A_538 : i32
      %lt3A_540 = arith.constant 0 : i32
      %lt3A_541 = arith.cmpi slt, %rem3A_537, %lt3A_540 : i32
      %lt3A_542 = arith.constant 0 : i32
      %lt3A_543 = arith.cmpi slt, %select_n3A_536, %lt3A_542 : i32
      %ne3A_544 = arith.xori %lt3A_541, %lt3A_543 : i1
      %and3A_545 = arith.andi %ne3A_544, %ne3A_539 : i1
      %add3A_546 = arith.addi %rem3A_537, %select_n3A_536 : i32
      %select_n3A_547 = arith.select %and3A_545, %add3A_546, %rem3A_537 : i32
      %dma_start3A_548 = arith.constant 0 : i32
      %dma_start3A_549 = arith.constant 0 : i32
      %dma_start3A_550 = tpu.memref_slice %arg4[%select_n3A_531, %select_n3A_547, %dma_start3A_548, %dma_start3A_549] : memref<12x256x8x768xf32, #tpu.memory_space<hbm>> -> memref<1x8x8x768xf32, #tpu.memory_space<hbm>>
      %dma_start3A_551 = tpu.memref_squeeze %dma_start3A_550 : memref<1x8x8x768xf32, #tpu.memory_space<hbm>> -> memref<8x8x768xf32, #tpu.memory_space<hbm>>
      %dma_start3A_552 = arith.constant 0 : i32
      %dma_start3A_553 = arith.constant 0 : i32
      %dma_start3A_554 = tpu.memref_slice %arg4[%select_n3A_531, %select_n3A_547, %dma_start3A_552, %dma_start3A_553] : memref<12x256x8x768xf32, #tpu.memory_space<hbm>> -> memref<1x8x8x768xf32, #tpu.memory_space<hbm>>
      %dma_start3A_555 = tpu.memref_squeeze %dma_start3A_554 : memref<1x8x8x768xf32, #tpu.memory_space<hbm>> -> memref<8x8x768xf32, #tpu.memory_space<hbm>>
      tpu.enqueue_dma source(%arg6 : memref<8x8x768xf32, #tpu.memory_space<vmem>>) target(%dma_start3A_555 : memref<8x8x768xf32, #tpu.memory_space<hbm>>) target_semaphore(%arg9 : memref<!tpu.dma_semaphore, #tpu.memory_space<semaphore_mem>>)
      %dma_wait3A = arith.constant 0 : i32
      %dma_wait3A_556 = arith.constant 0 : i32
      %dma_wait3A_557 = tpu.memref_slice %arg4[%select_n3A_483, %select_n3A_498, %dma_wait3A, %dma_wait3A_556] : memref<12x256x8x768xf32, #tpu.memory_space<hbm>> -> memref<1x8x8x768xf32, #tpu.memory_space<hbm>>
      %dma_wait3A_558 = tpu.memref_squeeze %dma_wait3A_557 : memref<1x8x8x768xf32, #tpu.memory_space<hbm>> -> memref<8x8x768xf32, #tpu.memory_space<hbm>>
      %dma_wait3A_559 = arith.constant 0 : i32
      %dma_wait3A_560 = arith.constant 0 : i32
      %dma_wait3A_561 = tpu.memref_slice %arg4[%select_n3A_483, %select_n3A_498, %dma_wait3A_559, %dma_wait3A_560] : memref<12x256x8x768xf32, #tpu.memory_space<hbm>> -> memref<1x8x8x768xf32, #tpu.memory_space<hbm>>
      %dma_wait3A_562 = tpu.memref_squeeze %dma_wait3A_561 : memref<1x8x8x768xf32, #tpu.memory_space<hbm>> -> memref<8x8x768xf32, #tpu.memory_space<hbm>>
      tpu.wait_dma2 semaphore(%arg9 : memref<!tpu.dma_semaphore, #tpu.memory_space<semaphore_mem>>) src(%arg6 : memref<8x8x768xf32, #tpu.memory_space<vmem>>) dst(%dma_wait3A_562 : memref<8x8x768xf32, #tpu.memory_space<hbm>>)
      %dma_wait3A_563 = arith.constant 0 : i32
      %dma_wait3A_564 = arith.constant 0 : i32
      %dma_wait3A_565 = tpu.memref_slice %arg4[%select_n3A_531, %select_n3A_547, %dma_wait3A_563, %dma_wait3A_564] : memref<12x256x8x768xf32, #tpu.memory_space<hbm>> -> memref<1x8x8x768xf32, #tpu.memory_space<hbm>>
      %dma_wait3A_566 = tpu.memref_squeeze %dma_wait3A_565 : memref<1x8x8x768xf32, #tpu.memory_space<hbm>> -> memref<8x8x768xf32, #tpu.memory_space<hbm>>
      %dma_wait3A_567 = arith.constant 0 : i32
      %dma_wait3A_568 = arith.constant 0 : i32
      %dma_wait3A_569 = tpu.memref_slice %arg4[%select_n3A_531, %select_n3A_547, %dma_wait3A_567, %dma_wait3A_568] : memref<12x256x8x768xf32, #tpu.memory_space<hbm>> -> memref<1x8x8x768xf32, #tpu.memory_space<hbm>>
      %dma_wait3A_570 = tpu.memref_squeeze %dma_wait3A_569 : memref<1x8x8x768xf32, #tpu.memory_space<hbm>> -> memref<8x8x768xf32, #tpu.memory_space<hbm>>
      tpu.wait_dma2 semaphore(%arg9 : memref<!tpu.dma_semaphore, #tpu.memory_space<semaphore_mem>>) src(%arg6 : memref<8x8x768xf32, #tpu.memory_space<vmem>>) dst(%dma_wait3A_570 : memref<8x8x768xf32, #tpu.memory_space<hbm>>)
    } else {
    }
    %not3A_457 = arith.constant true
    %not3A_458 = arith.xori %and3A_447, %not3A_457 : i1
    %convert_element_type3A_459 = arith.extui %not3A_458 : i1 to i32
    %cond3A_460 = arith.constant 0 : i32
    %cond3A_461 = arith.cmpi ne, %convert_element_type3A_459, %cond3A_460 : i32
    scf.if %cond3A_461 {
      %dma_start3A = arith.constant 80 : i32
      %dma_start3A_462 = tpu.memref_slice %arg5[%dma_start3A] : memref<96xi32, #tpu.memory_space<vmem>> -> memref<8xi32, #tpu.memory_space<vmem>>
      %dma_start3A_463 = arith.constant 0 : i32
      %dma_start3A_464 = arith.constant 0 : i32
      %dma_start3A_465 = arith.constant 0 : i32
      %dma_start3A_466 = tpu.memref_slice %arg2[%dma_start3A_463, %dma_start3A_464, %dma_start3A_465] : memref<120x8x768xf32, #tpu.memory_space<hbm>> -> memref<120x8x768xf32, #tpu.memory_space<hbm>>
      tpu.enqueue_indirect_dma source(%dma_start3A_466 : memref<120x8x768xf32, #tpu.memory_space<hbm>>) target(%arg7 : memref<8x8x768xf32, #tpu.memory_space<vmem>>) offsets(%dma_start3A_462 : memref<8xi32, #tpu.memory_space<vmem>>) semaphore(%arg8 : memref<!tpu.dma_semaphore, #tpu.memory_space<semaphore_mem>>)
      %dma_wait3A = arith.constant 80 : i32
      %dma_wait3A_467 = tpu.memref_slice %arg5[%dma_wait3A] : memref<96xi32, #tpu.memory_space<vmem>> -> memref<8xi32, #tpu.memory_space<vmem>>
      %dma_wait3A_468 = arith.constant 0 : i32
      %dma_wait3A_469 = arith.constant 0 : i32
      %dma_wait3A_470 = arith.constant 0 : i32
      %dma_wait3A_471 = tpu.memref_slice %arg2[%dma_wait3A_468, %dma_wait3A_469, %dma_wait3A_470] : memref<120x8x768xf32, #tpu.memory_space<hbm>> -> memref<120x8x768xf32, #tpu.memory_space<hbm>>
      tpu.wait_indirect_dma semaphore(%arg8 : memref<!tpu.dma_semaphore, #tpu.memory_space<semaphore_mem>>) src(%dma_wait3A_471 : memref<120x8x768xf32, #tpu.memory_space<hbm>>) dst(%arg7 : memref<8x8x768xf32, #tpu.memory_space<vmem>>)
      %add3A_472 = arith.constant 80 : i32
      %add3A_473 = arith.addi %mul3A_2, %add3A_472 : i32
      %jit3A_474 = arith.constant 256 : i32
      %div3A = arith.divsi %add3A_473, %jit3A_474 : i32
      %sign3A = arith.constant 0 : i32
      %sign3A_475 = arith.cmpi sgt, %add3A_473, %sign3A : i32
      %sign3A_476 = arith.extui %sign3A_475 : i1 to i32
      %sign3A_477 = arith.constant 0 : i32
      %sign3A_478 = arith.cmpi slt, %add3A_473, %sign3A_477 : i32
      %sign3A_479 = arith.extui %sign3A_478 : i1 to i32
      %sign3A_480 = arith.subi %sign3A_476, %sign3A_479 : i32
      %sign3A_481 = arith.constant 0 : i32
      %sign3A_482 = arith.cmpi sgt, %jit3A_474, %sign3A_481 : i32
      %sign3A_483 = arith.extui %sign3A_482 : i1 to i32
      %sign3A_484 = arith.constant 0 : i32
      %sign3A_485 = arith.cmpi slt, %jit3A_474, %sign3A_484 : i32
      %sign3A_486 = arith.extui %sign3A_485 : i1 to i32
      %sign3A_487 = arith.subi %sign3A_483, %sign3A_486 : i32
      %ne3A_488 = arith.cmpi ne, %sign3A_480, %sign3A_487 : i32
      %rem3A = arith.remsi %add3A_473, %jit3A_474 : i32
      %ne3A_489 = arith.constant 0 : i32
      %ne3A_490 = arith.cmpi ne, %rem3A, %ne3A_489 : i32
      %and3A_491 = arith.andi %ne3A_488, %ne3A_490 : i1
      %sub3A = arith.constant 1 : i32
      %sub3A_492 = arith.subi %div3A, %sub3A : i32
      %select_n3A_493 = arith.select %and3A_491, %sub3A_492, %div3A : i32
      %jit3A_494 = arith.constant 256 : i32
      %eq3A_495 = arith.constant 0 : i32
      %eq3A_496 = arith.cmpi eq, %jit3A_494, %eq3A_495 : i32
      %jit3A_497 = arith.constant 1 : i32
      %select_n3A_498 = arith.select %eq3A_496, %jit3A_497, %jit3A_494 : i32
      %rem3A_499 = arith.remsi %add3A_473, %select_n3A_498 : i32
      %ne3A_500 = arith.constant 0 : i32
      %ne3A_501 = arith.cmpi ne, %rem3A_499, %ne3A_500 : i32
      %lt3A = arith.constant 0 : i32
      %lt3A_502 = arith.cmpi slt, %rem3A_499, %lt3A : i32
      %lt3A_503 = arith.constant 0 : i32
      %lt3A_504 = arith.cmpi slt, %select_n3A_498, %lt3A_503 : i32
      %ne3A_505 = arith.xori %lt3A_502, %lt3A_504 : i1
      %and3A_506 = arith.andi %ne3A_505, %ne3A_501 : i1
      %add3A_507 = arith.addi %rem3A_499, %select_n3A_498 : i32
      %select_n3A_508 = arith.select %and3A_506, %add3A_507, %rem3A_499 : i32
      %dma_start3A_509 = arith.constant 0 : i32
      %dma_start3A_510 = arith.constant 0 : i32
      %dma_start3A_511 = tpu.memref_slice %arg4[%select_n3A_493, %select_n3A_508, %dma_start3A_509, %dma_start3A_510] : memref<12x256x8x768xf32, #tpu.memory_space<hbm>> -> memref<1x8x8x768xf32, #tpu.memory_space<hbm>>
      %dma_start3A_512 = tpu.memref_squeeze %dma_start3A_511 : memref<1x8x8x768xf32, #tpu.memory_space<hbm>> -> memref<8x8x768xf32, #tpu.memory_space<hbm>>
      %dma_start3A_513 = arith.constant 0 : i32
      %dma_start3A_514 = arith.constant 0 : i32
      %dma_start3A_515 = tpu.memref_slice %arg4[%select_n3A_493, %select_n3A_508, %dma_start3A_513, %dma_start3A_514] : memref<12x256x8x768xf32, #tpu.memory_space<hbm>> -> memref<1x8x8x768xf32, #tpu.memory_space<hbm>>
      %dma_start3A_516 = tpu.memref_squeeze %dma_start3A_515 : memref<1x8x8x768xf32, #tpu.memory_space<hbm>> -> memref<8x8x768xf32, #tpu.memory_space<hbm>>
      tpu.enqueue_dma source(%arg7 : memref<8x8x768xf32, #tpu.memory_space<vmem>>) target(%dma_start3A_516 : memref<8x8x768xf32, #tpu.memory_space<hbm>>) target_semaphore(%arg9 : memref<!tpu.dma_semaphore, #tpu.memory_space<semaphore_mem>>)
      %dma_wait3A_517 = arith.constant 0 : i32
      %dma_wait3A_518 = arith.constant 0 : i32
      %dma_wait3A_519 = tpu.memref_slice %arg4[%select_n3A_493, %select_n3A_508, %dma_wait3A_517, %dma_wait3A_518] : memref<12x256x8x768xf32, #tpu.memory_space<hbm>> -> memref<1x8x8x768xf32, #tpu.memory_space<hbm>>
      %dma_wait3A_520 = tpu.memref_squeeze %dma_wait3A_519 : memref<1x8x8x768xf32, #tpu.memory_space<hbm>> -> memref<8x8x768xf32, #tpu.memory_space<hbm>>
      %dma_wait3A_521 = arith.constant 0 : i32
      %dma_wait3A_522 = arith.constant 0 : i32
      %dma_wait3A_523 = tpu.memref_slice %arg4[%select_n3A_493, %select_n3A_508, %dma_wait3A_521, %dma_wait3A_522] : memref<12x256x8x768xf32, #tpu.memory_space<hbm>> -> memref<1x8x8x768xf32, #tpu.memory_space<hbm>>
      %dma_wait3A_524 = tpu.memref_squeeze %dma_wait3A_523 : memref<1x8x8x768xf32, #tpu.memory_space<hbm>> -> memref<8x8x768xf32, #tpu.memory_space<hbm>>
      tpu.wait_dma2 semaphore(%arg9 : memref<!tpu.dma_semaphore, #tpu.memory_space<semaphore_mem>>) src(%arg7 : memref<8x8x768xf32, #tpu.memory_space<vmem>>) dst(%dma_wait3A_524 : memref<8x8x768xf32, #tpu.memory_space<hbm>>)
      %dma_start3A_525 = arith.constant 88 : i32
      %dma_start3A_526 = tpu.memref_slice %arg5[%dma_start3A_525] : memref<96xi32, #tpu.memory_space<vmem>> -> memref<8xi32, #tpu.memory_space<vmem>>
      %dma_start3A_527 = arith.constant 0 : i32
      %dma_start3A_528 = arith.constant 0 : i32
      %dma_start3A_529 = arith.constant 0 : i32
      %dma_start3A_530 = tpu.memref_slice %arg2[%dma_start3A_527, %dma_start3A_528, %dma_start3A_529] : memref<120x8x768xf32, #tpu.memory_space<hbm>> -> memref<120x8x768xf32, #tpu.memory_space<hbm>>
      tpu.enqueue_indirect_dma source(%dma_start3A_530 : memref<120x8x768xf32, #tpu.memory_space<hbm>>) target(%arg7 : memref<8x8x768xf32, #tpu.memory_space<vmem>>) offsets(%dma_start3A_526 : memref<8xi32, #tpu.memory_space<vmem>>) semaphore(%arg8 : memref<!tpu.dma_semaphore, #tpu.memory_space<semaphore_mem>>)
      %dma_wait3A_531 = arith.constant 88 : i32
      %dma_wait3A_532 = tpu.memref_slice %arg5[%dma_wait3A_531] : memref<96xi32, #tpu.memory_space<vmem>> -> memref<8xi32, #tpu.memory_space<vmem>>
      %dma_wait3A_533 = arith.constant 0 : i32
      %dma_wait3A_534 = arith.constant 0 : i32
      %dma_wait3A_535 = arith.constant 0 : i32
      %dma_wait3A_536 = tpu.memref_slice %arg2[%dma_wait3A_533, %dma_wait3A_534, %dma_wait3A_535] : memref<120x8x768xf32, #tpu.memory_space<hbm>> -> memref<120x8x768xf32, #tpu.memory_space<hbm>>
      tpu.wait_indirect_dma semaphore(%arg8 : memref<!tpu.dma_semaphore, #tpu.memory_space<semaphore_mem>>) src(%dma_wait3A_536 : memref<120x8x768xf32, #tpu.memory_space<hbm>>) dst(%arg7 : memref<8x8x768xf32, #tpu.memory_space<vmem>>)
      %add3A_537 = arith.constant 88 : i32
      %add3A_538 = arith.addi %mul3A_2, %add3A_537 : i32
      %jit3A_539 = arith.constant 256 : i32
      %div3A_540 = arith.divsi %add3A_538, %jit3A_539 : i32
      %sign3A_541 = arith.constant 0 : i32
      %sign3A_542 = arith.cmpi sgt, %add3A_538, %sign3A_541 : i32
      %sign3A_543 = arith.extui %sign3A_542 : i1 to i32
      %sign3A_544 = arith.constant 0 : i32
      %sign3A_545 = arith.cmpi slt, %add3A_538, %sign3A_544 : i32
      %sign3A_546 = arith.extui %sign3A_545 : i1 to i32
      %sign3A_547 = arith.subi %sign3A_543, %sign3A_546 : i32
      %sign3A_548 = arith.constant 0 : i32
      %sign3A_549 = arith.cmpi sgt, %jit3A_539, %sign3A_548 : i32
      %sign3A_550 = arith.extui %sign3A_549 : i1 to i32
      %sign3A_551 = arith.constant 0 : i32
      %sign3A_552 = arith.cmpi slt, %jit3A_539, %sign3A_551 : i32
      %sign3A_553 = arith.extui %sign3A_552 : i1 to i32
      %sign3A_554 = arith.subi %sign3A_550, %sign3A_553 : i32
      %ne3A_555 = arith.cmpi ne, %sign3A_547, %sign3A_554 : i32
      %rem3A_556 = arith.remsi %add3A_538, %jit3A_539 : i32
      %ne3A_557 = arith.constant 0 : i32
      %ne3A_558 = arith.cmpi ne, %rem3A_556, %ne3A_557 : i32
      %and3A_559 = arith.andi %ne3A_555, %ne3A_558 : i1
      %sub3A_560 = arith.constant 1 : i32
      %sub3A_561 = arith.subi %div3A_540, %sub3A_560 : i32
      %select_n3A_562 = arith.select %and3A_559, %sub3A_561, %div3A_540 : i32
      %jit3A_563 = arith.constant 256 : i32
      %eq3A_564 = arith.constant 0 : i32
      %eq3A_565 = arith.cmpi eq, %jit3A_563, %eq3A_564 : i32
      %jit3A_566 = arith.constant 1 : i32
      %select_n3A_567 = arith.select %eq3A_565, %jit3A_566, %jit3A_563 : i32
      %rem3A_568 = arith.remsi %add3A_538, %select_n3A_567 : i32
      %ne3A_569 = arith.constant 0 : i32
      %ne3A_570 = arith.cmpi ne, %rem3A_568, %ne3A_569 : i32
      %lt3A_571 = arith.constant 0 : i32
      %lt3A_572 = arith.cmpi slt, %rem3A_568, %lt3A_571 : i32
      %lt3A_573 = arith.constant 0 : i32
      %lt3A_574 = arith.cmpi slt, %select_n3A_567, %lt3A_573 : i32
      %ne3A_575 = arith.xori %lt3A_572, %lt3A_574 : i1
      %and3A_576 = arith.andi %ne3A_575, %ne3A_570 : i1
      %add3A_577 = arith.addi %rem3A_568, %select_n3A_567 : i32
      %select_n3A_578 = arith.select %and3A_576, %add3A_577, %rem3A_568 : i32
      %dma_start3A_579 = arith.constant 0 : i32
      %dma_start3A_580 = arith.constant 0 : i32
      %dma_start3A_581 = tpu.memref_slice %arg4[%select_n3A_562, %select_n3A_578, %dma_start3A_579, %dma_start3A_580] : memref<12x256x8x768xf32, #tpu.memory_space<hbm>> -> memref<1x8x8x768xf32, #tpu.memory_space<hbm>>
      %dma_start3A_582 = tpu.memref_squeeze %dma_start3A_581 : memref<1x8x8x768xf32, #tpu.memory_space<hbm>> -> memref<8x8x768xf32, #tpu.memory_space<hbm>>
      %dma_start3A_583 = arith.constant 0 : i32
      %dma_start3A_584 = arith.constant 0 : i32
      %dma_start3A_585 = tpu.memref_slice %arg4[%select_n3A_562, %select_n3A_578, %dma_start3A_583, %dma_start3A_584] : memref<12x256x8x768xf32, #tpu.memory_space<hbm>> -> memref<1x8x8x768xf32, #tpu.memory_space<hbm>>
      %dma_start3A_586 = tpu.memref_squeeze %dma_start3A_585 : memref<1x8x8x768xf32, #tpu.memory_space<hbm>> -> memref<8x8x768xf32, #tpu.memory_space<hbm>>
      tpu.enqueue_dma source(%arg7 : memref<8x8x768xf32, #tpu.memory_space<vmem>>) target(%dma_start3A_586 : memref<8x8x768xf32, #tpu.memory_space<hbm>>) target_semaphore(%arg9 : memref<!tpu.dma_semaphore, #tpu.memory_space<semaphore_mem>>)
      %dma_wait3A_587 = arith.constant 0 : i32
      %dma_wait3A_588 = arith.constant 0 : i32
      %dma_wait3A_589 = tpu.memref_slice %arg4[%select_n3A_562, %select_n3A_578, %dma_wait3A_587, %dma_wait3A_588] : memref<12x256x8x768xf32, #tpu.memory_space<hbm>> -> memref<1x8x8x768xf32, #tpu.memory_space<hbm>>
      %dma_wait3A_590 = tpu.memref_squeeze %dma_wait3A_589 : memref<1x8x8x768xf32, #tpu.memory_space<hbm>> -> memref<8x8x768xf32, #tpu.memory_space<hbm>>
      %dma_wait3A_591 = arith.constant 0 : i32
      %dma_wait3A_592 = arith.constant 0 : i32
      %dma_wait3A_593 = tpu.memref_slice %arg4[%select_n3A_562, %select_n3A_578, %dma_wait3A_591, %dma_wait3A_592] : memref<12x256x8x768xf32, #tpu.memory_space<hbm>> -> memref<1x8x8x768xf32, #tpu.memory_space<hbm>>
      %dma_wait3A_594 = tpu.memref_squeeze %dma_wait3A_593 : memref<1x8x8x768xf32, #tpu.memory_space<hbm>> -> memref<8x8x768xf32, #tpu.memory_space<hbm>>
      tpu.wait_dma2 semaphore(%arg9 : memref<!tpu.dma_semaphore, #tpu.memory_space<semaphore_mem>>) src(%arg7 : memref<8x8x768xf32, #tpu.memory_space<vmem>>) dst(%dma_wait3A_594 : memref<8x8x768xf32, #tpu.memory_space<hbm>>)
    } else {
    }
    return
  }
}

module attributes {stable_mosaic.version = 14 : i64} {
  func.func @_match_body(%arg0: i32, %arg1: memref<1x256x768xf32, #tpu.memory_space<vmem>>, %arg2: memref<100x768xf32, #tpu.memory_space<vmem>>, %arg3: memref<256x1xi32, #tpu.memory_space<vmem>>) attributes {dimension_semantics = [#tpu.dimension_semantics<arbitrary>], iteration_bounds = array<i64: 12>, scalar_prefetch = 0 : i64, scratch_operands = 0 : i64, tpu.core_type = #tpu.core_type<tc>, window_params = [{transform_indices = @transform_0, window_bounds = array<i64: 1, 256, 768>}, {pipeline_mode = #tpu.pipeline_mode<synchronous>, transform_indices = @transform_1, window_bounds = array<i64: 100, 768>}, {transform_indices = @transform_2, window_bounds = array<i64: 256, 1>}]} {
    %get3A = arith.constant 0 : index
    %get3A_0 = arith.constant 0 : index
    %get3A_1 = arith.constant 0 : index
    %get3A_2 = vector.load %arg1[%get3A, %get3A_0, %get3A_1] : memref<1x256x768xf32, #tpu.memory_space<vmem>>, vector<1x256x768xf32>
    %get3A_3 = vector.shape_cast %get3A_2 : vector<1x256x768xf32> to vector<256x768xf32>
    %get3A_4 = arith.constant 0 : index
    %get3A_5 = arith.constant 0 : index
    %get3A_6 = vector.load %arg2[%get3A_4, %get3A_5] : memref<100x768xf32, #tpu.memory_space<vmem>>, vector<100x768xf32>
    %broadcast_in_dim3A = arith.constant 1.000000e+00 : f32
    %broadcast_in_dim3A_7 = vector.broadcast %broadcast_in_dim3A : f32 to vector<1x768xf32>
    %mul3A = arith.mulf %get3A_6, %get3A_6 : vector<100x768xf32>
    %dot_general3A = arith.constant dense<0.000000e+00> : vector<1x100xf32>
    %dot_general3A_8 = tpu.matmul %broadcast_in_dim3A_7, %mul3A, %dot_general3A {dimension_numbers = #tpu.dot_dimension_numbers<[1], [1], [0], [0], [0, 0, 1, 0], [], []>, transpose_lhs_hint = false} : vector<1x768xf32>, vector<100x768xf32>, vector<1x100xf32> -> vector<1x100xf32>
    %dot_general3A_9 = arith.constant dense<0.000000e+00> : vector<256x100xf32>
    %dot_general3A_10 = tpu.matmul %get3A_3, %get3A_6, %dot_general3A_9 {dimension_numbers = #tpu.dot_dimension_numbers<[1], [1], [0], [0], [0, 0, 1, 0], [], []>, transpose_lhs_hint = false} : vector<256x768xf32>, vector<100x768xf32>, vector<256x100xf32> -> vector<256x100xf32>
    %mul3A_11 = arith.constant 2.000000e+00 : f32
    %mul3A_12 = vector.broadcast %mul3A_11 : f32 to vector<256x100xf32>
    %mul3A_13 = arith.mulf %mul3A_12, %dot_general3A_10 : vector<256x100xf32>
    %sub3A = vector.broadcast %dot_general3A_8 : vector<1x100xf32> to vector<256x100xf32>
    %sub3A_14 = arith.subf %sub3A, %mul3A_13 : vector<256x100xf32>
    %iota3A = tpu.iota {dimensions = array<i32: 1>} : vector<256x100xi32>
    %reduce_min3A = arith.constant dense<0x7F800000> : vector<256xf32>
    %reduce_min3A_15 = vector.multi_reduction <minimumf>, %sub3A_14, %reduce_min3A [1] : vector<256x100xf32> to vector<256xf32>
    %broadcast_in_dim3A_16 = vector.shape_cast %reduce_min3A_15 : vector<256xf32> to vector<256x1xf32>
    %eq3A = vector.broadcast %broadcast_in_dim3A_16 : vector<256x1xf32> to vector<256x100xf32>
    %eq3A_17 = arith.cmpf oeq, %sub3A_14, %eq3A : vector<256x100xf32>
    %jit3A = arith.constant 100 : i32
    %broadcast_in_dim3A_18 = vector.broadcast %jit3A : i32 to vector<256x100xi32>
    %select_n3A = arith.select %eq3A_17, %iota3A, %broadcast_in_dim3A_18 : vector<256x100xi1>, vector<256x100xi32>
    %reduce_min3A_19 = arith.constant dense<2147483647> : vector<256xi32>
    %reduce_min3A_20 = vector.multi_reduction <minsi>, %select_n3A, %reduce_min3A_19 [1] : vector<256x100xi32> to vector<256xi32>
    %broadcast_in_dim3A_21 = vector.shape_cast %reduce_min3A_20 : vector<256xi32> to vector<256x1xi32>
    %jit3A_22 = arith.constant 100 : i32
    %div3A = vector.broadcast %jit3A_22 : i32 to vector<256x1xi32>
    %div3A_23 = arith.divsi %broadcast_in_dim3A_21, %div3A : vector<256x1xi32>
    %sign3A = arith.constant 0 : i32
    %sign3A_24 = vector.broadcast %sign3A : i32 to vector<256x1xi32>
    %sign3A_25 = arith.cmpi sgt, %broadcast_in_dim3A_21, %sign3A_24 : vector<256x1xi32>
    %sign3A_26 = arith.extui %sign3A_25 : vector<256x1xi1> to vector<256x1xi32>
    %sign3A_27 = arith.constant 0 : i32
    %sign3A_28 = vector.broadcast %sign3A_27 : i32 to vector<256x1xi32>
    %sign3A_29 = arith.cmpi slt, %broadcast_in_dim3A_21, %sign3A_28 : vector<256x1xi32>
    %sign3A_30 = arith.extui %sign3A_29 : vector<256x1xi1> to vector<256x1xi32>
    %sign3A_31 = arith.subi %sign3A_26, %sign3A_30 : vector<256x1xi32>
    %sign3A_32 = arith.constant 0 : i32
    %sign3A_33 = arith.cmpi sgt, %jit3A_22, %sign3A_32 : i32
    %sign3A_34 = arith.extui %sign3A_33 : i1 to i32
    %sign3A_35 = arith.constant 0 : i32
    %sign3A_36 = arith.cmpi slt, %jit3A_22, %sign3A_35 : i32
    %sign3A_37 = arith.extui %sign3A_36 : i1 to i32
    %sign3A_38 = arith.subi %sign3A_34, %sign3A_37 : i32
    %ne3A = vector.broadcast %sign3A_38 : i32 to vector<256x1xi32>
    %ne3A_39 = arith.cmpi ne, %sign3A_31, %ne3A : vector<256x1xi32>
    %rem3A = vector.broadcast %jit3A_22 : i32 to vector<256x1xi32>
    %rem3A_40 = arith.remsi %broadcast_in_dim3A_21, %rem3A : vector<256x1xi32>
    %ne3A_41 = arith.constant 0 : i32
    %ne3A_42 = vector.broadcast %ne3A_41 : i32 to vector<256x1xi32>
    %ne3A_43 = arith.cmpi ne, %rem3A_40, %ne3A_42 : vector<256x1xi32>
    %and3A = arith.andi %ne3A_39, %ne3A_43 : vector<256x1xi1>
    %sub3A_44 = arith.constant 1 : i32
    %sub3A_45 = vector.broadcast %sub3A_44 : i32 to vector<256x1xi32>
    %sub3A_46 = arith.subi %div3A_23, %sub3A_45 : vector<256x1xi32>
    %select_n3A_47 = arith.select %and3A, %sub3A_46, %div3A_23 : vector<256x1xi1>, vector<256x1xi32>
    %mul3A_48 = arith.constant 10 : i32
    %mul3A_49 = arith.muli %mul3A_48, %arg0 : i32
    %add3A = vector.broadcast %mul3A_49 : i32 to vector<256x1xi32>
    %add3A_50 = arith.addi %select_n3A_47, %add3A : vector<256x1xi32>
    %swap3A = arith.constant 0 : index
    %swap3A_51 = arith.constant 0 : index
    %swap3A_52 = vector.load %arg3[%swap3A, %swap3A_51] : memref<256x1xi32, #tpu.memory_space<vmem>>, vector<256x1xi32>
    tpu.vector_store %arg3[%swap3A, %swap3A_51], %add3A_50 {strides = array<i32>} : memref<256x1xi32, #tpu.memory_space<vmem>>, vector<256x1xi32>,
    return
  }
  func.func @transform_0(%arg0: i32) -> (i32, i32, i32) {
    %c0_i32 = arith.constant 0 : i32
    %c0_i32_0 = arith.constant 0 : i32
    %c0_i32_1 = arith.constant 0 : i32
    return %arg0, %c0_i32, %c0_i32_0 : i32, i32, i32
  }
  func.func @transform_1(%arg0: i32) -> (i32, i32) {
    %c0_i32 = arith.constant 0 : i32
    %c0_i32_0 = arith.constant 0 : i32
    %c0_i32_1 = arith.constant 0 : i32
    return %c0_i32, %c0_i32_0 : i32, i32
  }
  func.func @transform_2(%arg0: i32) -> (i32, i32) {
    %c0_i32 = arith.constant 0 : i32
    %c0_i32_0 = arith.constant 0 : i32
    return %arg0, %c0_i32 : i32, i32
  }
}

</mosaic_0001>

<sc_bundles>
// kernel: kernel.4.cloned.1.call-start
scs
__scs_entry_jumppad:
0x0: {  	(pc) =	sbr.rel $0x88, $3  }
0x1: {  	(tag) =	ssettag $0x0;
	lr =	simm.s32 $0x1  }
0x2: {  	[smem:$0x3F9E] =	sst lr;
	_ =	strace $0xD0000000  }
0x3: {  	_ = 	snop  }
0x4: {  	_ = 	snop  }
0x5: {  	_ = 	snop  }
0x6: {  	_ = 	snop  }
0x7: {  	_ = 	snop  }
__scs_overlays_trampoline_lowered:
0x8: {  	[smem:$0x3FAD] =	sst s0  }
0x9: {  	[smem:$0x3FAE] =	sst s1  }
0xa: {  	[smem:$0x3FAF] =	sst s2  }
0xb: {  	[smem:$0x3FB0] =	sst s3  }
0xc: {  	[smem:$0x3FB1] =	sst s4  }
0xd: {  	[smem:$0x3FB2] =	sst s5  }
0xe: {  	[smem:$0x3FB3] =	sst s6  }
0xf: {  	[smem:$0x3FB4] =	sst s7  }
0x10: {  	[smem:$0x3FB5] =	sst s8  }
0x11: {  	[smem:$0x3FB6] =	sst s9;
	s0 =	simm.s32 @!p0 $0x0  }
0x12: {  	s1 =	sld [smem:$0x3F9C];
	s0 =	simm.s32 @p0 $0x1  }
0x13: {  	[smem:$0x3FB7] =	sst s0;
	s0 =	simm.s32 @!p1 $0x0  }
0x14: {  	s2 =	sld [smem:$0x3F9B];
	s0 =	simm.s32 @p1 $0x1  }
0x15: {  	[smem:$0x3FB8] =	sst s0;
	s0 =	simm.s32 @!p2 $0x0  }
0x16: {  	s3 =	sld [smem:$0x3FDB];
	s0 =	simm.s32 @p2 $0x1  }
0x17: {  	s4 =	simm.s32 $0x1BF5;
	[smem:$0x3FBA] =	sst s0  }
0x18: {  	s0 =	sld [smem:$0x3F9D];
	_ =	swait.ge [sflag:s4], $0x0  }
0x19: {  	s7 =	sld [smem:$0x3F9E]  }
0x1a: {  	s8 =	sadd.s32 $0xFFFFE003, lr  }
0x1b: {  	s9 =	sadd.s32 $0xFFFFFEF7, lr;
	s5 =	simm.s32 $0xFFFFFFFF;
	p2 =	slt.u32 s8, $0xFFFFF086  }
0x1c: {  	p1 =	slt.u32 s9, $0xF7A;
	s5 =	simm.s32 @!p2 $0x0  }
0x1d: {  	s5 =	simm.s32 @p1 $0x1;
	p0 =	seq.s32 s7, s2  }
0x1e: {  	s7 =	smul.u32 @!p0 $0xF7A, s2;
	p2 =	seq.s32 @!p0 s5, $0x0  }
0x1f: {  	s9 =	smul.u32 $0xF7A, s1;
	s8 =	simm.s32 @!p0 $0x1BF5;
	p2 =	por !p2, p0  }
0x20: {  	[sflag:s8] =	ssyncset.s32 @!p0 $0xFFFFF086;
	s6 =	sadd.s32 @!p0 s3, s7;
	s7 =	simm.s32 @!p0 $0x108  }
0x21: {  	s3 =	sadd.s32 s3, s9;
	s6 =	sadd.s32 @!p0 $0x88, s6;
	s7 =	simm.s32 @p2 $0x1082  }
0x22: {  	[simem:s7], [sflag:s8] =	dma.local @!p0 [hbm:s6], $0xF7A  }
0x23: {  	s9 =	sor.u32 $0xD0000000, s2;
	s6 =	simm.s32 $0x108;
	_ =	swait.ge @!p0 [sflag:s8], $0x0  }
0x24: {  	s3 =	sadd.s32 $0x88, s3;
	s6 =	simm.s32 @!p1 $0x1082;
	[sflag:s4] =	ssyncset.s32 $0xFFFFF086  }
0x25: {  	[simem:s6], [sflag:s4] =	dma.local [hbm:s3], $0xF7A  }
0x26: {  	[smem:$0x3F9E] =	sst s1;
	(tag) =	ssettag s2;
	_ =	strace s9  }
0x27: {  	s1 =	sld [smem:$0x3FAE]  }
0x28: {  	s2 =	sld [smem:$0x3FAF]  }
0x29: {  	s4 =	sld [smem:$0x3FB1]  }
0x2a: {  	p0 =	seq.s32 s5, $0x0;
	s5 =	sld [smem:$0x3FB2]  }
0x2b: {  	s6 =	sld [smem:$0x3FB3]  }
0x2c: {  	s7 =	sld [smem:$0x3FB4]  }
0x2d: {  	s3 =	simm.s32 $0x108;
	s8 =	sld [smem:$0x3FB5]  }
0x2e: {  	s3 =	simm.s32 @!p0 $0x1082;
	s9 =	sld [smem:$0x3FB6]  }
0x2f: {  	lr =	sadd.s32 s0, s3;
	s0 =	sld [smem:$0x3FAD]  }
0x30: {  	s3 =	sld [smem:$0x3FB0]  }
0x31: {  	[smem:$0x3FB9] =	sst s10  }
0x32: {  	s10 =	sld [smem:$0x3FB7];
	_ =	sdelay $0x3  }
0x33: {  	p0 =	seq.s32 s10, $0x1;
	s10 =	sld [smem:$0x3FB9];
	_ =	sdelay $0x3  }
0x34: {  	[smem:$0x3FB9] =	sst s10  }
0x35: {  	s10 =	sld [smem:$0x3FB8];
	_ =	sdelay $0x3  }
0x36: {  	p1 =	seq.s32 s10, $0x1;
	s10 =	sld [smem:$0x3FB9];
	_ =	sdelay $0x3  }
0x37: {  	[smem:$0x3FB9] =	sst s10  }
0x38: {  	s10 =	sld [smem:$0x3FBA]  }
0x39: {  	_ = 	snop;
	(pc) =	sbr.ind lr, $3  }
0x3a: {  	_ = 	snop  }
0x3b: {  	_ = 	snop  }
0x3c: {  	p2 =	seq.s32 s10, $0x1;
	s10 =	sld [smem:$0x3FB9]  }
0x3d: {  	_ =	shalt  }
0x3e: {  	_ =	shalt  }
0x3f: {  	_ =	shalt  }
0x40: {  	_ =	shalt  }
0x41: {  	_ =	shalt  }
0x42: {  	_ =	shalt  }
0x43: {  	_ =	shalt  }
0x44: {  	_ =	shalt  }
0x45: {  	_ =	shalt  }
0x46: {  	_ =	shalt  }
0x47: {  	_ =	shalt  }
0x48: {  	_ =	shalt  }
0x49: {  	_ =	shalt  }
0x4a: {  	_ =	shalt  }
0x4b: {  	_ =	shalt  }
0x4c: {  	_ =	shalt  }
0x4d: {  	_ =	shalt  }
0x4e: {  	_ =	shalt  }
0x4f: {  	_ =	shalt  }
0x50: {  	_ =	shalt  }
0x51: {  	_ =	shalt  }
0x52: {  	_ =	shalt  }
0x53: {  	_ =	shalt  }
0x54: {  	_ =	shalt  }
0x55: {  	_ =	shalt  }
0x56: {  	_ =	shalt  }
0x57: {  	_ =	shalt  }
0x58: {  	_ =	shalt  }
0x59: {  	_ =	shalt  }
0x5a: {  	_ =	shalt  }
0x5b: {  	_ =	shalt  }
0x5c: {  	_ =	shalt  }
0x5d: {  	_ =	shalt  }
0x5e: {  	_ =	shalt  }
0x5f: {  	_ =	shalt  }
0x60: {  	_ =	shalt  }
0x61: {  	_ =	shalt  }
0x62: {  	_ =	shalt  }
0x63: {  	_ =	shalt  }
0x64: {  	_ =	shalt  }
0x65: {  	_ =	shalt  }
0x66: {  	_ =	shalt  }
0x67: {  	_ =	shalt  }
0x68: {  	_ =	shalt  }
0x69: {  	_ =	shalt  }
0x6a: {  	_ =	shalt  }
0x6b: {  	_ =	shalt  }
0x6c: {  	_ =	shalt  }
0x6d: {  	_ =	shalt  }
0x6e: {  	_ =	shalt  }
0x6f: {  	_ =	shalt  }
0x70: {  	_ =	shalt  }
0x71: {  	_ =	shalt  }
0x72: {  	_ =	shalt  }
0x73: {  	_ =	shalt  }
0x74: {  	_ =	shalt  }
0x75: {  	_ =	shalt  }
0x76: {  	_ =	shalt  }
0x77: {  	_ =	shalt  }
0x78: {  	_ =	shalt  }
0x79: {  	_ =	shalt  }
0x7a: {  	_ =	shalt  }
0x7b: {  	_ =	shalt  }
0x7c: {  	_ =	shalt  }
0x7d: {  	_ =	shalt  }
0x7e: {  	_ =	shalt  }
0x7f: {  	_ =	shalt  }
0x80: {  	_ =	shalt  }
0x81: {  	_ =	shalt  }
0x82: {  	_ =	shalt  }
0x83: {  	_ =	shalt  }
0x84: {  	_ =	shalt  }
0x85: {  	_ =	shalt  }
0x86: {  	_ =	shalt  }
0x87: {  	_ =	shalt  }
.Lfunc_end0:
.L_simem_size_0:
called_computation_lowered:
.L_overlay_start_0:
0x88: {  	s2 =	sld [smem:$0x3FD9]  }
0x89: {  	s3 =	sld [smem:$0x3FFE];
	_ =	sdelay $0x1  }
0x8a: {  	s1 =	srdreg.scid  }
0x8b: {  	s0 =	sand.u32 $0x1, s1  }
0x8c: {  	s14 =	sshll.u32 s0, $0xA;
	s2 =	sadd.s32 s3, s2  }
0x8d: {  	s2 =	sadd.s32 s2, s14  }
0x8e: {  	[smem:$0x3FC5] =	sst s2  }
0x8f: {  	_ = 	snop  }
0x90: {  	s2 =	sld [smem:$0x3FD0];
	_ =	sdelay $0x2  }
0x91: {  	s4 =	simm.s32 $0xA;
	s5 =	simm.s32 $0x10;
	s15 =	sld [smem:$0x3FC8]  }
0x92: {  	[smem:s5], [sflag:s4] =	dma.local [hbm:s2], $0x1  }
0x93: {  	_ =	swait.eq [sflag:s4], $0x1  }
0x94: {  	[sflag:s4] =	ssyncset.done $0x0  }
0x95: {  	[sflag:s4] =	ssyncadd.s32 $0xFFFFFFFF  }
0x96: {  	s16 =	sld [smem:$0x10];
	(tm) =	ssettm $0x1  }
0x97: {  	s17 =	sld [smem:$0x3FFB];
	_ =	sdelay $0x3  }
0x98: {  	_ =	strace s17  }
0x99: {  	s4 =	sld [smem:$0x3FFC];
	_ =	sdelay $0x3  }
0x9a: {  	_ =	strace s4  }
0x9b: {  	s4 =	sld [smem:$0x3FFD];
	_ =	sdelay $0x3  }
0x9c: {  	_ =	strace s4  }
0x9d: {  	_ =	strace $0x8FFFFFFF  }
0x9e: {  	s18 =	sld [smem:$0x3FDB];
	_ =	sdelay $0x1  }
0x9f: {  	s19 =	simm.s32 $_scs_section_size  }
0xa0: {  	s6 =	simm.s32 $_size__tile_overlayer_lowered;
	s7 =	simm.s32 $_tile_overlayer_lowered  }
0xa1: {  	s22 =	simm.s32 $0x1BFF;
	s21 =	sshll.u32 s7, $0x1;
	s4 =	sadd.s32 s19, s18  }
0xa2: {  	s8 =	simm.s32 $0x0;
	s20 =	sshll.u32 s6, $0x1;
	s6 =	sadd.s32 s21, s4  }
0xa3: {  	[timem:s8], [sflag:s22] =	dma.local [hbm:s6], s20  }
0xa4: {  	_ =	swait.ge [sflag:s22], s20  }
0xa5: {  	s5 =	ssub.s32 $0x0, s20;
	[sflag:s22] =	ssyncset.done $0x0  }
0xa6: {  	[sflag:s22] =	ssyncadd.s32 s5;
	_ =	sdelay $0x1  }
0xa7: {  	s23 =	simm.s32 $0x1B8B  }
0xa8: {  	_ =	swait.ge [sflag:s23], $0x1  }
0xa9: {  	[sflag:s23] =	ssyncset.done $0x0  }
0xaa: {  	s25 =	simm.s32 $0x1B8E;
	s24 =	sld [smem:$0x3FFE];
	[sflag:s23] =	ssyncadd.s32 $0xFFFFFFFF  }
0xab: {  	s26 =	simm.s32 $execute0_lowered;
	[smem:$0x3FD2] =	sst s25  }
0xac: {  	s6 =	sshll.u32 s26, $0x1;
	_ =	strace $0x80000046;
	[dreg:$0x1] =	wrdreg $0xFFFFFFFF  }
0xad: {  	s28 =	simm.s32 $_size_execute0_lowered;
	s4 =	sadd.s32 s4, s6;
	[dreg:$0x0] =	wrdreg $0x0  }
0xae: {  	s6 =	sshll.u32 s28, $0x1;
	[dreg:$0x2] =	wrdreg s4  }
0xaf: {  	[dreg:$0x3] =	wrdreg s6  }
0xb0: {  	[dreg:$0x4] =	wrdreg $0xC0  }
0xb1: {  	_ =	task [dreg:s8], $0x5FFFF  }
0xb2: {  	[dreg:$0x1] =	wrdreg $0xFFFFFFFF  }
0xb3: {  	[dreg:$0x0] =	wrdreg $0x60  }
0xb4: {  	[dreg:$0x2] =	wrdreg s15  }
0xb5: {  	[dreg:$0x3] =	wrdreg s24  }
0xb6: {  	[dreg:$0x4] =	wrdreg s16  }
0xb7: {  	[dreg:$0x5] =	wrdreg $0x9  }
0xb8: {  	_ =	task.clear_ibuf [dreg:s8], $0x6FFFF;
	_ =	strace $0x90000046  }
0xb9: {  	s29 =	simm.s32 $0x9;
	_ =	strace $0x80000048  }
0xba: {  	_ =	swait.ge [sflag:s29], $0x1  }
0xbb: {  	[sflag:s29] =	ssyncadd.s32 $0xFFFFFFFF  }
0xbc: {  	_ =	strace $0x90000048  }
0xbd: {  	_ =	sfence  }
0xbe: {  	s30 =	sld [smem:$0x0];
	_ =	sdelay $0x2  }
0xbf: {  	s31 =	sshll.u32 s1, $0xD;
	s1 =	sshrl.u32 s1, $0x2  }
0xc0: {  	s3 =	sand.u32 $0x4000, s31;
	s1 =	sadd.s32 s1, s30  }
0xc1: {  	s0 =	sor.u32 s3, s0;
	s1 =	sshll.u32 s1, $0x11  }
0xc2: {  	s0 =	sor.u32 s1, s0  }
0xc3: {  	s0 =	sadd.s32 $0x8F2B, s0  }
0xc4: {  	[sflag:s0] =	ssyncadd.remote.s32 $0x1  }
0xc5: {  	_ =	sfence.sel $0xFFFF  }
0xc6: {  	[dreg:$0x0] =	wrdreg $0xFFFFFFFF;
	(pc) =	sbr.abs _section_cstart, $3  }
0xc7: {  	[dreg:$0x1] =	wrdreg $0xFFFFFFFF  }
0xc8: {  	_ =	task.clear_ibuf [dreg:s8], $0x2FFFF;
	_ =	strace $0x9FFFFFFF  }
0xc9: {  	(tm) =	ssettm $0x7FFFFFFF  }
tec
execute0_lowered:
.L_overlay_start_1:
0x0: {  	(tag) =	ssettag $0x1  }
0x1: {  	s1 =	srdreg.scid  }
0x2: {  	s0 =	stileid.u32;
	s2 =	rddreg [dreg:$0x0]  }
0x3: {  	s5 =	rddreg [dreg:$0x1];
	s4 =	sand.u32 $0x1, s1;
	s16 =	sshll.u32 s0, $0x1  }
0x4: {  	s15 =	rddreg [dreg:$0x2];
	s3 =	simm.s32 $0x0;
	s1 =	sor.u32 s4, s16  }
0x5: {  	[smem:$0x7FF] =	sst s3;
	s4 =	ssub.s32 $0x2, s4;
	s8 =	smul.u32 $0x60, s1  }
0x6: {  	s1 =	rddreg [dreg:$0x3];
	_ =	strace $0x80000047;
	s17 =	sshrl.u32 s4, $0x1  }
0x7: {  	s16 =	ssub.s32 s4, s17;
	s6 =	sshrl.u32 s8, $0x8;
	s7 =	sand.u32 $0xE0, s8  }
0x8: {  	s9 =	sshrl.u32 s8, $0x3;
	s21 =	sadd.s32 $0x20, s8;
	s23 =	sadd.s32 $0x28, s8  }
0x9: {  	s11 =	sadd.s32 $0x30, s8;
	s13 =	sadd.s32 $0x38, s8;
	s6 =	smul.u32 $0x180000, s6  }
0xa: {  	s28 =	sadd.s32 $0x40, s8;
	s7 =	smul.u32 $0x1800, s7;
	s10 =	sshrl.u32 s23, $0x8  }
0xb: {  	s5 =	sadd.s32 s9, s5;
	s9 =	sand.u32 $0xE8, s23;
	s10 =	smul.u32 $0x180000, s10  }
0xc: {  	s17 =	sadd.s32 $0x48, s8;
	s12 =	sshrl.u32 s11, $0x8;
	s9 =	smul.u32 $0x1800, s9  }
0xd: {  	s16 =	smax.u32 s16, $0x1;
	s11 =	sand.u32 $0xF0, s11;
	s12 =	smul.u32 $0x180000, s12  }
0xe: {  	s22 =	sshrl.u32 s21, $0x8;
	s26 =	sand.u32 $0xF8, s13;
	s24 =	smul.u32 $0x1800, s11  }
0xf: {  	s25 =	sshrl.u32 s13, $0x8;
	s30 =	sshrl.u32 s28, $0x8;
	s29 =	smul.u32 $0x1800, s26  }
0x10: {  	s13 =	sand.u32 $0xE0, s28;
	s18 =	sadd.s32 $0x400, s5;
	s11 =	smul.u32 $0x180000, s30  }
0x11: {  	s31 =	smul.u32 $0x1800, s13;
	s19 =	sadd.s32 s7, s6;
	[dreg:$0x4] =	wrdreg s18  }
0x12: {  	s7 =	smul.u32 $0x180000, s22;
	s6 =	sand.u32 $0xE0, s21;
	s18 =	sadd.s32 $0x50, s8  }
0x13: {  	s20 =	sshrl.u32 s19, $0x3;
	s5 =	sor.u32 $0xC000, s19;
	s6 =	smul.u32 $0x1800, s6  }
0x14: {  	s9 =	sadd.s32 s9, s10;
	s12 =	sadd.s32 s24, s12;
	s22 =	sshrl.u32 s18, $0x8  }
0x15: {  	s11 =	sadd.s32 s31, s11;
	s23 =	sand.u32 $0xF0, s18;
	s24 =	sadd.s32 $0x58, s8  }
0x16: {  	s4 =	sadd.s32 s15, s20;
	s5 =	sshrl.u32 s5, $0x3;
	s10 =	smul.u32 $0x180000, s22  }
0x17: {  	s20 =	sshrl.u32 s17, $0x8;
	s14 =	sadd.s32 s6, s7;
	s7 =	smul.u32 $0x180000, s25  }
0x18: {  	s17 =	sand.u32 $0xE8, s17;
	s26 =	sshrl.u32 s24, $0x8;
	s13 =	smul.u32 $0x180000, s20  }
0x19: {  	s9 =	sshrl.u32 s9, $0x3;
	s12 =	sshrl.u32 s12, $0x3;
	s21 =	smul.u32 $0x1800, s17  }
0x1a: {  	s31 =	sshrl.u32 s11, $0x3;
	s5 =	sadd.s32 s15, s5;
	s17 =	smul.u32 $0x1800, s23  }
0x1b: {  	s6 =	sadd.s32 $0x3000, s4;
	s28 =	smul.u32 $0x180000, s26;
	s9 =	sadd.s32 s15, s9  }
0x1c: {  	s14 =	sshrl.u32 s14, $0x3;
	s19 =	sadd.s32 s29, s7;
	s13 =	sadd.s32 s21, s13  }
0x1d: {  	s7 =	sadd.s32 $0x4800, s4;
	s8 =	sadd.s32 s15, s14;
	s29 =	sand.u32 $0xF8, s24  }
0x1e: {  	s25 =	sadd.s32 s17, s10;
	s10 =	sadd.s32 s15, s12;
	s18 =	smul.u32 $0x1800, s29  }
0x1f: {  	s12 =	sadd.s32 s15, s31;
	s30 =	sshrl.u32 s19, $0x3;
	s13 =	sshrl.u32 s13, $0x3  }
0x20: {  	s14 =	sshrl.u32 s25, $0x3;
	s11 =	sadd.s32 s15, s30;
	s17 =	sadd.s32 s18, s28  }
0x21: {  	s13 =	sadd.s32 s15, s13;
	s14 =	sadd.s32 s15, s14;
	s17 =	sshrl.u32 s17, $0x3  }
0x22: {  	s18 =	simm.s32 $0x2;
	s15 =	sadd.s32 s15, s17;
	s17 =	simm.s32 $0x3  }
.LBB2_1:
0x23: {  	s19 =	rddreg [dreg:$0x4]  }
0x24: {  	[tilespmem:s3], [sflag:$0x3] =	stream.linear.gather [hbm4b:s19+s3], $0x60, $0x38;
	[tilespmem:$0x18080] =	vst v63  }
0x25: {  	_ =	swait.ge [sflag:s17], $0x60  }
0x26: {  	[sflag:s17] =	ssyncset.done $0x0  }
0x27: {  	[sflag:s17] =	ssyncadd.s32 $0xFFFFFFA0  }
0x28: {  	v0 =	vld [tilespmem:$0x0];
	_ =	sdelay $0x4  }
0x29: {  	(v2sf) =	vpush v0, $0x0  }
0x2a: {  	(v2sf) =	vpush v0, $0x1  }
0x2b: {  	(v2sf) =	vpush v0, $0x2;
	_ =	sdelay $0x1  }
0x2c: {  	(v2sf) =	vpush v0, $0x3;
	_ =	sdelay $0x1  }
0x2d: {  	(v2sf) =	vpush v0, $0x4;
	_ =	sdelay $0x1  }
0x2e: {  	(v2sf) =	vpush v0, $0x5;
	_ =	sdelay $0x1  }
0x2f: {  	(v2sf) =	vpush v0, $0x6;
	_ =	sdelay $0x1  }
0x30: {  	(v2sf) =	vpush v0, $0x7;
	_ =	sdelay $0x1  }
0x31: {  	(v2sf) =	vpush v0, $0x8  }
0x32: {  	s19 =	spop (v2sf)  }
0x33: {  	s20 =	spop (v2sf);
	(v2sf) =	vpush v0, $0x9  }
0x34: {  	s21 =	spop (v2sf)  }
0x35: {  	p0 =	seq.s32 s20, s19;
	(v2sf) =	vpush v0, $0xA;
	p1 =	seq.s32 s21, s19  }
0x36: {  	s26 =	spop (v2sf);
	p0 =	por !p0, !p1  }
0x37: {  	(v2sf) =	vpush v0, $0xB;
	p4 =	seq.s32 s26, s19;
	p0 =	por !p0, !p0  }
0x38: {  	s28 =	spop (v2sf);
	p0 =	por !p4, !p0  }
0x39: {  	(v2sf) =	vpush v0, $0xC;
	p5 =	seq.s32 s28, s19;
	p0 =	por !p0, !p0  }
0x3a: {  	s29 =	spop (v2sf);
	p0 =	por !p5, !p0  }
0x3b: {  	(v2sf) =	vpush v0, $0xD;
	p6 =	seq.s32 s29, s19;
	p0 =	por !p0, !p0  }
0x3c: {  	s30 =	spop (v2sf);
	p0 =	por !p6, !p0  }
0x3d: {  	(v2sf) =	vpush v0, $0xE;
	p2 =	seq.s32 s30, s19;
	p0 =	por !p0, !p0  }
0x3e: {  	s31 =	spop (v2sf);
	p0 =	por !p2, !p0  }
0x3f: {  	(v2sf) =	vpush v0, $0xF;
	p3 =	seq.s32 s31, s19;
	p0 =	por !p0, !p0  }
0x40: {  	s21 =	spop (v2sf);
	p0 =	por !p3, !p0  }
0x41: {  	p4 =	seq.s32 s21, s19;
	p0 =	por !p0, !p0  }
0x42: {  	p0 =	por !p4, !p0;
	s22 =	spop (v2sf)  }
0x43: {  	p0 =	por !p0, !p0;
	p5 =	seq.s32 s22, s19  }
0x44: {  	s23 =	spop (v2sf);
	p0 =	por !p5, !p0  }
0x45: {  	p6 =	seq.s32 s23, s19;
	p0 =	por !p0, !p0  }
0x46: {  	s24 =	spop (v2sf);
	p0 =	por !p6, !p0  }
0x47: {  	p2 =	seq.s32 s24, s19;
	p0 =	por !p0, !p0  }
0x48: {  	s25 =	spop (v2sf);
	p0 =	por !p2, !p0  }
0x49: {  	p3 =	seq.s32 s25, s19;
	p0 =	por !p0, !p0  }
0x4a: {  	s26 =	spop (v2sf);
	p0 =	por !p3, !p0  }
0x4b: {  	p4 =	seq.s32 s26, s19;
	p0 =	por !p0, !p0  }
0x4c: {  	s28 =	spop (v2sf);
	p0 =	por !p4, !p0  }
0x4d: {  	p5 =	seq.s32 s28, s19;
	p0 =	por !p0, !p0  }
0x4e: {  	s29 =	spop (v2sf);
	p0 =	por !p5, !p0  }
0x4f: {  	p6 =	seq.s32 s29, s19;
	p0 =	por !p0, !p0  }
0x50: {  	p0 =	por !p6, !p0  }
0x51: {  	p2 =	seq.s32 s19, $0xFFFFFFFF;
	p0 =	por !p0, !p0  }
0x52: {  	p1 =	por !p0, p2  }
0x53: {  	v0 =	vld.msk @!p1 [tilespmem:$0x0], $0xff;
	_ =	sdelay $0x4  }
0x54: {  	v0 =	vmul.u32 @!p1 $0x1800, v0  }
0x55: {  	v1 =	vlaneseq.u32 @!p1  }
0x56: {  	v0 =	vperm.xlane @!p1 v0, v1;
	_ =	sdelay $0x4  }
0x57: {  	vm0 =	vmmov @!p1 $0xff;
	s20 =	simm.s32 @!p1 $0x0;
	s21 =	simm.s32 @!p1 $0x80  }
0x58: {  	[tilespmem:s21], [sflag:$0x1] =	stream.indirect_vreg.gather @!p1 [hbm4b:s2+s20], $0x1800, v0, vm0, $0x38;
	[tilespmem:$0x18080] =	vst v63  }
0x59: {  	s20 =	simm.s32 @!p1 $0x1  }
0x5a: {  	_ =	swait.ge @!p1 [sflag:s20], $0xC000  }
0x5b: {  	[sflag:s20] =	ssyncset.done @!p1 $0x0  }
0x5c: {  	[sflag:s20] =	ssyncadd.s32 @!p1 $0xFFFF4000  }
0x5d: {  	v0 =	vld.msk @!p0 [tilespmem:$0x0], $0xff;
	_ =	sdelay $0x4  }
0x5e: {  	v0 =	vmul.u32 @!p0 $0x1800, v0  }
0x5f: {  	v1 =	vlaneseq.u32 @!p0  }
0x60: {  	v0 =	vperm.xlane @!p0 v0, v1;
	_ =	sdelay $0x4  }
0x61: {  	s22 =	simm.s32 @!p0 $0x1;
	vm0 =	vmmov @!p0 $0xff;
	s21 =	simm.s32 @!p0 $0xC080;
	s20 =	simm.s32 @!p0 $0x0  }
0x62: {  	[tilespmem:s21], [sflag:$0x1] =	stream.indirect_vreg.gather @!p0 [hbm4b:s2+s20], $0x1800, v0, vm0, $0x38;
	[tilespmem:$0x18080] =	vst v63  }
0x63: {  	_ =	swait.ge @!p0 [sflag:s22], $0xC000  }
0x64: {  	[sflag:s22] =	ssyncset.done @!p0 $0x0  }
0x65: {  	s23 =	simm.s32 @!p0 $0x2;
	[sflag:s22] =	ssyncadd.s32 @!p0 $0xFFFF4000  }
0x66: {  	[hbm4b:s4+s20] =	stream.linear.scatter @!p0 [tilespmem:s21], [sflag:$0x2], $0xC000, $0x38;
	[tilespmem:$0x18080] =	vst v63  }
0x67: {  	_ =	swait.ge @!p0 [sflag:s23], $0xC000  }
0x68: {  	[sflag:s23] =	ssyncset.done @!p0 $0x0  }
0x69: {  	[sflag:s23] =	ssyncadd.s32 @!p0 $0xFFFF4000  }
0x6a: {  	v0 =	vld.msk @!p0 [tilespmem:$0x8], $0xff;
	_ =	sdelay $0x4  }
0x6b: {  	v0 =	vmul.u32 @!p0 $0x1800, v0;
	_ =	sdelay $0x1  }
0x6c: {  	v0 =	vperm.xlane @!p0 v0, v1;
	_ =	sdelay $0x5  }
0x6d: {  	[tilespmem:s21], [sflag:$0x1] =	stream.indirect_vreg.gather @!p0 [hbm4b:s2+s20], $0x1800, v0, vm0, $0x38;
	[tilespmem:$0x18080] =	vst v63  }
0x6e: {  	_ =	swait.ge @!p0 [sflag:s22], $0xC000  }
0x6f: {  	[sflag:s22] =	ssyncset.done @!p0 $0x0  }
0x70: {  	[sflag:s22] =	ssyncadd.s32 @!p0 $0xFFFF4000  }
0x71: {  	[hbm4b:s5+s20] =	stream.linear.scatter @!p0 [tilespmem:s21], [sflag:$0x2], $0xC000, $0x38;
	[tilespmem:$0x18080] =	vst v63  }
0x72: {  	s20 =	simm.s32 @p0 $0x0;
	s21 =	simm.s32 @p0 $0x80  }
0x73: {  	[hbm4b:s4+s20] =	stream.linear.scatter @p0 [tilespmem:s21], [sflag:$0x2], $0xC000, $0x38;
	[tilespmem:$0x18080] =	vst v63  }
0x74: {  	_ = 	snop  }
0x75: {  	[hbm4b:s5+s20] =	stream.linear.scatter @p0 [tilespmem:s21], [sflag:$0x2], $0xC000, $0x38;
	[tilespmem:$0x18080] =	vst v63  }
0x76: {  	s20 =	simm.s32 @p0 $0x2  }
0x77: {  	_ =	swait.ge @p0 [sflag:s20], $0xC000  }
0x78: {  	[sflag:s20] =	ssyncset.done @p0 $0x0  }
0x79: {  	[sflag:s20] =	ssyncadd.s32 @p0 $0xFFFF4000  }
0x7a: {  	_ =	swait.ge [sflag:s18], $0xC000  }
0x7b: {  	[sflag:s18] =	ssyncset.done $0x0  }
0x7c: {  	[sflag:s18] =	ssyncadd.s32 $0xFFFF4000  }
0x7d: {  	v59 =	vld [tilespmem:$0x10];
	_ =	sdelay $0x4  }
0x7e: {  	(v2sf) =	vpush v59, $0x0  }
0x7f: {  	(v2sf) =	vpush v59, $0x1  }
0x80: {  	(v2sf) =	vpush v59, $0x2;
	_ =	sdelay $0x1  }
0x81: {  	(v2sf) =	vpush v59, $0x3;
	_ =	sdelay $0x1  }
0x82: {  	(v2sf) =	vpush v59, $0x4;
	_ =	sdelay $0x1  }
0x83: {  	(v2sf) =	vpush v59, $0x5;
	_ =	sdelay $0x1  }
0x84: {  	(v2sf) =	vpush v59, $0x6;
	_ =	sdelay $0x1  }
0x85: {  	(v2sf) =	vpush v59, $0x7;
	_ =	sdelay $0x1  }
0x86: {  	(v2sf) =	vpush v59, $0x8  }
0x87: {  	s20 =	spop (v2sf)  }
0x88: {  	s30 =	spop (v2sf);
	(v2sf) =	vpush v59, $0x9  }
0x89: {  	s31 =	spop (v2sf)  }
0x8a: {  	p3 =	seq.s32 s30, s20;
	(v2sf) =	vpush v59, $0xA;
	p2 =	seq.s32 s31, s20  }
0x8b: {  	s23 =	spop (v2sf);
	p1 =	por !p3, !p2  }
0x8c: {  	(v2sf) =	vpush v59, $0xB;
	p4 =	seq.s32 s23, s20;
	p1 =	por !p1, !p1  }
0x8d: {  	s24 =	spop (v2sf);
	p1 =	por !p4, !p1  }
0x8e: {  	(v2sf) =	vpush v59, $0xC;
	p5 =	seq.s32 s24, s20;
	p1 =	por !p1, !p1  }
0x8f: {  	s25 =	spop (v2sf);
	p1 =	por !p5, !p1  }
0x90: {  	(v2sf) =	vpush v59, $0xD;
	p6 =	seq.s32 s25, s20;
	p1 =	por !p1, !p1  }
0x91: {  	s26 =	spop (v2sf);
	p1 =	por !p6, !p1  }
0x92: {  	(v2sf) =	vpush v59, $0xE;
	p3 =	seq.s32 s26, s20;
	p1 =	por !p1, !p1  }
0x93: {  	s28 =	spop (v2sf);
	p1 =	por !p3, !p1  }
0x94: {  	(v2sf) =	vpush v59, $0xF;
	p4 =	seq.s32 s28, s20;
	p1 =	por !p1, !p1  }
0x95: {  	s29 =	spop (v2sf);
	p1 =	por !p4, !p1  }
0x96: {  	p5 =	seq.s32 s29, s20;
	p1 =	por !p1, !p1  }
0x97: {  	p1 =	por !p5, !p1;
	s30 =	spop (v2sf)  }
0x98: {  	p1 =	por !p1, !p1;
	p6 =	seq.s32 s30, s20  }
0x99: {  	s31 =	spop (v2sf);
	p1 =	por !p6, !p1  }
0x9a: {  	p3 =	seq.s32 s31, s20;
	p1 =	por !p1, !p1  }
0x9b: {  	s22 =	spop (v2sf);
	p1 =	por !p3, !p1  }
0x9c: {  	p4 =	seq.s32 s22, s20;
	p1 =	por !p1, !p1  }
0x9d: {  	s23 =	spop (v2sf);
	p1 =	por !p4, !p1  }
0x9e: {  	p5 =	seq.s32 s23, s20;
	p1 =	por !p1, !p1  }
0x9f: {  	s24 =	spop (v2sf);
	p1 =	por !p5, !p1  }
0xa0: {  	p6 =	seq.s32 s24, s20;
	p1 =	por !p1, !p1  }
0xa1: {  	s25 =	spop (v2sf);
	p1 =	por !p6, !p1  }
0xa2: {  	p3 =	seq.s32 s25, s20;
	p1 =	por !p1, !p1  }
0xa3: {  	s26 =	spop (v2sf);
	p1 =	por !p3, !p1  }
0xa4: {  	p4 =	seq.s32 s26, s20;
	p1 =	por !p1, !p1  }
0xa5: {  	s19 =	simm.s32 @!p0 $0xFFFFFFFF;
	p5 =	por !p4, !p1  }
0xa6: {  	p6 =	seq.s32 s20, s19;
	p0 =	por !p5, !p5  }
0xa7: {  	p1 =	por !p0, p6  }
0xa8: {  	v0 =	vld.msk @!p1 [tilespmem:$0x10], $0xff;
	_ =	sdelay $0x4  }
0xa9: {  	v0 =	vmul.u32 @!p1 $0x1800, v0  }
0xaa: {  	v1 =	vlaneseq.u32 @!p1  }
0xab: {  	v0 =	vperm.xlane @!p1 v0, v1;
	_ =	sdelay $0x4  }
0xac: {  	vm0 =	vmmov @!p1 $0xff;
	s21 =	simm.s32 @!p1 $0x0;
	s22 =	simm.s32 @!p1 $0x80  }
0xad: {  	[tilespmem:s22], [sflag:$0x1] =	stream.indirect_vreg.gather @!p1 [hbm4b:s2+s21], $0x1800, v0, vm0, $0x38;
	[tilespmem:$0x18080] =	vst v63  }
0xae: {  	s21 =	simm.s32 @!p1 $0x1  }
0xaf: {  	_ =	swait.ge @!p1 [sflag:s21], $0xC000  }
0xb0: {  	[sflag:s21] =	ssyncset.done @!p1 $0x0  }
0xb1: {  	[sflag:s21] =	ssyncadd.s32 @!p1 $0xFFFF4000  }
0xb2: {  	v0 =	vld.msk @!p0 [tilespmem:$0x10], $0xff;
	_ =	sdelay $0x4  }
0xb3: {  	v0 =	vmul.u32 @!p0 $0x1800, v0  }
0xb4: {  	v1 =	vlaneseq.u32 @!p0  }
0xb5: {  	v0 =	vperm.xlane @!p0 v0, v1;
	_ =	sdelay $0x4  }
0xb6: {  	s23 =	simm.s32 @!p0 $0x1;
	vm0 =	vmmov @!p0 $0xff;
	s22 =	simm.s32 @!p0 $0xC080;
	s21 =	simm.s32 @!p0 $0x0  }
0xb7: {  	[tilespmem:s22], [sflag:$0x1] =	stream.indirect_vreg.gather @!p0 [hbm4b:s2+s21], $0x1800, v0, vm0, $0x38;
	[tilespmem:$0x18080] =	vst v63  }
0xb8: {  	_ =	swait.ge @!p0 [sflag:s23], $0xC000  }
0xb9: {  	[sflag:s23] =	ssyncset.done @!p0 $0x0  }
0xba: {  	s24 =	simm.s32 @!p0 $0x2;
	[sflag:s23] =	ssyncadd.s32 @!p0 $0xFFFF4000  }
0xbb: {  	[hbm4b:s6+s21] =	stream.linear.scatter @!p0 [tilespmem:s22], [sflag:$0x2], $0xC000, $0x38;
	[tilespmem:$0x18080] =	vst v63  }
0xbc: {  	_ =	swait.ge @!p0 [sflag:s24], $0xC000  }
0xbd: {  	[sflag:s24] =	ssyncset.done @!p0 $0x0  }
0xbe: {  	[sflag:s24] =	ssyncadd.s32 @!p0 $0xFFFF4000  }
0xbf: {  	v0 =	vld.msk @!p0 [tilespmem:$0x18], $0xff;
	_ =	sdelay $0x4  }
0xc0: {  	v0 =	vmul.u32 @!p0 $0x1800, v0;
	_ =	sdelay $0x1  }
0xc1: {  	v0 =	vperm.xlane @!p0 v0, v1;
	_ =	sdelay $0x5  }
0xc2: {  	[tilespmem:s22], [sflag:$0x1] =	stream.indirect_vreg.gather @!p0 [hbm4b:s2+s21], $0x1800, v0, vm0, $0x38;
	[tilespmem:$0x18080] =	vst v63  }
0xc3: {  	_ =	swait.ge @!p0 [sflag:s23], $0xC000  }
0xc4: {  	[sflag:s23] =	ssyncset.done @!p0 $0x0  }
0xc5: {  	[sflag:s23] =	ssyncadd.s32 @!p0 $0xFFFF4000  }
0xc6: {  	[hbm4b:s7+s21] =	stream.linear.scatter @!p0 [tilespmem:s22], [sflag:$0x2], $0xC000, $0x38;
	[tilespmem:$0x18080] =	vst v63  }
0xc7: {  	s21 =	simm.s32 @p0 $0x0;
	s22 =	simm.s32 @p0 $0x80  }
0xc8: {  	[hbm4b:s6+s21] =	stream.linear.scatter @p0 [tilespmem:s22], [sflag:$0x2], $0xC000, $0x38;
	[tilespmem:$0x18080] =	vst v63  }
0xc9: {  	_ = 	snop  }
0xca: {  	[hbm4b:s7+s21] =	stream.linear.scatter @p0 [tilespmem:s22], [sflag:$0x2], $0xC000, $0x38;
	[tilespmem:$0x18080] =	vst v63  }
0xcb: {  	s21 =	simm.s32 @p0 $0x2  }
0xcc: {  	_ =	swait.ge @p0 [sflag:s21], $0xC000  }
0xcd: {  	[sflag:s21] =	ssyncset.done @p0 $0x0  }
0xce: {  	[sflag:s21] =	ssyncadd.s32 @p0 $0xFFFF4000  }
0xcf: {  	_ =	swait.ge [sflag:s18], $0xC000  }
0xd0: {  	[sflag:s18] =	ssyncset.done $0x0  }
0xd1: {  	[sflag:s18] =	ssyncadd.s32 $0xFFFF4000  }
0xd2: {  	v60 =	vld [tilespmem:$0x20];
	_ =	sdelay $0x4  }
0xd3: {  	(v2sf) =	vpush v60, $0x0  }
0xd4: {  	(v2sf) =	vpush v60, $0x1  }
0xd5: {  	(v2sf) =	vpush v60, $0x2;
	_ =	sdelay $0x1  }
0xd6: {  	(v2sf) =	vpush v60, $0x3;
	_ =	sdelay $0x1  }
0xd7: {  	(v2sf) =	vpush v60, $0x4;
	_ =	sdelay $0x1  }
0xd8: {  	(v2sf) =	vpush v60, $0x5;
	_ =	sdelay $0x1  }
0xd9: {  	(v2sf) =	vpush v60, $0x6;
	_ =	sdelay $0x1  }
0xda: {  	(v2sf) =	vpush v60, $0x7;
	_ =	sdelay $0x1  }
0xdb: {  	(v2sf) =	vpush v60, $0x8  }
0xdc: {  	s21 =	spop (v2sf)  }
0xdd: {  	s28 =	spop (v2sf);
	(v2sf) =	vpush v60, $0x9  }
0xde: {  	s29 =	spop (v2sf)  }
0xdf: {  	p2 =	seq.s32 s28, s21;
	(v2sf) =	vpush v60, $0xA;
	p3 =	seq.s32 s29, s21  }
0xe0: {  	s30 =	spop (v2sf);
	p1 =	por !p2, !p3  }
0xe1: {  	(v2sf) =	vpush v60, $0xB;
	p4 =	seq.s32 s30, s21;
	p1 =	por !p1, !p1  }
0xe2: {  	s31 =	spop (v2sf);
	p1 =	por !p4, !p1  }
0xe3: {  	(v2sf) =	vpush v60, $0xC;
	p5 =	seq.s32 s31, s21;
	p1 =	por !p1, !p1  }
0xe4: {  	s23 =	spop (v2sf);
	p1 =	por !p5, !p1  }
0xe5: {  	(v2sf) =	vpush v60, $0xD;
	p6 =	seq.s32 s23, s21;
	p1 =	por !p1, !p1  }
0xe6: {  	s24 =	spop (v2sf);
	p1 =	por !p6, !p1  }
0xe7: {  	(v2sf) =	vpush v60, $0xE;
	p3 =	seq.s32 s24, s21;
	p1 =	por !p1, !p1  }
0xe8: {  	s25 =	spop (v2sf);
	p1 =	por !p3, !p1  }
0xe9: {  	(v2sf) =	vpush v60, $0xF;
	p4 =	seq.s32 s25, s21;
	p1 =	por !p1, !p1  }
0xea: {  	s26 =	spop (v2sf);
	p1 =	por !p4, !p1  }
0xeb: {  	p5 =	seq.s32 s26, s21;
	p1 =	por !p1, !p1  }
0xec: {  	p1 =	por !p5, !p1;
	s28 =	spop (v2sf)  }
0xed: {  	p1 =	por !p1, !p1;
	p6 =	seq.s32 s28, s21  }
0xee: {  	s29 =	spop (v2sf);
	p1 =	por !p6, !p1  }
0xef: {  	p3 =	seq.s32 s29, s21;
	p1 =	por !p1, !p1  }
0xf0: {  	s30 =	spop (v2sf);
	p1 =	por !p3, !p1  }
0xf1: {  	p4 =	seq.s32 s30, s21;
	p1 =	por !p1, !p1  }
0xf2: {  	s31 =	spop (v2sf);
	p1 =	por !p4, !p1  }
0xf3: {  	p5 =	seq.s32 s31, s21;
	p1 =	por !p1, !p1  }
0xf4: {  	s23 =	spop (v2sf);
	p1 =	por !p5, !p1  }
0xf5: {  	p6 =	seq.s32 s23, s21;
	p1 =	por !p1, !p1  }
0xf6: {  	s24 =	spop (v2sf);
	p1 =	por !p6, !p1  }
0xf7: {  	p3 =	seq.s32 s24, s21;
	p1 =	por !p1, !p1  }
0xf8: {  	s25 =	spop (v2sf);
	p1 =	por !p3, !p1  }
0xf9: {  	p4 =	seq.s32 s25, s21;
	p1 =	por !p1, !p1  }
0xfa: {  	s19 =	smov.u32 @p0 s20;
	p5 =	por !p4, !p1  }
0xfb: {  	p6 =	seq.s32 s21, s19;
	p0 =	por !p5, !p5  }
0xfc: {  	p1 =	por !p0, p6  }
0xfd: {  	v0 =	vld.msk @!p1 [tilespmem:$0x20], $0xff;
	_ =	sdelay $0x4  }
0xfe: {  	v0 =	vmul.u32 @!p1 $0x1800, v0  }
0xff: {  	v1 =	vlaneseq.u32 @!p1  }
0x100: {  	v0 =	vperm.xlane @!p1 v0, v1;
	_ =	sdelay $0x4  }
0x101: {  	vm0 =	vmmov @!p1 $0xff;
	s20 =	simm.s32 @!p1 $0x0;
	s22 =	simm.s32 @!p1 $0x80  }
0x102: {  	[tilespmem:s22], [sflag:$0x1] =	stream.indirect_vreg.gather @!p1 [hbm4b:s2+s20], $0x1800, v0, vm0, $0x38;
	[tilespmem:$0x18080] =	vst v63  }
0x103: {  	s20 =	simm.s32 @!p1 $0x1  }
0x104: {  	_ =	swait.ge @!p1 [sflag:s20], $0xC000  }
0x105: {  	[sflag:s20] =	ssyncset.done @!p1 $0x0  }
0x106: {  	[sflag:s20] =	ssyncadd.s32 @!p1 $0xFFFF4000  }
0x107: {  	v0 =	vld.msk @!p0 [tilespmem:$0x20], $0xff;
	_ =	sdelay $0x4  }
0x108: {  	v0 =	vmul.u32 @!p0 $0x1800, v0  }
0x109: {  	v1 =	vlaneseq.u32 @!p0  }
0x10a: {  	v0 =	vperm.xlane @!p0 v0, v1;
	_ =	sdelay $0x4  }
0x10b: {  	s23 =	simm.s32 @!p0 $0x1;
	vm0 =	vmmov @!p0 $0xff;
	s22 =	simm.s32 @!p0 $0xC080;
	s20 =	simm.s32 @!p0 $0x0  }
0x10c: {  	[tilespmem:s22], [sflag:$0x1] =	stream.indirect_vreg.gather @!p0 [hbm4b:s2+s20], $0x1800, v0, vm0, $0x38;
	[tilespmem:$0x18080] =	vst v63  }
0x10d: {  	_ =	swait.ge @!p0 [sflag:s23], $0xC000  }
0x10e: {  	[sflag:s23] =	ssyncset.done @!p0 $0x0  }
0x10f: {  	s24 =	simm.s32 @!p0 $0x2;
	[sflag:s23] =	ssyncadd.s32 @!p0 $0xFFFF4000  }
0x110: {  	[hbm4b:s8+s20] =	stream.linear.scatter @!p0 [tilespmem:s22], [sflag:$0x2], $0xC000, $0x38;
	[tilespmem:$0x18080] =	vst v63  }
0x111: {  	_ =	swait.ge @!p0 [sflag:s24], $0xC000  }
0x112: {  	[sflag:s24] =	ssyncset.done @!p0 $0x0  }
0x113: {  	[sflag:s24] =	ssyncadd.s32 @!p0 $0xFFFF4000  }
0x114: {  	v0 =	vld.msk @!p0 [tilespmem:$0x28], $0xff;
	_ =	sdelay $0x4  }
0x115: {  	v0 =	vmul.u32 @!p0 $0x1800, v0;
	_ =	sdelay $0x1  }
0x116: {  	v0 =	vperm.xlane @!p0 v0, v1;
	_ =	sdelay $0x5  }
0x117: {  	[tilespmem:s22], [sflag:$0x1] =	stream.indirect_vreg.gather @!p0 [hbm4b:s2+s20], $0x1800, v0, vm0, $0x38;
	[tilespmem:$0x18080] =	vst v63  }
0x118: {  	_ =	swait.ge @!p0 [sflag:s23], $0xC000  }
0x119: {  	[sflag:s23] =	ssyncset.done @!p0 $0x0  }
0x11a: {  	[sflag:s23] =	ssyncadd.s32 @!p0 $0xFFFF4000  }
0x11b: {  	[hbm4b:s9+s20] =	stream.linear.scatter @!p0 [tilespmem:s22], [sflag:$0x2], $0xC000, $0x38;
	[tilespmem:$0x18080] =	vst v63  }
0x11c: {  	s20 =	simm.s32 @p0 $0x0;
	s22 =	simm.s32 @p0 $0x80  }
0x11d: {  	[hbm4b:s8+s20] =	stream.linear.scatter @p0 [tilespmem:s22], [sflag:$0x2], $0xC000, $0x38;
	[tilespmem:$0x18080] =	vst v63  }
0x11e: {  	_ = 	snop  }
0x11f: {  	[hbm4b:s9+s20] =	stream.linear.scatter @p0 [tilespmem:s22], [sflag:$0x2], $0xC000, $0x38;
	[tilespmem:$0x18080] =	vst v63  }
0x120: {  	s20 =	simm.s32 @p0 $0x2  }
0x121: {  	_ =	swait.ge @p0 [sflag:s20], $0xC000  }
0x122: {  	[sflag:s20] =	ssyncset.done @p0 $0x0  }
0x123: {  	[sflag:s20] =	ssyncadd.s32 @p0 $0xFFFF4000  }
0x124: {  	_ =	swait.ge [sflag:s18], $0xC000  }
0x125: {  	[sflag:s18] =	ssyncset.done $0x0  }
0x126: {  	[sflag:s18] =	ssyncadd.s32 $0xFFFF4000  }
0x127: {  	v61 =	vld [tilespmem:$0x30];
	_ =	sdelay $0x4  }
0x128: {  	(v2sf) =	vpush v61, $0x0  }
0x129: {  	(v2sf) =	vpush v61, $0x1  }
0x12a: {  	(v2sf) =	vpush v61, $0x2;
	_ =	sdelay $0x1  }
0x12b: {  	(v2sf) =	vpush v61, $0x3;
	_ =	sdelay $0x1  }
0x12c: {  	(v2sf) =	vpush v61, $0x4;
	_ =	sdelay $0x1  }
0x12d: {  	(v2sf) =	vpush v61, $0x5;
	_ =	sdelay $0x1  }
0x12e: {  	(v2sf) =	vpush v61, $0x6;
	_ =	sdelay $0x1  }
0x12f: {  	(v2sf) =	vpush v61, $0x7;
	_ =	sdelay $0x1  }
0x130: {  	(v2sf) =	vpush v61, $0x8  }
0x131: {  	s20 =	spop (v2sf)  }
0x132: {  	s26 =	spop (v2sf);
	(v2sf) =	vpush v61, $0x9  }
0x133: {  	s28 =	spop (v2sf)  }
0x134: {  	p2 =	seq.s32 s26, s20;
	(v2sf) =	vpush v61, $0xA;
	p3 =	seq.s32 s28, s20  }
0x135: {  	s29 =	spop (v2sf);
	p1 =	por !p2, !p3  }
0x136: {  	(v2sf) =	vpush v61, $0xB;
	p4 =	seq.s32 s29, s20;
	p1 =	por !p1, !p1  }
0x137: {  	s30 =	spop (v2sf);
	p1 =	por !p4, !p1  }
0x138: {  	(v2sf) =	vpush v61, $0xC;
	p5 =	seq.s32 s30, s20;
	p1 =	por !p1, !p1  }
0x139: {  	s31 =	spop (v2sf);
	p1 =	por !p5, !p1  }
0x13a: {  	(v2sf) =	vpush v61, $0xD;
	p6 =	seq.s32 s31, s20;
	p1 =	por !p1, !p1  }
0x13b: {  	s23 =	spop (v2sf);
	p1 =	por !p6, !p1  }
0x13c: {  	(v2sf) =	vpush v61, $0xE;
	p3 =	seq.s32 s23, s20;
	p1 =	por !p1, !p1  }
0x13d: {  	s24 =	spop (v2sf);
	p1 =	por !p3, !p1  }
0x13e: {  	(v2sf) =	vpush v61, $0xF;
	p4 =	seq.s32 s24, s20;
	p1 =	por !p1, !p1  }
0x13f: {  	s25 =	spop (v2sf);
	p1 =	por !p4, !p1  }
0x140: {  	p5 =	seq.s32 s25, s20;
	p1 =	por !p1, !p1  }
0x141: {  	p1 =	por !p5, !p1;
	s26 =	spop (v2sf)  }
0x142: {  	p1 =	por !p1, !p1;
	p6 =	seq.s32 s26, s20  }
0x143: {  	s28 =	spop (v2sf);
	p1 =	por !p6, !p1  }
0x144: {  	p3 =	seq.s32 s28, s20;
	p1 =	por !p1, !p1  }
0x145: {  	s29 =	spop (v2sf);
	p1 =	por !p3, !p1  }
0x146: {  	p4 =	seq.s32 s29, s20;
	p1 =	por !p1, !p1  }
0x147: {  	s30 =	spop (v2sf);
	p1 =	por !p4, !p1  }
0x148: {  	p5 =	seq.s32 s30, s20;
	p1 =	por !p1, !p1  }
0x149: {  	s31 =	spop (v2sf);
	p1 =	por !p5, !p1  }
0x14a: {  	p6 =	seq.s32 s31, s20;
	p1 =	por !p1, !p1  }
0x14b: {  	s23 =	spop (v2sf);
	p1 =	por !p6, !p1  }
0x14c: {  	p3 =	seq.s32 s23, s20;
	p1 =	por !p1, !p1  }
0x14d: {  	s24 =	spop (v2sf);
	p1 =	por !p3, !p1  }
0x14e: {  	p4 =	seq.s32 s24, s20;
	p1 =	por !p1, !p1  }
0x14f: {  	s19 =	smov.u32 @p0 s21;
	p5 =	por !p4, !p1  }
0x150: {  	p6 =	seq.s32 s20, s19;
	p0 =	por !p5, !p5  }
0x151: {  	p1 =	por !p0, p6  }
0x152: {  	v0 =	vld.msk @!p1 [tilespmem:$0x30], $0xff;
	_ =	sdelay $0x4  }
0x153: {  	v0 =	vmul.u32 @!p1 $0x1800, v0  }
0x154: {  	v1 =	vlaneseq.u32 @!p1  }
0x155: {  	v0 =	vperm.xlane @!p1 v0, v1;
	_ =	sdelay $0x4  }
0x156: {  	vm0 =	vmmov @!p1 $0xff;
	s21 =	simm.s32 @!p1 $0x0;
	s22 =	simm.s32 @!p1 $0x80  }
0x157: {  	[tilespmem:s22], [sflag:$0x1] =	stream.indirect_vreg.gather @!p1 [hbm4b:s2+s21], $0x1800, v0, vm0, $0x38;
	[tilespmem:$0x18080] =	vst v63  }
0x158: {  	s21 =	simm.s32 @!p1 $0x1  }
0x159: {  	_ =	swait.ge @!p1 [sflag:s21], $0xC000  }
0x15a: {  	[sflag:s21] =	ssyncset.done @!p1 $0x0  }
0x15b: {  	[sflag:s21] =	ssyncadd.s32 @!p1 $0xFFFF4000  }
0x15c: {  	v0 =	vld.msk @!p0 [tilespmem:$0x30], $0xff;
	_ =	sdelay $0x4  }
0x15d: {  	v0 =	vmul.u32 @!p0 $0x1800, v0  }
0x15e: {  	v1 =	vlaneseq.u32 @!p0  }
0x15f: {  	v0 =	vperm.xlane @!p0 v0, v1;
	_ =	sdelay $0x4  }
0x160: {  	s23 =	simm.s32 @!p0 $0x1;
	vm0 =	vmmov @!p0 $0xff;
	s22 =	simm.s32 @!p0 $0xC080;
	s21 =	simm.s32 @!p0 $0x0  }
0x161: {  	[tilespmem:s22], [sflag:$0x1] =	stream.indirect_vreg.gather @!p0 [hbm4b:s2+s21], $0x1800, v0, vm0, $0x38;
	[tilespmem:$0x18080] =	vst v63  }
0x162: {  	_ =	swait.ge @!p0 [sflag:s23], $0xC000  }
0x163: {  	[sflag:s23] =	ssyncset.done @!p0 $0x0  }
0x164: {  	s24 =	simm.s32 @!p0 $0x2;
	[sflag:s23] =	ssyncadd.s32 @!p0 $0xFFFF4000  }
0x165: {  	[hbm4b:s10+s21] =	stream.linear.scatter @!p0 [tilespmem:s22], [sflag:$0x2], $0xC000, $0x38;
	[tilespmem:$0x18080] =	vst v63  }
0x166: {  	_ =	swait.ge @!p0 [sflag:s24], $0xC000  }
0x167: {  	[sflag:s24] =	ssyncset.done @!p0 $0x0  }
0x168: {  	[sflag:s24] =	ssyncadd.s32 @!p0 $0xFFFF4000  }
0x169: {  	v0 =	vld.msk @!p0 [tilespmem:$0x38], $0xff;
	_ =	sdelay $0x4  }
0x16a: {  	v0 =	vmul.u32 @!p0 $0x1800, v0;
	_ =	sdelay $0x1  }
0x16b: {  	v0 =	vperm.xlane @!p0 v0, v1;
	_ =	sdelay $0x5  }
0x16c: {  	[tilespmem:s22], [sflag:$0x1] =	stream.indirect_vreg.gather @!p0 [hbm4b:s2+s21], $0x1800, v0, vm0, $0x38;
	[tilespmem:$0x18080] =	vst v63  }
0x16d: {  	_ =	swait.ge @!p0 [sflag:s23], $0xC000  }
0x16e: {  	[sflag:s23] =	ssyncset.done @!p0 $0x0  }
0x16f: {  	[sflag:s23] =	ssyncadd.s32 @!p0 $0xFFFF4000  }
0x170: {  	[hbm4b:s11+s21] =	stream.linear.scatter @!p0 [tilespmem:s22], [sflag:$0x2], $0xC000, $0x38;
	[tilespmem:$0x18080] =	vst v63  }
0x171: {  	s21 =	simm.s32 @p0 $0x0;
	s22 =	simm.s32 @p0 $0x80  }
0x172: {  	[hbm4b:s10+s21] =	stream.linear.scatter @p0 [tilespmem:s22], [sflag:$0x2], $0xC000, $0x38;
	[tilespmem:$0x18080] =	vst v63  }
0x173: {  	_ = 	snop  }
0x174: {  	[hbm4b:s11+s21] =	stream.linear.scatter @p0 [tilespmem:s22], [sflag:$0x2], $0xC000, $0x38;
	[tilespmem:$0x18080] =	vst v63  }
0x175: {  	s21 =	simm.s32 @p0 $0x2  }
0x176: {  	_ =	swait.ge @p0 [sflag:s21], $0xC000  }
0x177: {  	[sflag:s21] =	ssyncset.done @p0 $0x0  }
0x178: {  	[sflag:s21] =	ssyncadd.s32 @p0 $0xFFFF4000  }
0x179: {  	_ =	swait.ge [sflag:s18], $0xC000  }
0x17a: {  	[sflag:s18] =	ssyncset.done $0x0  }
0x17b: {  	[sflag:s18] =	ssyncadd.s32 $0xFFFF4000  }
0x17c: {  	v62 =	vld [tilespmem:$0x40];
	_ =	sdelay $0x4  }
0x17d: {  	(v2sf) =	vpush v62, $0x0  }
0x17e: {  	(v2sf) =	vpush v62, $0x1  }
0x17f: {  	(v2sf) =	vpush v62, $0x2;
	_ =	sdelay $0x1  }
0x180: {  	(v2sf) =	vpush v62, $0x3;
	_ =	sdelay $0x1  }
0x181: {  	(v2sf) =	vpush v62, $0x4;
	_ =	sdelay $0x1  }
0x182: {  	(v2sf) =	vpush v62, $0x5;
	_ =	sdelay $0x1  }
0x183: {  	(v2sf) =	vpush v62, $0x6;
	_ =	sdelay $0x1  }
0x184: {  	(v2sf) =	vpush v62, $0x7;
	_ =	sdelay $0x1  }
0x185: {  	(v2sf) =	vpush v62, $0x8  }
0x186: {  	s21 =	spop (v2sf)  }
0x187: {  	s25 =	spop (v2sf);
	(v2sf) =	vpush v62, $0x9  }
0x188: {  	s26 =	spop (v2sf)  }
0x189: {  	p2 =	seq.s32 s25, s21;
	(v2sf) =	vpush v62, $0xA;
	p3 =	seq.s32 s26, s21  }
0x18a: {  	s28 =	spop (v2sf);
	p1 =	por !p2, !p3  }
0x18b: {  	(v2sf) =	vpush v62, $0xB;
	p4 =	seq.s32 s28, s21;
	p1 =	por !p1, !p1  }
0x18c: {  	s29 =	spop (v2sf);
	p1 =	por !p4, !p1  }
0x18d: {  	(v2sf) =	vpush v62, $0xC;
	p5 =	seq.s32 s29, s21;
	p1 =	por !p1, !p1  }
0x18e: {  	s30 =	spop (v2sf);
	p1 =	por !p5, !p1  }
0x18f: {  	(v2sf) =	vpush v62, $0xD;
	p6 =	seq.s32 s30, s21;
	p1 =	por !p1, !p1  }
0x190: {  	s31 =	spop (v2sf);
	p1 =	por !p6, !p1  }
0x191: {  	(v2sf) =	vpush v62, $0xE;
	p3 =	seq.s32 s31, s21;
	p1 =	por !p1, !p1  }
0x192: {  	s23 =	spop (v2sf);
	p1 =	por !p3, !p1  }
0x193: {  	(v2sf) =	vpush v62, $0xF;
	p4 =	seq.s32 s23, s21;
	p1 =	por !p1, !p1  }
0x194: {  	s24 =	spop (v2sf);
	p1 =	por !p4, !p1  }
0x195: {  	p5 =	seq.s32 s24, s21;
	p1 =	por !p1, !p1  }
0x196: {  	p1 =	por !p5, !p1;
	s25 =	spop (v2sf)  }
0x197: {  	p1 =	por !p1, !p1;
	p6 =	seq.s32 s25, s21  }
0x198: {  	s26 =	spop (v2sf);
	p1 =	por !p6, !p1  }
0x199: {  	p3 =	seq.s32 s26, s21;
	p1 =	por !p1, !p1  }
0x19a: {  	s28 =	spop (v2sf);
	p1 =	por !p3, !p1  }
0x19b: {  	p4 =	seq.s32 s28, s21;
	p1 =	por !p1, !p1  }
0x19c: {  	s29 =	spop (v2sf);
	p1 =	por !p4, !p1  }
0x19d: {  	p5 =	seq.s32 s29, s21;
	p1 =	por !p1, !p1  }
0x19e: {  	s30 =	spop (v2sf);
	p1 =	por !p5, !p1  }
0x19f: {  	p6 =	seq.s32 s30, s21;
	p1 =	por !p1, !p1  }
0x1a0: {  	s31 =	spop (v2sf);
	p1 =	por !p6, !p1  }
0x1a1: {  	p3 =	seq.s32 s31, s21;
	p1 =	por !p1, !p1  }
0x1a2: {  	s23 =	spop (v2sf);
	p1 =	por !p3, !p1  }
0x1a3: {  	p4 =	seq.s32 s23, s21;
	p1 =	por !p1, !p1  }
0x1a4: {  	s19 =	smov.u32 @p0 s20;
	p5 =	por !p4, !p1  }
0x1a5: {  	p6 =	seq.s32 s21, s19;
	p0 =	por !p5, !p5  }
0x1a6: {  	p1 =	por !p0, p6  }
0x1a7: {  	v0 =	vld.msk @!p1 [tilespmem:$0x40], $0xff;
	_ =	sdelay $0x4  }
0x1a8: {  	v0 =	vmul.u32 @!p1 $0x1800, v0  }
0x1a9: {  	v1 =	vlaneseq.u32 @!p1  }
0x1aa: {  	v0 =	vperm.xlane @!p1 v0, v1;
	_ =	sdelay $0x4  }
0x1ab: {  	vm0 =	vmmov @!p1 $0xff;
	s20 =	simm.s32 @!p1 $0x0;
	s22 =	simm.s32 @!p1 $0x80  }
0x1ac: {  	[tilespmem:s22], [sflag:$0x1] =	stream.indirect_vreg.gather @!p1 [hbm4b:s2+s20], $0x1800, v0, vm0, $0x38;
	[tilespmem:$0x18080] =	vst v63  }
0x1ad: {  	s20 =	simm.s32 @!p1 $0x1  }
0x1ae: {  	_ =	swait.ge @!p1 [sflag:s20], $0xC000  }
0x1af: {  	[sflag:s20] =	ssyncset.done @!p1 $0x0  }
0x1b0: {  	[sflag:s20] =	ssyncadd.s32 @!p1 $0xFFFF4000  }
0x1b1: {  	v0 =	vld.msk @!p0 [tilespmem:$0x40], $0xff;
	_ =	sdelay $0x4  }
0x1b2: {  	v0 =	vmul.u32 @!p0 $0x1800, v0  }
0x1b3: {  	v1 =	vlaneseq.u32 @!p0  }
0x1b4: {  	v0 =	vperm.xlane @!p0 v0, v1;
	_ =	sdelay $0x4  }
0x1b5: {  	s23 =	simm.s32 @!p0 $0x1;
	vm0 =	vmmov @!p0 $0xff;
	s22 =	simm.s32 @!p0 $0xC080;
	s20 =	simm.s32 @!p0 $0x0  }
0x1b6: {  	[tilespmem:s22], [sflag:$0x1] =	stream.indirect_vreg.gather @!p0 [hbm4b:s2+s20], $0x1800, v0, vm0, $0x38;
	[tilespmem:$0x18080] =	vst v63  }
0x1b7: {  	_ =	swait.ge @!p0 [sflag:s23], $0xC000  }
0x1b8: {  	[sflag:s23] =	ssyncset.done @!p0 $0x0  }
0x1b9: {  	s24 =	simm.s32 @!p0 $0x2;
	[sflag:s23] =	ssyncadd.s32 @!p0 $0xFFFF4000  }
0x1ba: {  	[hbm4b:s12+s20] =	stream.linear.scatter @!p0 [tilespmem:s22], [sflag:$0x2], $0xC000, $0x38;
	[tilespmem:$0x18080] =	vst v63  }
0x1bb: {  	_ =	swait.ge @!p0 [sflag:s24], $0xC000  }
0x1bc: {  	[sflag:s24] =	ssyncset.done @!p0 $0x0  }
0x1bd: {  	[sflag:s24] =	ssyncadd.s32 @!p0 $0xFFFF4000  }
0x1be: {  	v0 =	vld.msk @!p0 [tilespmem:$0x48], $0xff;
	_ =	sdelay $0x4  }
0x1bf: {  	v0 =	vmul.u32 @!p0 $0x1800, v0;
	_ =	sdelay $0x1  }
0x1c0: {  	v0 =	vperm.xlane @!p0 v0, v1;
	_ =	sdelay $0x5  }
0x1c1: {  	[tilespmem:s22], [sflag:$0x1] =	stream.indirect_vreg.gather @!p0 [hbm4b:s2+s20], $0x1800, v0, vm0, $0x38;
	[tilespmem:$0x18080] =	vst v63  }
0x1c2: {  	_ =	swait.ge @!p0 [sflag:s23], $0xC000  }
0x1c3: {  	[sflag:s23] =	ssyncset.done @!p0 $0x0  }
0x1c4: {  	[sflag:s23] =	ssyncadd.s32 @!p0 $0xFFFF4000  }
0x1c5: {  	[hbm4b:s13+s20] =	stream.linear.scatter @!p0 [tilespmem:s22], [sflag:$0x2], $0xC000, $0x38;
	[tilespmem:$0x18080] =	vst v63  }
0x1c6: {  	s20 =	simm.s32 @p0 $0x0;
	s22 =	simm.s32 @p0 $0x80  }
0x1c7: {  	[hbm4b:s12+s20] =	stream.linear.scatter @p0 [tilespmem:s22], [sflag:$0x2], $0xC000, $0x38;
	[tilespmem:$0x18080] =	vst v63  }
0x1c8: {  	_ = 	snop  }
0x1c9: {  	[hbm4b:s13+s20] =	stream.linear.scatter @p0 [tilespmem:s22], [sflag:$0x2], $0xC000, $0x38;
	[tilespmem:$0x18080] =	vst v63  }
0x1ca: {  	s20 =	simm.s32 @p0 $0x2  }
0x1cb: {  	_ =	swait.ge @p0 [sflag:s20], $0xC000  }
0x1cc: {  	[sflag:s20] =	ssyncset.done @p0 $0x0  }
0x1cd: {  	[sflag:s20] =	ssyncadd.s32 @p0 $0xFFFF4000  }
0x1ce: {  	_ =	swait.ge [sflag:s18], $0xC000  }
0x1cf: {  	[sflag:s18] =	ssyncset.done $0x0  }
0x1d0: {  	[sflag:s18] =	ssyncadd.s32 $0xFFFF4000  }
0x1d1: {  	v63 =	vld [tilespmem:$0x50];
	_ =	sdelay $0x4  }
0x1d2: {  	(v2sf) =	vpush v63, $0x0  }
0x1d3: {  	(v2sf) =	vpush v63, $0x1  }
0x1d4: {  	(v2sf) =	vpush v63, $0x2;
	_ =	sdelay $0x1  }
0x1d5: {  	(v2sf) =	vpush v63, $0x3;
	_ =	sdelay $0x1  }
0x1d6: {  	(v2sf) =	vpush v63, $0x4;
	_ =	sdelay $0x1  }
0x1d7: {  	(v2sf) =	vpush v63, $0x5;
	_ =	sdelay $0x1  }
0x1d8: {  	(v2sf) =	vpush v63, $0x6;
	_ =	sdelay $0x1  }
0x1d9: {  	(v2sf) =	vpush v63, $0x7;
	_ =	sdelay $0x1  }
0x1da: {  	(v2sf) =	vpush v63, $0x8  }
0x1db: {  	s20 =	spop (v2sf)  }
0x1dc: {  	(v2sf) =	vpush v63, $0x9;
	s24 =	spop (v2sf)  }
0x1dd: {  	s25 =	spop (v2sf)  }
0x1de: {  	(v2sf) =	vpush v63, $0xA;
	p2 =	seq.s32 s24, s20;
	p3 =	seq.s32 s25, s20  }
0x1df: {  	s26 =	spop (v2sf);
	p1 =	por !p2, !p3  }
0x1e0: {  	(v2sf) =	vpush v63, $0xB;
	p4 =	seq.s32 s26, s20;
	p1 =	por !p1, !p1  }
0x1e1: {  	s28 =	spop (v2sf);
	p1 =	por !p4, !p1  }
0x1e2: {  	(v2sf) =	vpush v63, $0xC;
	p5 =	seq.s32 s28, s20;
	p1 =	por !p1, !p1  }
0x1e3: {  	s29 =	spop (v2sf);
	p1 =	por !p5, !p1  }
0x1e4: {  	(v2sf) =	vpush v63, $0xD;
	p6 =	seq.s32 s29, s20;
	p1 =	por !p1, !p1  }
0x1e5: {  	s30 =	spop (v2sf);
	p1 =	por !p6, !p1  }
0x1e6: {  	(v2sf) =	vpush v63, $0xE;
	p3 =	seq.s32 s30, s20;
	p1 =	por !p1, !p1  }
0x1e7: {  	s31 =	spop (v2sf);
	p1 =	por !p3, !p1  }
0x1e8: {  	(v2sf) =	vpush v63, $0xF;
	p4 =	seq.s32 s31, s20;
	p1 =	por !p1, !p1  }
0x1e9: {  	s23 =	spop (v2sf);
	p1 =	por !p4, !p1  }
0x1ea: {  	p5 =	seq.s32 s23, s20;
	p1 =	por !p1, !p1  }
0x1eb: {  	s24 =	spop (v2sf);
	p1 =	por !p5, !p1  }
0x1ec: {  	p6 =	seq.s32 s24, s20;
	p1 =	por !p1, !p1  }
0x1ed: {  	s25 =	spop (v2sf);
	p1 =	por !p6, !p1  }
0x1ee: {  	p3 =	seq.s32 s25, s20;
	p1 =	por !p1, !p1  }
0x1ef: {  	s26 =	spop (v2sf);
	p1 =	por !p3, !p1  }
0x1f0: {  	p4 =	seq.s32 s26, s20;
	p1 =	por !p1, !p1  }
0x1f1: {  	s28 =	spop (v2sf);
	p1 =	por !p4, !p1  }
0x1f2: {  	p5 =	seq.s32 s28, s20;
	p1 =	por !p1, !p1  }
0x1f3: {  	s29 =	spop (v2sf);
	p1 =	por !p5, !p1  }
0x1f4: {  	p6 =	seq.s32 s29, s20;
	p1 =	por !p1, !p1  }
0x1f5: {  	s30 =	spop (v2sf);
	p1 =	por !p6, !p1  }
0x1f6: {  	p3 =	seq.s32 s30, s20;
	p1 =	por !p1, !p1  }
0x1f7: {  	s31 =	spop (v2sf);
	p1 =	por !p3, !p1  }
0x1f8: {  	p4 =	seq.s32 s31, s20;
	p1 =	por !p1, !p1  }
0x1f9: {  	s19 =	smov.u32 @p0 s21;
	p5 =	por !p4, !p1  }
0x1fa: {  	p6 =	seq.s32 s20, s19;
	p0 =	por !p5, !p5  }
0x1fb: {  	p1 =	por !p0, p6  }
0x1fc: {  	v0 =	vld.msk @!p1 [tilespmem:$0x50], $0xff;
	_ =	sdelay $0x4  }
0x1fd: {  	v0 =	vmul.u32 @!p1 $0x1800, v0  }
0x1fe: {  	v1 =	vlaneseq.u32 @!p1  }
0x1ff: {  	v0 =	vperm.xlane @!p1 v0, v1;
	_ =	sdelay $0x4  }
0x200: {  	vm0 =	vmmov @!p1 $0xff;
	s19 =	simm.s32 @!p1 $0x0;
	s20 =	simm.s32 @!p1 $0x80  }
0x201: {  	[tilespmem:s20], [sflag:$0x1] =	stream.indirect_vreg.gather @!p1 [hbm4b:s2+s19], $0x1800, v0, vm0, $0x38;
	[tilespmem:$0x18080] =	vst v63  }
0x202: {  	s19 =	simm.s32 @!p1 $0x1  }
0x203: {  	_ =	swait.ge @!p1 [sflag:s19], $0xC000  }
0x204: {  	[sflag:s19] =	ssyncset.done @!p1 $0x0  }
0x205: {  	[sflag:s19] =	ssyncadd.s32 @!p1 $0xFFFF4000  }
0x206: {  	v0 =	vld.msk @!p0 [tilespmem:$0x50], $0xff;
	_ =	sdelay $0x4  }
0x207: {  	v0 =	vmul.u32 @!p0 $0x1800, v0  }
0x208: {  	v1 =	vlaneseq.u32 @!p0  }
0x209: {  	v0 =	vperm.xlane @!p0 v0, v1;
	_ =	sdelay $0x4  }
0x20a: {  	s21 =	simm.s32 @!p0 $0x1;
	vm0 =	vmmov @!p0 $0xff;
	s20 =	simm.s32 @!p0 $0xC080;
	s19 =	simm.s32 @!p0 $0x0  }
0x20b: {  	[tilespmem:s20], [sflag:$0x1] =	stream.indirect_vreg.gather @!p0 [hbm4b:s2+s19], $0x1800, v0, vm0, $0x38;
	[tilespmem:$0x18080] =	vst v63  }
0x20c: {  	_ =	swait.ge @!p0 [sflag:s21], $0xC000  }
0x20d: {  	[sflag:s21] =	ssyncset.done @!p0 $0x0  }
0x20e: {  	s22 =	simm.s32 @!p0 $0x2;
	[sflag:s21] =	ssyncadd.s32 @!p0 $0xFFFF4000  }
0x20f: {  	[hbm4b:s14+s19] =	stream.linear.scatter @!p0 [tilespmem:s20], [sflag:$0x2], $0xC000, $0x38;
	[tilespmem:$0x18080] =	vst v63  }
0x210: {  	_ =	swait.ge @!p0 [sflag:s22], $0xC000  }
0x211: {  	[sflag:s22] =	ssyncset.done @!p0 $0x0  }
0x212: {  	[sflag:s22] =	ssyncadd.s32 @!p0 $0xFFFF4000  }
0x213: {  	v0 =	vld.msk @!p0 [tilespmem:$0x58], $0xff;
	_ =	sdelay $0x4  }
0x214: {  	v0 =	vmul.u32 @!p0 $0x1800, v0;
	_ =	sdelay $0x1  }
0x215: {  	v0 =	vperm.xlane @!p0 v0, v1;
	_ =	sdelay $0x5  }
0x216: {  	[tilespmem:s20], [sflag:$0x1] =	stream.indirect_vreg.gather @!p0 [hbm4b:s2+s19], $0x1800, v0, vm0, $0x38;
	[tilespmem:$0x18080] =	vst v63  }
0x217: {  	_ =	swait.ge @!p0 [sflag:s21], $0xC000  }
0x218: {  	[sflag:s21] =	ssyncset.done @!p0 $0x0  }
0x219: {  	[sflag:s21] =	ssyncadd.s32 @!p0 $0xFFFF4000  }
0x21a: {  	[hbm4b:s15+s19] =	stream.linear.scatter @!p0 [tilespmem:s20], [sflag:$0x2], $0xC000, $0x38;
	[tilespmem:$0x18080] =	vst v63  }
0x21b: {  	s19 =	simm.s32 @p0 $0x0;
	s20 =	simm.s32 @p0 $0x80  }
0x21c: {  	[hbm4b:s14+s19] =	stream.linear.scatter @p0 [tilespmem:s20], [sflag:$0x2], $0xC000, $0x38;
	[tilespmem:$0x18080] =	vst v63  }
0x21d: {  	_ = 	snop  }
0x21e: {  	[hbm4b:s15+s19] =	stream.linear.scatter @p0 [tilespmem:s20], [sflag:$0x2], $0xC000, $0x38;
	[tilespmem:$0x18080] =	vst v63  }
0x21f: {  	s19 =	simm.s32 @p0 $0x2  }
0x220: {  	_ =	swait.ge @p0 [sflag:s19], $0xC000  }
0x221: {  	s16 =	sadd.s32 $0xFFFFFFFF, s16;
	[sflag:s19] =	ssyncset.done @p0 $0x0  }
0x222: {  	[sflag:s19] =	ssyncadd.s32 @p0 $0xFFFF4000;
	p0 =	sne.s32 s16, $0x0  }
.Ltmp0:
0x223: {  	_ = 	snop;
	(pc) =	sbr.rel @p0 .LBB2_1-.Ltmp0, $4  }
0x224: {  	_ = 	snop  }
0x225: {  	_ =	swait.ge [sflag:s18], $0xC000  }
0x226: {  	[sflag:s18] =	ssyncset.done $0x0  }
0x227: {  	[sflag:s18] =	ssyncadd.s32 $0xFFFF4000  }
0x228: {  	_ =	sfence.sel $0x180000  }
0x229: {  	[bflag:$0x0] =	sbarrier.arrive $0xFFFF  }
0x22a: {  	p0 =	sne.s32 s0, $0x0;
	_ =	strace $0x90000047  }
0x22b: {  	s0 =	sadd.s32 @!p0 $0x100000, s1;
	[bflag:$0x2] =	sbarrier.arrive $0xFFFF  }
0x22c: {  	[sflag:s0] =	ssyncadd.tile.s32 @!p0 $0x1;
	_ =	shalt  }
.Lfunc_end2:
_tile_overlayer_lowered:
.L_overlay_start_2:
0x22d: {  	(tag) =	ssettag $0x2  }
0x22e: {  	s0 =	rddreg [dreg:$0x0];
	s2 =	stileid.u32  }
0x22f: {  	s1 =	rddreg [dreg:$0x1];
	p0 =	sne.s32 s2, $0x0  }
0x230: {  	s3 =	rddreg [dreg:$0x2];
	[bflag:$0x3] =	sbarrier.arrive $0xFFFF;
	s2 =	simm.s32 @!p0 $0x1C03  }
0x231: {  	[timem:s3], [sflag:s2] =	dma.local @!p0 [hbm:s0], s1  }
0x232: {  	s0 =	simm.s32 @!p0 $0x3  }
0x233: {  	_ =	swait.ge @!p0 [sflag:s0], s1  }
0x234: {  	s1 =	ssub.s32 @!p0 $0x0, s1;
	[sflag:s0] =	ssyncset.done @!p0 $0x0  }
0x235: {  	[sflag:s0] =	ssyncadd.s32 @!p0 s1  }
0x236: {  	[bflag:$0x3] =	sbarrier.arrive $0xFFFF  }
0x237: {  	_ =	shalt  }

</sc_bundles>
